<compile_context>
chip_gen: v7x
topology: tpu7x:2x2x1
jax: 0.10.2.dev20260603
libtpu: 0.0.44.dev20260713+nightly
codegen_flags: <defaults>
</compile_context>

<pallas_src>
import functools

import jax
import jax.numpy as jnp
from jax import lax
from jax.experimental import pallas as pl
from jax.experimental.pallas import tpu as pltpu
from jax.experimental.pallas import tpu_sc as plsc

ROWS, COLS = 4096, 200
VOCAB = 1000000
D = 64
SCALE = 8.0
NC, NS = 2, 16
NW = NC * NS
K = 128
NIB = ROWS // K
NCHUNK = COLS * NIB
CPW = NCHUNK // NW
NBUF = 4
L = 16


def _emb_body(idx_hbm, table_hbm, out_hbm, idx_v, rows_v, tbuf_v, gsem, osem):
    wid = lax.axis_index("s") * NC + lax.axis_index("c")

    pltpu.sync_copy(idx_hbm.at[wid], idx_v)

    for b in range(NBUF):
        pltpu.async_copy(
            table_hbm.at[idx_v.at[b]], rows_v.at[pl.ds(b * K, K), pl.ds(0, D)], gsem.at[b]
        )

    lane = lax.iota(jnp.int32, L)
    row_c = [
        [jnp.full((L,), b * 8, jnp.int32) + (lane + kq * L) // 8
         for kq in range(D // L)]
        for b in range(NBUF)
    ]
    kl_c = [lax.rem(lane + kq * L, 8) for kq in range(D // L)]

    def outer(g, carry):
        for b in range(NBUF):
            c = g * NBUF + b
            m = wid * CPW + c
            j = m // NIB
            iblk = m % NIB
            pltpu.make_async_copy(
                table_hbm.at[idx_v.at[0]], rows_v.at[pl.ds(b * K, K), pl.ds(0, D)],
                gsem.at[b],
            ).wait()

            @pl.when(g > 0)
            def _():
                pltpu.make_async_copy(
                    tbuf_v.at[pl.ds(b * 8, 8), :, pl.ds(0, K)],
                    out_hbm.at[0, :, 0],
                    osem.at[b],
                ).wait()

            @plsc.parallel_loop(0, K, unroll=8)
            def _(t):
                t_idx = lane * 0 + t
                for kq in range(D // L):
                    vals = rows_v[b * K + t, pl.ds(kq * L, L)] * SCALE
                    plsc.store_scatter(
                        tbuf_v, [row_c[b][kq], kl_c[kq], t_idx], vals
                    )

            pltpu.async_copy(
                tbuf_v.at[pl.ds(b * 8, 8), :, pl.ds(0, K)],
                out_hbm.at[j, :, iblk],
                osem.at[b],
            )

            cn = c + NBUF

            @pl.when(cn < CPW)
            def _():
                pltpu.async_copy(
                    table_hbm.at[idx_v.at[cn]], rows_v.at[pl.ds(b * K, K), pl.ds(0, D)],
                    gsem.at[b],
                )

        return carry

    lax.fori_loop(0, CPW // NBUF, outer, 0)

    for b in range(NBUF):
        pltpu.make_async_copy(
            tbuf_v.at[pl.ds(b * 8, 8), :, pl.ds(0, K)],
            out_hbm.at[0, :, 0],
            osem.at[b],
        ).wait()


@jax.jit
def _embed(idx, table):
    mesh = plsc.VectorSubcoreMesh(
        core_axis_name="c", subcore_axis_name="s", num_cores=NC, num_subcores=NS
    )
    fn = pl.kernel(
        _emb_body,
        out_type=jax.ShapeDtypeStruct((COLS, D // 8, NIB, 8, K), jnp.float32),
        mesh=mesh,
        compiler_params=pltpu.CompilerParams(use_tc_tiling_on_sc=False, needs_layout_passes=False),
        scratch_types=[
            pltpu.VMEM((CPW, K), jnp.int32),
            pltpu.VMEM((NBUF * K, D), jnp.float32),
            pltpu.VMEM((NBUF * D // 8, 8, K + 1), jnp.float32),
            pltpu.SemaphoreType.DMA((NBUF,)),
            pltpu.SemaphoreType.DMA((NBUF,)),
        ],
    )
    return fn(idx, table)


def kernel(tokens, table):
    idx = tokens.T.reshape(NW, CPW, K)
    out5 = _embed(idx, table)
    return jnp.transpose(out5, (2, 4, 0, 1, 3)).reshape(ROWS, COLS, D)

# --- scband reference (transcript-rebuilt; emitter-appended) ---
"""Pipeline reference for scband-token-embedding-16569983828669 (READ-ONLY COPY).

The authoritative reference and input builder live on the scoring server;
editing this copy changes nothing except your own understanding.
"""

import jax, jax.numpy as jnp
import numpy as np
import math

PAD_IDX = 0
VOCAB_SIZE = 1000000
N_EMBED = 64

def setup_inputs(seed: int = 0) -> dict:
    key = jax.random.key(seed)
    k_tok, k_tab = jax.random.split(key)
    tokens = jax.random.randint(k_tok, (4096, 200), 0, VOCAB_SIZE, dtype=jnp.int64 if jax.config.jax_enable_x64 else jnp.int32).astype(jnp.int32)
    table = jax.random.normal(k_tab, (VOCAB_SIZE, N_EMBED), dtype=jnp.float32)
    # nn.Embedding with padding_idx zeros that row at init
    table = table.at[PAD_IDX].set(0.0)
    return {"tokens": tokens, "table": table}

def reference(tokens, table):
    # embedding lookup (gather) then scale by sqrt(n_embed)
    emb = jnp.take(table, tokens, axis=0)
    return emb * math.sqrt(N_EMBED)

if __name__ == "__main__":
    import jax
    _d = setup_inputs()
    print(jax.jit(kernel)(*tuple(_d.values())))

</pallas_src>

<mosaic_0001>
#map = affine_map<(d0, d1) -> (0, 0, 0)>
#map1 = affine_map<(d0, d1) -> (0, 0)>
#map2 = affine_map<(d0, d1) -> (0, 0, 0, 0, 0)>
module attributes {stable_mosaic.version = 14 : i64} {
  func.func @_emb_body(%arg0: i32, %arg1: i32, %arg2: memref<32x200x128xi32, #tpu.memory_space<hbm>>, %arg3: memref<1000000x64xf32, #tpu.memory_space<hbm>>, %arg4: memref<200x8x32x8x128xf32, #tpu.memory_space<hbm>>, %arg5: memref<200x128xi32, #tpu.memory_space<vmem>>, %arg6: memref<512x64xf32, #tpu.memory_space<vmem>>, %arg7: memref<32x8x129xf32, #tpu.memory_space<vmem>>, %arg8: memref<4x!tpu.dma_semaphore, #tpu.memory_space<semaphore_mem>>, %arg9: memref<4x!tpu.dma_semaphore, #tpu.memory_space<semaphore_mem>>) attributes {dimension_semantics = [#tpu.dimension_semantics<core_parallel>, #tpu.dimension_semantics<subcore_parallel>], iteration_bounds = array<i64: 2, 16>, scalar_prefetch = 0 : i64, scratch_operands = 5 : i64, tpu.core_type = #tpu.core_type<sc_vector_subcore>, window_params = [{transform_indices = #map}, {transform_indices = #map1}, {transform_indices = #map2}]} {
    %mul3A = arith.constant 2 : i32
    %mul3A_0 = arith.muli %arg1, %mul3A : i32
    %add3A = arith.addi %mul3A_0, %arg0 : i32
    "tpu.region"() ({
      %run_scoped3A = tpu.sem_alloc : memref<!tpu.dma_semaphore, #tpu.memory_space<semaphore_mem>>
      %dma_start3A_755 = arith.constant 0 : i32
      %dma_start3A_756 = arith.constant 0 : i32
      %dma_start3A_757 = tpu.memref_slice %arg2[%add3A, %dma_start3A_755, %dma_start3A_756] : memref<32x200x128xi32, #tpu.memory_space<hbm>> -> memref<1x200x128xi32, #tpu.memory_space<hbm>>
      %dma_start3A_758 = tpu.memref_squeeze %dma_start3A_757 : memref<1x200x128xi32, #tpu.memory_space<hbm>> -> memref<200x128xi32, #tpu.memory_space<hbm>>
      %dma_start3A_759 = arith.constant 0 : i32
      %dma_start3A_760 = arith.constant 0 : i32
      %dma_start3A_761 = tpu.memref_slice %arg2[%add3A, %dma_start3A_759, %dma_start3A_760] : memref<32x200x128xi32, #tpu.memory_space<hbm>> -> memref<1x200x128xi32, #tpu.memory_space<hbm>>
      %dma_start3A_762 = tpu.memref_squeeze %dma_start3A_761 : memref<1x200x128xi32, #tpu.memory_space<hbm>> -> memref<200x128xi32, #tpu.memory_space<hbm>>
      tpu.enqueue_dma source(%dma_start3A_762 : memref<200x128xi32, #tpu.memory_space<hbm>>) target(%arg5 : memref<200x128xi32, #tpu.memory_space<vmem>>) target_semaphore(%run_scoped3A : memref<!tpu.dma_semaphore, #tpu.memory_space<semaphore_mem>>)
      %dma_wait3A_763 = arith.constant 0 : i32
      %dma_wait3A_764 = arith.constant 0 : i32
      %dma_wait3A_765 = tpu.memref_slice %arg2[%add3A, %dma_wait3A_763, %dma_wait3A_764] : memref<32x200x128xi32, #tpu.memory_space<hbm>> -> memref<1x200x128xi32, #tpu.memory_space<hbm>>
      %dma_wait3A_766 = tpu.memref_squeeze %dma_wait3A_765 : memref<1x200x128xi32, #tpu.memory_space<hbm>> -> memref<200x128xi32, #tpu.memory_space<hbm>>
      %dma_wait3A_767 = arith.constant 0 : i32
      %dma_wait3A_768 = arith.constant 0 : i32
      %dma_wait3A_769 = tpu.memref_slice %arg2[%add3A, %dma_wait3A_767, %dma_wait3A_768] : memref<32x200x128xi32, #tpu.memory_space<hbm>> -> memref<1x200x128xi32, #tpu.memory_space<hbm>>
      %dma_wait3A_770 = tpu.memref_squeeze %dma_wait3A_769 : memref<1x200x128xi32, #tpu.memory_space<hbm>> -> memref<200x128xi32, #tpu.memory_space<hbm>>
      tpu.wait_dma2 semaphore(%run_scoped3A : memref<!tpu.dma_semaphore, #tpu.memory_space<semaphore_mem>>) src(%dma_wait3A_770 : memref<200x128xi32, #tpu.memory_space<hbm>>) dst(%arg5 : memref<200x128xi32, #tpu.memory_space<vmem>>)
      tpu.yield
    }) : () -> ()
    %dma_start3A = arith.constant 0 : i32
    %dma_start3A_1 = arith.constant 0 : i32
    %dma_start3A_2 = arith.constant 0 : i32
    %dma_start3A_3 = arith.constant 0 : i32
    %dma_start3A_4 = tpu.memref_slice %arg6[%dma_start3A_2, %dma_start3A_3] : memref<512x64xf32, #tpu.memory_space<vmem>> -> memref<128x64xf32, #tpu.memory_space<vmem>>
    %dma_start3A_5 = arith.constant 0 : i32
    %dma_start3A_6 = tpu.memref_slice %arg5[%dma_start3A, %dma_start3A_5] : memref<200x128xi32, #tpu.memory_space<vmem>> -> memref<1x128xi32, #tpu.memory_space<vmem>>
    %dma_start3A_7 = tpu.memref_squeeze %dma_start3A_6 : memref<1x128xi32, #tpu.memory_space<vmem>> -> memref<128xi32, #tpu.memory_space<vmem>>
    %dma_start3A_8 = arith.constant 0 : i32
    %dma_start3A_9 = arith.constant 0 : i32
    %dma_start3A_10 = tpu.memref_slice %arg3[%dma_start3A_8, %dma_start3A_9] : memref<1000000x64xf32, #tpu.memory_space<hbm>> -> memref<1000000x64xf32, #tpu.memory_space<hbm>>
    %dma_start3A_11 = tpu.memref_slice %arg8[%dma_start3A_1] : memref<4x!tpu.dma_semaphore, #tpu.memory_space<semaphore_mem>> -> memref<1x!tpu.dma_semaphore, #tpu.memory_space<semaphore_mem>>
    %dma_start3A_12 = tpu.memref_squeeze %dma_start3A_11 : memref<1x!tpu.dma_semaphore, #tpu.memory_space<semaphore_mem>> -> memref<!tpu.dma_semaphore, #tpu.memory_space<semaphore_mem>>
    tpu.enqueue_indirect_dma source(%dma_start3A_10 : memref<1000000x64xf32, #tpu.memory_space<hbm>>) target(%dma_start3A_4 : memref<128x64xf32, #tpu.memory_space<vmem>>) offsets(%dma_start3A_7 : memref<128xi32, #tpu.memory_space<vmem>>) semaphore(%dma_start3A_12 : memref<!tpu.dma_semaphore, #tpu.memory_space<semaphore_mem>>)
    %dma_start3A_13 = arith.constant 1 : i32
    %dma_start3A_14 = arith.constant 1 : i32
    %dma_start3A_15 = arith.constant 128 : i32
    %dma_start3A_16 = arith.constant 0 : i32
    %dma_start3A_17 = tpu.memref_slice %arg6[%dma_start3A_15, %dma_start3A_16] : memref<512x64xf32, #tpu.memory_space<vmem>> -> memref<128x64xf32, #tpu.memory_space<vmem>>
    %dma_start3A_18 = arith.constant 0 : i32
    %dma_start3A_19 = tpu.memref_slice %arg5[%dma_start3A_13, %dma_start3A_18] : memref<200x128xi32, #tpu.memory_space<vmem>> -> memref<1x128xi32, #tpu.memory_space<vmem>>
    %dma_start3A_20 = tpu.memref_squeeze %dma_start3A_19 : memref<1x128xi32, #tpu.memory_space<vmem>> -> memref<128xi32, #tpu.memory_space<vmem>>
    %dma_start3A_21 = arith.constant 0 : i32
    %dma_start3A_22 = arith.constant 0 : i32
    %dma_start3A_23 = tpu.memref_slice %arg3[%dma_start3A_21, %dma_start3A_22] : memref<1000000x64xf32, #tpu.memory_space<hbm>> -> memref<1000000x64xf32, #tpu.memory_space<hbm>>
    %dma_start3A_24 = tpu.memref_slice %arg8[%dma_start3A_14] : memref<4x!tpu.dma_semaphore, #tpu.memory_space<semaphore_mem>> -> memref<1x!tpu.dma_semaphore, #tpu.memory_space<semaphore_mem>>
    %dma_start3A_25 = tpu.memref_squeeze %dma_start3A_24 : memref<1x!tpu.dma_semaphore, #tpu.memory_space<semaphore_mem>> -> memref<!tpu.dma_semaphore, #tpu.memory_space<semaphore_mem>>
    tpu.enqueue_indirect_dma source(%dma_start3A_23 : memref<1000000x64xf32, #tpu.memory_space<hbm>>) target(%dma_start3A_17 : memref<128x64xf32, #tpu.memory_space<vmem>>) offsets(%dma_start3A_20 : memref<128xi32, #tpu.memory_space<vmem>>) semaphore(%dma_start3A_25 : memref<!tpu.dma_semaphore, #tpu.memory_space<semaphore_mem>>)
    %dma_start3A_26 = arith.constant 2 : i32
    %dma_start3A_27 = arith.constant 2 : i32
    %dma_start3A_28 = arith.constant 256 : i32
    %dma_start3A_29 = arith.constant 0 : i32
    %dma_start3A_30 = tpu.memref_slice %arg6[%dma_start3A_28, %dma_start3A_29] : memref<512x64xf32, #tpu.memory_space<vmem>> -> memref<128x64xf32, #tpu.memory_space<vmem>>
    %dma_start3A_31 = arith.constant 0 : i32
    %dma_start3A_32 = tpu.memref_slice %arg5[%dma_start3A_26, %dma_start3A_31] : memref<200x128xi32, #tpu.memory_space<vmem>> -> memref<1x128xi32, #tpu.memory_space<vmem>>
    %dma_start3A_33 = tpu.memref_squeeze %dma_start3A_32 : memref<1x128xi32, #tpu.memory_space<vmem>> -> memref<128xi32, #tpu.memory_space<vmem>>
    %dma_start3A_34 = arith.constant 0 : i32
    %dma_start3A_35 = arith.constant 0 : i32
    %dma_start3A_36 = tpu.memref_slice %arg3[%dma_start3A_34, %dma_start3A_35] : memref<1000000x64xf32, #tpu.memory_space<hbm>> -> memref<1000000x64xf32, #tpu.memory_space<hbm>>
    %dma_start3A_37 = tpu.memref_slice %arg8[%dma_start3A_27] : memref<4x!tpu.dma_semaphore, #tpu.memory_space<semaphore_mem>> -> memref<1x!tpu.dma_semaphore, #tpu.memory_space<semaphore_mem>>
    %dma_start3A_38 = tpu.memref_squeeze %dma_start3A_37 : memref<1x!tpu.dma_semaphore, #tpu.memory_space<semaphore_mem>> -> memref<!tpu.dma_semaphore, #tpu.memory_space<semaphore_mem>>
    tpu.enqueue_indirect_dma source(%dma_start3A_36 : memref<1000000x64xf32, #tpu.memory_space<hbm>>) target(%dma_start3A_30 : memref<128x64xf32, #tpu.memory_space<vmem>>) offsets(%dma_start3A_33 : memref<128xi32, #tpu.memory_space<vmem>>) semaphore(%dma_start3A_38 : memref<!tpu.dma_semaphore, #tpu.memory_space<semaphore_mem>>)
    %dma_start3A_39 = arith.constant 3 : i32
    %dma_start3A_40 = arith.constant 3 : i32
    %dma_start3A_41 = arith.constant 384 : i32
    %dma_start3A_42 = arith.constant 0 : i32
    %dma_start3A_43 = tpu.memref_slice %arg6[%dma_start3A_41, %dma_start3A_42] : memref<512x64xf32, #tpu.memory_space<vmem>> -> memref<128x64xf32, #tpu.memory_space<vmem>>
    %dma_start3A_44 = arith.constant 0 : i32
    %dma_start3A_45 = tpu.memref_slice %arg5[%dma_start3A_39, %dma_start3A_44] : memref<200x128xi32, #tpu.memory_space<vmem>> -> memref<1x128xi32, #tpu.memory_space<vmem>>
    %dma_start3A_46 = tpu.memref_squeeze %dma_start3A_45 : memref<1x128xi32, #tpu.memory_space<vmem>> -> memref<128xi32, #tpu.memory_space<vmem>>
    %dma_start3A_47 = arith.constant 0 : i32
    %dma_start3A_48 = arith.constant 0 : i32
    %dma_start3A_49 = tpu.memref_slice %arg3[%dma_start3A_47, %dma_start3A_48] : memref<1000000x64xf32, #tpu.memory_space<hbm>> -> memref<1000000x64xf32, #tpu.memory_space<hbm>>
    %dma_start3A_50 = tpu.memref_slice %arg8[%dma_start3A_40] : memref<4x!tpu.dma_semaphore, #tpu.memory_space<semaphore_mem>> -> memref<1x!tpu.dma_semaphore, #tpu.memory_space<semaphore_mem>>
    %dma_start3A_51 = tpu.memref_squeeze %dma_start3A_50 : memref<1x!tpu.dma_semaphore, #tpu.memory_space<semaphore_mem>> -> memref<!tpu.dma_semaphore, #tpu.memory_space<semaphore_mem>>
    tpu.enqueue_indirect_dma source(%dma_start3A_49 : memref<1000000x64xf32, #tpu.memory_space<hbm>>) target(%dma_start3A_43 : memref<128x64xf32, #tpu.memory_space<vmem>>) offsets(%dma_start3A_46 : memref<128xi32, #tpu.memory_space<vmem>>) semaphore(%dma_start3A_51 : memref<!tpu.dma_semaphore, #tpu.memory_space<semaphore_mem>>)
    %iota3A = tpu.iota {dimensions = array<i32: 0>} : vector<16xi32>
    %broadcast_in_dim3A = arith.constant 0 : i32
    %broadcast_in_dim3A_52 = vector.broadcast %broadcast_in_dim3A : i32 to vector<16xi32>
    %add3A_53 = arith.constant 0 : i32
    %add3A_54 = vector.broadcast %add3A_53 : i32 to vector<16xi32>
    %add3A_55 = arith.addi %iota3A, %add3A_54 : vector<16xi32>
    %jit3A = arith.constant 8 : i32
    %div3A = vector.broadcast %jit3A : i32 to vector<16xi32>
    %div3A_56 = arith.divsi %add3A_55, %div3A : vector<16xi32>
    %sign3A = arith.constant 0 : i32
    %sign3A_57 = vector.broadcast %sign3A : i32 to vector<16xi32>
    %sign3A_58 = arith.cmpi sgt, %add3A_55, %sign3A_57 : vector<16xi32>
    %sign3A_59 = arith.extui %sign3A_58 : vector<16xi1> to vector<16xi32>
    %sign3A_60 = arith.constant 0 : i32
    %sign3A_61 = vector.broadcast %sign3A_60 : i32 to vector<16xi32>
    %sign3A_62 = arith.cmpi slt, %add3A_55, %sign3A_61 : vector<16xi32>
    %sign3A_63 = arith.extui %sign3A_62 : vector<16xi1> to vector<16xi32>
    %sign3A_64 = arith.subi %sign3A_59, %sign3A_63 : vector<16xi32>
    %sign3A_65 = arith.constant 0 : i32
    %sign3A_66 = arith.cmpi sgt, %jit3A, %sign3A_65 : i32
    %sign3A_67 = arith.extui %sign3A_66 : i1 to i32
    %sign3A_68 = arith.constant 0 : i32
    %sign3A_69 = arith.cmpi slt, %jit3A, %sign3A_68 : i32
    %sign3A_70 = arith.extui %sign3A_69 : i1 to i32
    %sign3A_71 = arith.subi %sign3A_67, %sign3A_70 : i32
    %ne3A = vector.broadcast %sign3A_71 : i32 to vector<16xi32>
    %ne3A_72 = arith.cmpi ne, %sign3A_64, %ne3A : vector<16xi32>
    %rem3A = vector.broadcast %jit3A : i32 to vector<16xi32>
    %rem3A_73 = arith.remsi %add3A_55, %rem3A : vector<16xi32>
    %ne3A_74 = arith.constant 0 : i32
    %ne3A_75 = vector.broadcast %ne3A_74 : i32 to vector<16xi32>
    %ne3A_76 = arith.cmpi ne, %rem3A_73, %ne3A_75 : vector<16xi32>
    %and3A = arith.andi %ne3A_72, %ne3A_76 : vector<16xi1>
    %sub3A = arith.constant 1 : i32
    %sub3A_77 = vector.broadcast %sub3A : i32 to vector<16xi32>
    %sub3A_78 = arith.subi %div3A_56, %sub3A_77 : vector<16xi32>
    %select_n3A = arith.select %and3A, %sub3A_78, %div3A_56 : vector<16xi1>, vector<16xi32>
    %add3A_79 = arith.addi %broadcast_in_dim3A_52, %select_n3A : vector<16xi32>
    %broadcast_in_dim3A_80 = arith.constant 0 : i32
    %broadcast_in_dim3A_81 = vector.broadcast %broadcast_in_dim3A_80 : i32 to vector<16xi32>
    %add3A_82 = arith.constant 16 : i32
    %add3A_83 = vector.broadcast %add3A_82 : i32 to vector<16xi32>
    %add3A_84 = arith.addi %iota3A, %add3A_83 : vector<16xi32>
    %jit3A_85 = arith.constant 8 : i32
    %div3A_86 = vector.broadcast %jit3A_85 : i32 to vector<16xi32>
    %div3A_87 = arith.divsi %add3A_84, %div3A_86 : vector<16xi32>
    %sign3A_88 = arith.constant 0 : i32
    %sign3A_89 = vector.broadcast %sign3A_88 : i32 to vector<16xi32>
    %sign3A_90 = arith.cmpi sgt, %add3A_84, %sign3A_89 : vector<16xi32>
    %sign3A_91 = arith.extui %sign3A_90 : vector<16xi1> to vector<16xi32>
    %sign3A_92 = arith.constant 0 : i32
    %sign3A_93 = vector.broadcast %sign3A_92 : i32 to vector<16xi32>
    %sign3A_94 = arith.cmpi slt, %add3A_84, %sign3A_93 : vector<16xi32>
    %sign3A_95 = arith.extui %sign3A_94 : vector<16xi1> to vector<16xi32>
    %sign3A_96 = arith.subi %sign3A_91, %sign3A_95 : vector<16xi32>
    %sign3A_97 = arith.constant 0 : i32
    %sign3A_98 = arith.cmpi sgt, %jit3A_85, %sign3A_97 : i32
    %sign3A_99 = arith.extui %sign3A_98 : i1 to i32
    %sign3A_100 = arith.constant 0 : i32
    %sign3A_101 = arith.cmpi slt, %jit3A_85, %sign3A_100 : i32
    %sign3A_102 = arith.extui %sign3A_101 : i1 to i32
    %sign3A_103 = arith.subi %sign3A_99, %sign3A_102 : i32
    %ne3A_104 = vector.broadcast %sign3A_103 : i32 to vector<16xi32>
    %ne3A_105 = arith.cmpi ne, %sign3A_96, %ne3A_104 : vector<16xi32>
    %rem3A_106 = vector.broadcast %jit3A_85 : i32 to vector<16xi32>
    %rem3A_107 = arith.remsi %add3A_84, %rem3A_106 : vector<16xi32>
    %ne3A_108 = arith.constant 0 : i32
    %ne3A_109 = vector.broadcast %ne3A_108 : i32 to vector<16xi32>
    %ne3A_110 = arith.cmpi ne, %rem3A_107, %ne3A_109 : vector<16xi32>
    %and3A_111 = arith.andi %ne3A_105, %ne3A_110 : vector<16xi1>
    %sub3A_112 = arith.constant 1 : i32
    %sub3A_113 = vector.broadcast %sub3A_112 : i32 to vector<16xi32>
    %sub3A_114 = arith.subi %div3A_87, %sub3A_113 : vector<16xi32>
    %select_n3A_115 = arith.select %and3A_111, %sub3A_114, %div3A_87 : vector<16xi1>, vector<16xi32>
    %add3A_116 = arith.addi %broadcast_in_dim3A_81, %select_n3A_115 : vector<16xi32>
    %broadcast_in_dim3A_117 = arith.constant 0 : i32
    %broadcast_in_dim3A_118 = vector.broadcast %broadcast_in_dim3A_117 : i32 to vector<16xi32>
    %add3A_119 = arith.constant 32 : i32
    %add3A_120 = vector.broadcast %add3A_119 : i32 to vector<16xi32>
    %add3A_121 = arith.addi %iota3A, %add3A_120 : vector<16xi32>
    %jit3A_122 = arith.constant 8 : i32
    %div3A_123 = vector.broadcast %jit3A_122 : i32 to vector<16xi32>
    %div3A_124 = arith.divsi %add3A_121, %div3A_123 : vector<16xi32>
    %sign3A_125 = arith.constant 0 : i32
    %sign3A_126 = vector.broadcast %sign3A_125 : i32 to vector<16xi32>
    %sign3A_127 = arith.cmpi sgt, %add3A_121, %sign3A_126 : vector<16xi32>
    %sign3A_128 = arith.extui %sign3A_127 : vector<16xi1> to vector<16xi32>
    %sign3A_129 = arith.constant 0 : i32
    %sign3A_130 = vector.broadcast %sign3A_129 : i32 to vector<16xi32>
    %sign3A_131 = arith.cmpi slt, %add3A_121, %sign3A_130 : vector<16xi32>
    %sign3A_132 = arith.extui %sign3A_131 : vector<16xi1> to vector<16xi32>
    %sign3A_133 = arith.subi %sign3A_128, %sign3A_132 : vector<16xi32>
    %sign3A_134 = arith.constant 0 : i32
    %sign3A_135 = arith.cmpi sgt, %jit3A_122, %sign3A_134 : i32
    %sign3A_136 = arith.extui %sign3A_135 : i1 to i32
    %sign3A_137 = arith.constant 0 : i32
    %sign3A_138 = arith.cmpi slt, %jit3A_122, %sign3A_137 : i32
    %sign3A_139 = arith.extui %sign3A_138 : i1 to i32
    %sign3A_140 = arith.subi %sign3A_136, %sign3A_139 : i32
    %ne3A_141 = vector.broadcast %sign3A_140 : i32 to vector<16xi32>
    %ne3A_142 = arith.cmpi ne, %sign3A_133, %ne3A_141 : vector<16xi32>
    %rem3A_143 = vector.broadcast %jit3A_122 : i32 to vector<16xi32>
    %rem3A_144 = arith.remsi %add3A_121, %rem3A_143 : vector<16xi32>
    %ne3A_145 = arith.constant 0 : i32
    %ne3A_146 = vector.broadcast %ne3A_145 : i32 to vector<16xi32>
    %ne3A_147 = arith.cmpi ne, %rem3A_144, %ne3A_146 : vector<16xi32>
    %and3A_148 = arith.andi %ne3A_142, %ne3A_147 : vector<16xi1>
    %sub3A_149 = arith.constant 1 : i32
    %sub3A_150 = vector.broadcast %sub3A_149 : i32 to vector<16xi32>
    %sub3A_151 = arith.subi %div3A_124, %sub3A_150 : vector<16xi32>
    %select_n3A_152 = arith.select %and3A_148, %sub3A_151, %div3A_124 : vector<16xi1>, vector<16xi32>
    %add3A_153 = arith.addi %broadcast_in_dim3A_118, %select_n3A_152 : vector<16xi32>
    %broadcast_in_dim3A_154 = arith.constant 0 : i32
    %broadcast_in_dim3A_155 = vector.broadcast %broadcast_in_dim3A_154 : i32 to vector<16xi32>
    %add3A_156 = arith.constant 48 : i32
    %add3A_157 = vector.broadcast %add3A_156 : i32 to vector<16xi32>
    %add3A_158 = arith.addi %iota3A, %add3A_157 : vector<16xi32>
    %jit3A_159 = arith.constant 8 : i32
    %div3A_160 = vector.broadcast %jit3A_159 : i32 to vector<16xi32>
    %div3A_161 = arith.divsi %add3A_158, %div3A_160 : vector<16xi32>
    %sign3A_162 = arith.constant 0 : i32
    %sign3A_163 = vector.broadcast %sign3A_162 : i32 to vector<16xi32>
    %sign3A_164 = arith.cmpi sgt, %add3A_158, %sign3A_163 : vector<16xi32>
    %sign3A_165 = arith.extui %sign3A_164 : vector<16xi1> to vector<16xi32>
    %sign3A_166 = arith.constant 0 : i32
    %sign3A_167 = vector.broadcast %sign3A_166 : i32 to vector<16xi32>
    %sign3A_168 = arith.cmpi slt, %add3A_158, %sign3A_167 : vector<16xi32>
    %sign3A_169 = arith.extui %sign3A_168 : vector<16xi1> to vector<16xi32>
    %sign3A_170 = arith.subi %sign3A_165, %sign3A_169 : vector<16xi32>
    %sign3A_171 = arith.constant 0 : i32
    %sign3A_172 = arith.cmpi sgt, %jit3A_159, %sign3A_171 : i32
    %sign3A_173 = arith.extui %sign3A_172 : i1 to i32
    %sign3A_174 = arith.constant 0 : i32
    %sign3A_175 = arith.cmpi slt, %jit3A_159, %sign3A_174 : i32
    %sign3A_176 = arith.extui %sign3A_175 : i1 to i32
    %sign3A_177 = arith.subi %sign3A_173, %sign3A_176 : i32
    %ne3A_178 = vector.broadcast %sign3A_177 : i32 to vector<16xi32>
    %ne3A_179 = arith.cmpi ne, %sign3A_170, %ne3A_178 : vector<16xi32>
    %rem3A_180 = vector.broadcast %jit3A_159 : i32 to vector<16xi32>
    %rem3A_181 = arith.remsi %add3A_158, %rem3A_180 : vector<16xi32>
    %ne3A_182 = arith.constant 0 : i32
    %ne3A_183 = vector.broadcast %ne3A_182 : i32 to vector<16xi32>
    %ne3A_184 = arith.cmpi ne, %rem3A_181, %ne3A_183 : vector<16xi32>
    %and3A_185 = arith.andi %ne3A_179, %ne3A_184 : vector<16xi1>
    %sub3A_186 = arith.constant 1 : i32
    %sub3A_187 = vector.broadcast %sub3A_186 : i32 to vector<16xi32>
    %sub3A_188 = arith.subi %div3A_161, %sub3A_187 : vector<16xi32>
    %select_n3A_189 = arith.select %and3A_185, %sub3A_188, %div3A_161 : vector<16xi1>, vector<16xi32>
    %add3A_190 = arith.addi %broadcast_in_dim3A_155, %select_n3A_189 : vector<16xi32>
    %broadcast_in_dim3A_191 = arith.constant 8 : i32
    %broadcast_in_dim3A_192 = vector.broadcast %broadcast_in_dim3A_191 : i32 to vector<16xi32>
    %add3A_193 = arith.constant 0 : i32
    %add3A_194 = vector.broadcast %add3A_193 : i32 to vector<16xi32>
    %add3A_195 = arith.addi %iota3A, %add3A_194 : vector<16xi32>
    %jit3A_196 = arith.constant 8 : i32
    %div3A_197 = vector.broadcast %jit3A_196 : i32 to vector<16xi32>
    %div3A_198 = arith.divsi %add3A_195, %div3A_197 : vector<16xi32>
    %sign3A_199 = arith.constant 0 : i32
    %sign3A_200 = vector.broadcast %sign3A_199 : i32 to vector<16xi32>
    %sign3A_201 = arith.cmpi sgt, %add3A_195, %sign3A_200 : vector<16xi32>
    %sign3A_202 = arith.extui %sign3A_201 : vector<16xi1> to vector<16xi32>
    %sign3A_203 = arith.constant 0 : i32
    %sign3A_204 = vector.broadcast %sign3A_203 : i32 to vector<16xi32>
    %sign3A_205 = arith.cmpi slt, %add3A_195, %sign3A_204 : vector<16xi32>
    %sign3A_206 = arith.extui %sign3A_205 : vector<16xi1> to vector<16xi32>
    %sign3A_207 = arith.subi %sign3A_202, %sign3A_206 : vector<16xi32>
    %sign3A_208 = arith.constant 0 : i32
    %sign3A_209 = arith.cmpi sgt, %jit3A_196, %sign3A_208 : i32
    %sign3A_210 = arith.extui %sign3A_209 : i1 to i32
    %sign3A_211 = arith.constant 0 : i32
    %sign3A_212 = arith.cmpi slt, %jit3A_196, %sign3A_211 : i32
    %sign3A_213 = arith.extui %sign3A_212 : i1 to i32
    %sign3A_214 = arith.subi %sign3A_210, %sign3A_213 : i32
    %ne3A_215 = vector.broadcast %sign3A_214 : i32 to vector<16xi32>
    %ne3A_216 = arith.cmpi ne, %sign3A_207, %ne3A_215 : vector<16xi32>
    %rem3A_217 = vector.broadcast %jit3A_196 : i32 to vector<16xi32>
    %rem3A_218 = arith.remsi %add3A_195, %rem3A_217 : vector<16xi32>
    %ne3A_219 = arith.constant 0 : i32
    %ne3A_220 = vector.broadcast %ne3A_219 : i32 to vector<16xi32>
    %ne3A_221 = arith.cmpi ne, %rem3A_218, %ne3A_220 : vector<16xi32>
    %and3A_222 = arith.andi %ne3A_216, %ne3A_221 : vector<16xi1>
    %sub3A_223 = arith.constant 1 : i32
    %sub3A_224 = vector.broadcast %sub3A_223 : i32 to vector<16xi32>
    %sub3A_225 = arith.subi %div3A_198, %sub3A_224 : vector<16xi32>
    %select_n3A_226 = arith.select %and3A_222, %sub3A_225, %div3A_198 : vector<16xi1>, vector<16xi32>
    %add3A_227 = arith.addi %broadcast_in_dim3A_192, %select_n3A_226 : vector<16xi32>
    %broadcast_in_dim3A_228 = arith.constant 8 : i32
    %broadcast_in_dim3A_229 = vector.broadcast %broadcast_in_dim3A_228 : i32 to vector<16xi32>
    %add3A_230 = arith.constant 16 : i32
    %add3A_231 = vector.broadcast %add3A_230 : i32 to vector<16xi32>
    %add3A_232 = arith.addi %iota3A, %add3A_231 : vector<16xi32>
    %jit3A_233 = arith.constant 8 : i32
    %div3A_234 = vector.broadcast %jit3A_233 : i32 to vector<16xi32>
    %div3A_235 = arith.divsi %add3A_232, %div3A_234 : vector<16xi32>
    %sign3A_236 = arith.constant 0 : i32
    %sign3A_237 = vector.broadcast %sign3A_236 : i32 to vector<16xi32>
    %sign3A_238 = arith.cmpi sgt, %add3A_232, %sign3A_237 : vector<16xi32>
    %sign3A_239 = arith.extui %sign3A_238 : vector<16xi1> to vector<16xi32>
    %sign3A_240 = arith.constant 0 : i32
    %sign3A_241 = vector.broadcast %sign3A_240 : i32 to vector<16xi32>
    %sign3A_242 = arith.cmpi slt, %add3A_232, %sign3A_241 : vector<16xi32>
    %sign3A_243 = arith.extui %sign3A_242 : vector<16xi1> to vector<16xi32>
    %sign3A_244 = arith.subi %sign3A_239, %sign3A_243 : vector<16xi32>
    %sign3A_245 = arith.constant 0 : i32
    %sign3A_246 = arith.cmpi sgt, %jit3A_233, %sign3A_245 : i32
    %sign3A_247 = arith.extui %sign3A_246 : i1 to i32
    %sign3A_248 = arith.constant 0 : i32
    %sign3A_249 = arith.cmpi slt, %jit3A_233, %sign3A_248 : i32
    %sign3A_250 = arith.extui %sign3A_249 : i1 to i32
    %sign3A_251 = arith.subi %sign3A_247, %sign3A_250 : i32
    %ne3A_252 = vector.broadcast %sign3A_251 : i32 to vector<16xi32>
    %ne3A_253 = arith.cmpi ne, %sign3A_244, %ne3A_252 : vector<16xi32>
    %rem3A_254 = vector.broadcast %jit3A_233 : i32 to vector<16xi32>
    %rem3A_255 = arith.remsi %add3A_232, %rem3A_254 : vector<16xi32>
    %ne3A_256 = arith.constant 0 : i32
    %ne3A_257 = vector.broadcast %ne3A_256 : i32 to vector<16xi32>
    %ne3A_258 = arith.cmpi ne, %rem3A_255, %ne3A_257 : vector<16xi32>
    %and3A_259 = arith.andi %ne3A_253, %ne3A_258 : vector<16xi1>
    %sub3A_260 = arith.constant 1 : i32
    %sub3A_261 = vector.broadcast %sub3A_260 : i32 to vector<16xi32>
    %sub3A_262 = arith.subi %div3A_235, %sub3A_261 : vector<16xi32>
    %select_n3A_263 = arith.select %and3A_259, %sub3A_262, %div3A_235 : vector<16xi1>, vector<16xi32>
    %add3A_264 = arith.addi %broadcast_in_dim3A_229, %select_n3A_263 : vector<16xi32>
    %broadcast_in_dim3A_265 = arith.constant 8 : i32
    %broadcast_in_dim3A_266 = vector.broadcast %broadcast_in_dim3A_265 : i32 to vector<16xi32>
    %add3A_267 = arith.constant 32 : i32
    %add3A_268 = vector.broadcast %add3A_267 : i32 to vector<16xi32>
    %add3A_269 = arith.addi %iota3A, %add3A_268 : vector<16xi32>
    %jit3A_270 = arith.constant 8 : i32
    %div3A_271 = vector.broadcast %jit3A_270 : i32 to vector<16xi32>
    %div3A_272 = arith.divsi %add3A_269, %div3A_271 : vector<16xi32>
    %sign3A_273 = arith.constant 0 : i32
    %sign3A_274 = vector.broadcast %sign3A_273 : i32 to vector<16xi32>
    %sign3A_275 = arith.cmpi sgt, %add3A_269, %sign3A_274 : vector<16xi32>
    %sign3A_276 = arith.extui %sign3A_275 : vector<16xi1> to vector<16xi32>
    %sign3A_277 = arith.constant 0 : i32
    %sign3A_278 = vector.broadcast %sign3A_277 : i32 to vector<16xi32>
    %sign3A_279 = arith.cmpi slt, %add3A_269, %sign3A_278 : vector<16xi32>
    %sign3A_280 = arith.extui %sign3A_279 : vector<16xi1> to vector<16xi32>
    %sign3A_281 = arith.subi %sign3A_276, %sign3A_280 : vector<16xi32>
    %sign3A_282 = arith.constant 0 : i32
    %sign3A_283 = arith.cmpi sgt, %jit3A_270, %sign3A_282 : i32
    %sign3A_284 = arith.extui %sign3A_283 : i1 to i32
    %sign3A_285 = arith.constant 0 : i32
    %sign3A_286 = arith.cmpi slt, %jit3A_270, %sign3A_285 : i32
    %sign3A_287 = arith.extui %sign3A_286 : i1 to i32
    %sign3A_288 = arith.subi %sign3A_284, %sign3A_287 : i32
    %ne3A_289 = vector.broadcast %sign3A_288 : i32 to vector<16xi32>
    %ne3A_290 = arith.cmpi ne, %sign3A_281, %ne3A_289 : vector<16xi32>
    %rem3A_291 = vector.broadcast %jit3A_270 : i32 to vector<16xi32>
    %rem3A_292 = arith.remsi %add3A_269, %rem3A_291 : vector<16xi32>
    %ne3A_293 = arith.constant 0 : i32
    %ne3A_294 = vector.broadcast %ne3A_293 : i32 to vector<16xi32>
    %ne3A_295 = arith.cmpi ne, %rem3A_292, %ne3A_294 : vector<16xi32>
    %and3A_296 = arith.andi %ne3A_290, %ne3A_295 : vector<16xi1>
    %sub3A_297 = arith.constant 1 : i32
    %sub3A_298 = vector.broadcast %sub3A_297 : i32 to vector<16xi32>
    %sub3A_299 = arith.subi %div3A_272, %sub3A_298 : vector<16xi32>
    %select_n3A_300 = arith.select %and3A_296, %sub3A_299, %div3A_272 : vector<16xi1>, vector<16xi32>
    %add3A_301 = arith.addi %broadcast_in_dim3A_266, %select_n3A_300 : vector<16xi32>
    %broadcast_in_dim3A_302 = arith.constant 8 : i32
    %broadcast_in_dim3A_303 = vector.broadcast %broadcast_in_dim3A_302 : i32 to vector<16xi32>
    %add3A_304 = arith.constant 48 : i32
    %add3A_305 = vector.broadcast %add3A_304 : i32 to vector<16xi32>
    %add3A_306 = arith.addi %iota3A, %add3A_305 : vector<16xi32>
    %jit3A_307 = arith.constant 8 : i32
    %div3A_308 = vector.broadcast %jit3A_307 : i32 to vector<16xi32>
    %div3A_309 = arith.divsi %add3A_306, %div3A_308 : vector<16xi32>
    %sign3A_310 = arith.constant 0 : i32
    %sign3A_311 = vector.broadcast %sign3A_310 : i32 to vector<16xi32>
    %sign3A_312 = arith.cmpi sgt, %add3A_306, %sign3A_311 : vector<16xi32>
    %sign3A_313 = arith.extui %sign3A_312 : vector<16xi1> to vector<16xi32>
    %sign3A_314 = arith.constant 0 : i32
    %sign3A_315 = vector.broadcast %sign3A_314 : i32 to vector<16xi32>
    %sign3A_316 = arith.cmpi slt, %add3A_306, %sign3A_315 : vector<16xi32>
    %sign3A_317 = arith.extui %sign3A_316 : vector<16xi1> to vector<16xi32>
    %sign3A_318 = arith.subi %sign3A_313, %sign3A_317 : vector<16xi32>
    %sign3A_319 = arith.constant 0 : i32
    %sign3A_320 = arith.cmpi sgt, %jit3A_307, %sign3A_319 : i32
    %sign3A_321 = arith.extui %sign3A_320 : i1 to i32
    %sign3A_322 = arith.constant 0 : i32
    %sign3A_323 = arith.cmpi slt, %jit3A_307, %sign3A_322 : i32
    %sign3A_324 = arith.extui %sign3A_323 : i1 to i32
    %sign3A_325 = arith.subi %sign3A_321, %sign3A_324 : i32
    %ne3A_326 = vector.broadcast %sign3A_325 : i32 to vector<16xi32>
    %ne3A_327 = arith.cmpi ne, %sign3A_318, %ne3A_326 : vector<16xi32>
    %rem3A_328 = vector.broadcast %jit3A_307 : i32 to vector<16xi32>
    %rem3A_329 = arith.remsi %add3A_306, %rem3A_328 : vector<16xi32>
    %ne3A_330 = arith.constant 0 : i32
    %ne3A_331 = vector.broadcast %ne3A_330 : i32 to vector<16xi32>
    %ne3A_332 = arith.cmpi ne, %rem3A_329, %ne3A_331 : vector<16xi32>
    %and3A_333 = arith.andi %ne3A_327, %ne3A_332 : vector<16xi1>
    %sub3A_334 = arith.constant 1 : i32
    %sub3A_335 = vector.broadcast %sub3A_334 : i32 to vector<16xi32>
    %sub3A_336 = arith.subi %div3A_309, %sub3A_335 : vector<16xi32>
    %select_n3A_337 = arith.select %and3A_333, %sub3A_336, %div3A_309 : vector<16xi1>, vector<16xi32>
    %add3A_338 = arith.addi %broadcast_in_dim3A_303, %select_n3A_337 : vector<16xi32>
    %broadcast_in_dim3A_339 = arith.constant 16 : i32
    %broadcast_in_dim3A_340 = vector.broadcast %broadcast_in_dim3A_339 : i32 to vector<16xi32>
    %add3A_341 = arith.constant 0 : i32
    %add3A_342 = vector.broadcast %add3A_341 : i32 to vector<16xi32>
    %add3A_343 = arith.addi %iota3A, %add3A_342 : vector<16xi32>
    %jit3A_344 = arith.constant 8 : i32
    %div3A_345 = vector.broadcast %jit3A_344 : i32 to vector<16xi32>
    %div3A_346 = arith.divsi %add3A_343, %div3A_345 : vector<16xi32>
    %sign3A_347 = arith.constant 0 : i32
    %sign3A_348 = vector.broadcast %sign3A_347 : i32 to vector<16xi32>
    %sign3A_349 = arith.cmpi sgt, %add3A_343, %sign3A_348 : vector<16xi32>
    %sign3A_350 = arith.extui %sign3A_349 : vector<16xi1> to vector<16xi32>
    %sign3A_351 = arith.constant 0 : i32
    %sign3A_352 = vector.broadcast %sign3A_351 : i32 to vector<16xi32>
    %sign3A_353 = arith.cmpi slt, %add3A_343, %sign3A_352 : vector<16xi32>
    %sign3A_354 = arith.extui %sign3A_353 : vector<16xi1> to vector<16xi32>
    %sign3A_355 = arith.subi %sign3A_350, %sign3A_354 : vector<16xi32>
    %sign3A_356 = arith.constant 0 : i32
    %sign3A_357 = arith.cmpi sgt, %jit3A_344, %sign3A_356 : i32
    %sign3A_358 = arith.extui %sign3A_357 : i1 to i32
    %sign3A_359 = arith.constant 0 : i32
    %sign3A_360 = arith.cmpi slt, %jit3A_344, %sign3A_359 : i32
    %sign3A_361 = arith.extui %sign3A_360 : i1 to i32
    %sign3A_362 = arith.subi %sign3A_358, %sign3A_361 : i32
    %ne3A_363 = vector.broadcast %sign3A_362 : i32 to vector<16xi32>
    %ne3A_364 = arith.cmpi ne, %sign3A_355, %ne3A_363 : vector<16xi32>
    %rem3A_365 = vector.broadcast %jit3A_344 : i32 to vector<16xi32>
    %rem3A_366 = arith.remsi %add3A_343, %rem3A_365 : vector<16xi32>
    %ne3A_367 = arith.constant 0 : i32
    %ne3A_368 = vector.broadcast %ne3A_367 : i32 to vector<16xi32>
    %ne3A_369 = arith.cmpi ne, %rem3A_366, %ne3A_368 : vector<16xi32>
    %and3A_370 = arith.andi %ne3A_364, %ne3A_369 : vector<16xi1>
    %sub3A_371 = arith.constant 1 : i32
    %sub3A_372 = vector.broadcast %sub3A_371 : i32 to vector<16xi32>
    %sub3A_373 = arith.subi %div3A_346, %sub3A_372 : vector<16xi32>
    %select_n3A_374 = arith.select %and3A_370, %sub3A_373, %div3A_346 : vector<16xi1>, vector<16xi32>
    %add3A_375 = arith.addi %broadcast_in_dim3A_340, %select_n3A_374 : vector<16xi32>
    %broadcast_in_dim3A_376 = arith.constant 16 : i32
    %broadcast_in_dim3A_377 = vector.broadcast %broadcast_in_dim3A_376 : i32 to vector<16xi32>
    %add3A_378 = arith.constant 16 : i32
    %add3A_379 = vector.broadcast %add3A_378 : i32 to vector<16xi32>
    %add3A_380 = arith.addi %iota3A, %add3A_379 : vector<16xi32>
    %jit3A_381 = arith.constant 8 : i32
    %div3A_382 = vector.broadcast %jit3A_381 : i32 to vector<16xi32>
    %div3A_383 = arith.divsi %add3A_380, %div3A_382 : vector<16xi32>
    %sign3A_384 = arith.constant 0 : i32
    %sign3A_385 = vector.broadcast %sign3A_384 : i32 to vector<16xi32>
    %sign3A_386 = arith.cmpi sgt, %add3A_380, %sign3A_385 : vector<16xi32>
    %sign3A_387 = arith.extui %sign3A_386 : vector<16xi1> to vector<16xi32>
    %sign3A_388 = arith.constant 0 : i32
    %sign3A_389 = vector.broadcast %sign3A_388 : i32 to vector<16xi32>
    %sign3A_390 = arith.cmpi slt, %add3A_380, %sign3A_389 : vector<16xi32>
    %sign3A_391 = arith.extui %sign3A_390 : vector<16xi1> to vector<16xi32>
    %sign3A_392 = arith.subi %sign3A_387, %sign3A_391 : vector<16xi32>
    %sign3A_393 = arith.constant 0 : i32
    %sign3A_394 = arith.cmpi sgt, %jit3A_381, %sign3A_393 : i32
    %sign3A_395 = arith.extui %sign3A_394 : i1 to i32
    %sign3A_396 = arith.constant 0 : i32
    %sign3A_397 = arith.cmpi slt, %jit3A_381, %sign3A_396 : i32
    %sign3A_398 = arith.extui %sign3A_397 : i1 to i32
    %sign3A_399 = arith.subi %sign3A_395, %sign3A_398 : i32
    %ne3A_400 = vector.broadcast %sign3A_399 : i32 to vector<16xi32>
    %ne3A_401 = arith.cmpi ne, %sign3A_392, %ne3A_400 : vector<16xi32>
    %rem3A_402 = vector.broadcast %jit3A_381 : i32 to vector<16xi32>
    %rem3A_403 = arith.remsi %add3A_380, %rem3A_402 : vector<16xi32>
    %ne3A_404 = arith.constant 0 : i32
    %ne3A_405 = vector.broadcast %ne3A_404 : i32 to vector<16xi32>
    %ne3A_406 = arith.cmpi ne, %rem3A_403, %ne3A_405 : vector<16xi32>
    %and3A_407 = arith.andi %ne3A_401, %ne3A_406 : vector<16xi1>
    %sub3A_408 = arith.constant 1 : i32
    %sub3A_409 = vector.broadcast %sub3A_408 : i32 to vector<16xi32>
    %sub3A_410 = arith.subi %div3A_383, %sub3A_409 : vector<16xi32>
    %select_n3A_411 = arith.select %and3A_407, %sub3A_410, %div3A_383 : vector<16xi1>, vector<16xi32>
    %add3A_412 = arith.addi %broadcast_in_dim3A_377, %select_n3A_411 : vector<16xi32>
    %broadcast_in_dim3A_413 = arith.constant 16 : i32
    %broadcast_in_dim3A_414 = vector.broadcast %broadcast_in_dim3A_413 : i32 to vector<16xi32>
    %add3A_415 = arith.constant 32 : i32
    %add3A_416 = vector.broadcast %add3A_415 : i32 to vector<16xi32>
    %add3A_417 = arith.addi %iota3A, %add3A_416 : vector<16xi32>
    %jit3A_418 = arith.constant 8 : i32
    %div3A_419 = vector.broadcast %jit3A_418 : i32 to vector<16xi32>
    %div3A_420 = arith.divsi %add3A_417, %div3A_419 : vector<16xi32>
    %sign3A_421 = arith.constant 0 : i32
    %sign3A_422 = vector.broadcast %sign3A_421 : i32 to vector<16xi32>
    %sign3A_423 = arith.cmpi sgt, %add3A_417, %sign3A_422 : vector<16xi32>
    %sign3A_424 = arith.extui %sign3A_423 : vector<16xi1> to vector<16xi32>
    %sign3A_425 = arith.constant 0 : i32
    %sign3A_426 = vector.broadcast %sign3A_425 : i32 to vector<16xi32>
    %sign3A_427 = arith.cmpi slt, %add3A_417, %sign3A_426 : vector<16xi32>
    %sign3A_428 = arith.extui %sign3A_427 : vector<16xi1> to vector<16xi32>
    %sign3A_429 = arith.subi %sign3A_424, %sign3A_428 : vector<16xi32>
    %sign3A_430 = arith.constant 0 : i32
    %sign3A_431 = arith.cmpi sgt, %jit3A_418, %sign3A_430 : i32
    %sign3A_432 = arith.extui %sign3A_431 : i1 to i32
    %sign3A_433 = arith.constant 0 : i32
    %sign3A_434 = arith.cmpi slt, %jit3A_418, %sign3A_433 : i32
    %sign3A_435 = arith.extui %sign3A_434 : i1 to i32
    %sign3A_436 = arith.subi %sign3A_432, %sign3A_435 : i32
    %ne3A_437 = vector.broadcast %sign3A_436 : i32 to vector<16xi32>
    %ne3A_438 = arith.cmpi ne, %sign3A_429, %ne3A_437 : vector<16xi32>
    %rem3A_439 = vector.broadcast %jit3A_418 : i32 to vector<16xi32>
    %rem3A_440 = arith.remsi %add3A_417, %rem3A_439 : vector<16xi32>
    %ne3A_441 = arith.constant 0 : i32
    %ne3A_442 = vector.broadcast %ne3A_441 : i32 to vector<16xi32>
    %ne3A_443 = arith.cmpi ne, %rem3A_440, %ne3A_442 : vector<16xi32>
    %and3A_444 = arith.andi %ne3A_438, %ne3A_443 : vector<16xi1>
    %sub3A_445 = arith.constant 1 : i32
    %sub3A_446 = vector.broadcast %sub3A_445 : i32 to vector<16xi32>
    %sub3A_447 = arith.subi %div3A_420, %sub3A_446 : vector<16xi32>
    %select_n3A_448 = arith.select %and3A_444, %sub3A_447, %div3A_420 : vector<16xi1>, vector<16xi32>
    %add3A_449 = arith.addi %broadcast_in_dim3A_414, %select_n3A_448 : vector<16xi32>
    %broadcast_in_dim3A_450 = arith.constant 16 : i32
    %broadcast_in_dim3A_451 = vector.broadcast %broadcast_in_dim3A_450 : i32 to vector<16xi32>
    %add3A_452 = arith.constant 48 : i32
    %add3A_453 = vector.broadcast %add3A_452 : i32 to vector<16xi32>
    %add3A_454 = arith.addi %iota3A, %add3A_453 : vector<16xi32>
    %jit3A_455 = arith.constant 8 : i32
    %div3A_456 = vector.broadcast %jit3A_455 : i32 to vector<16xi32>
    %div3A_457 = arith.divsi %add3A_454, %div3A_456 : vector<16xi32>
    %sign3A_458 = arith.constant 0 : i32
    %sign3A_459 = vector.broadcast %sign3A_458 : i32 to vector<16xi32>
    %sign3A_460 = arith.cmpi sgt, %add3A_454, %sign3A_459 : vector<16xi32>
    %sign3A_461 = arith.extui %sign3A_460 : vector<16xi1> to vector<16xi32>
    %sign3A_462 = arith.constant 0 : i32
    %sign3A_463 = vector.broadcast %sign3A_462 : i32 to vector<16xi32>
    %sign3A_464 = arith.cmpi slt, %add3A_454, %sign3A_463 : vector<16xi32>
    %sign3A_465 = arith.extui %sign3A_464 : vector<16xi1> to vector<16xi32>
    %sign3A_466 = arith.subi %sign3A_461, %sign3A_465 : vector<16xi32>
    %sign3A_467 = arith.constant 0 : i32
    %sign3A_468 = arith.cmpi sgt, %jit3A_455, %sign3A_467 : i32
    %sign3A_469 = arith.extui %sign3A_468 : i1 to i32
    %sign3A_470 = arith.constant 0 : i32
    %sign3A_471 = arith.cmpi slt, %jit3A_455, %sign3A_470 : i32
    %sign3A_472 = arith.extui %sign3A_471 : i1 to i32
    %sign3A_473 = arith.subi %sign3A_469, %sign3A_472 : i32
    %ne3A_474 = vector.broadcast %sign3A_473 : i32 to vector<16xi32>
    %ne3A_475 = arith.cmpi ne, %sign3A_466, %ne3A_474 : vector<16xi32>
    %rem3A_476 = vector.broadcast %jit3A_455 : i32 to vector<16xi32>
    %rem3A_477 = arith.remsi %add3A_454, %rem3A_476 : vector<16xi32>
    %ne3A_478 = arith.constant 0 : i32
    %ne3A_479 = vector.broadcast %ne3A_478 : i32 to vector<16xi32>
    %ne3A_480 = arith.cmpi ne, %rem3A_477, %ne3A_479 : vector<16xi32>
    %and3A_481 = arith.andi %ne3A_475, %ne3A_480 : vector<16xi1>
    %sub3A_482 = arith.constant 1 : i32
    %sub3A_483 = vector.broadcast %sub3A_482 : i32 to vector<16xi32>
    %sub3A_484 = arith.subi %div3A_457, %sub3A_483 : vector<16xi32>
    %select_n3A_485 = arith.select %and3A_481, %sub3A_484, %div3A_457 : vector<16xi1>, vector<16xi32>
    %add3A_486 = arith.addi %broadcast_in_dim3A_451, %select_n3A_485 : vector<16xi32>
    %broadcast_in_dim3A_487 = arith.constant 24 : i32
    %broadcast_in_dim3A_488 = vector.broadcast %broadcast_in_dim3A_487 : i32 to vector<16xi32>
    %add3A_489 = arith.constant 0 : i32
    %add3A_490 = vector.broadcast %add3A_489 : i32 to vector<16xi32>
    %add3A_491 = arith.addi %iota3A, %add3A_490 : vector<16xi32>
    %jit3A_492 = arith.constant 8 : i32
    %div3A_493 = vector.broadcast %jit3A_492 : i32 to vector<16xi32>
    %div3A_494 = arith.divsi %add3A_491, %div3A_493 : vector<16xi32>
    %sign3A_495 = arith.constant 0 : i32
    %sign3A_496 = vector.broadcast %sign3A_495 : i32 to vector<16xi32>
    %sign3A_497 = arith.cmpi sgt, %add3A_491, %sign3A_496 : vector<16xi32>
    %sign3A_498 = arith.extui %sign3A_497 : vector<16xi1> to vector<16xi32>
    %sign3A_499 = arith.constant 0 : i32
    %sign3A_500 = vector.broadcast %sign3A_499 : i32 to vector<16xi32>
    %sign3A_501 = arith.cmpi slt, %add3A_491, %sign3A_500 : vector<16xi32>
    %sign3A_502 = arith.extui %sign3A_501 : vector<16xi1> to vector<16xi32>
    %sign3A_503 = arith.subi %sign3A_498, %sign3A_502 : vector<16xi32>
    %sign3A_504 = arith.constant 0 : i32
    %sign3A_505 = arith.cmpi sgt, %jit3A_492, %sign3A_504 : i32
    %sign3A_506 = arith.extui %sign3A_505 : i1 to i32
    %sign3A_507 = arith.constant 0 : i32
    %sign3A_508 = arith.cmpi slt, %jit3A_492, %sign3A_507 : i32
    %sign3A_509 = arith.extui %sign3A_508 : i1 to i32
    %sign3A_510 = arith.subi %sign3A_506, %sign3A_509 : i32
    %ne3A_511 = vector.broadcast %sign3A_510 : i32 to vector<16xi32>
    %ne3A_512 = arith.cmpi ne, %sign3A_503, %ne3A_511 : vector<16xi32>
    %rem3A_513 = vector.broadcast %jit3A_492 : i32 to vector<16xi32>
    %rem3A_514 = arith.remsi %add3A_491, %rem3A_513 : vector<16xi32>
    %ne3A_515 = arith.constant 0 : i32
    %ne3A_516 = vector.broadcast %ne3A_515 : i32 to vector<16xi32>
    %ne3A_517 = arith.cmpi ne, %rem3A_514, %ne3A_516 : vector<16xi32>
    %and3A_518 = arith.andi %ne3A_512, %ne3A_517 : vector<16xi1>
    %sub3A_519 = arith.constant 1 : i32
    %sub3A_520 = vector.broadcast %sub3A_519 : i32 to vector<16xi32>
    %sub3A_521 = arith.subi %div3A_494, %sub3A_520 : vector<16xi32>
    %select_n3A_522 = arith.select %and3A_518, %sub3A_521, %div3A_494 : vector<16xi1>, vector<16xi32>
    %add3A_523 = arith.addi %broadcast_in_dim3A_488, %select_n3A_522 : vector<16xi32>
    %broadcast_in_dim3A_524 = arith.constant 24 : i32
    %broadcast_in_dim3A_525 = vector.broadcast %broadcast_in_dim3A_524 : i32 to vector<16xi32>
    %add3A_526 = arith.constant 16 : i32
    %add3A_527 = vector.broadcast %add3A_526 : i32 to vector<16xi32>
    %add3A_528 = arith.addi %iota3A, %add3A_527 : vector<16xi32>
    %jit3A_529 = arith.constant 8 : i32
    %div3A_530 = vector.broadcast %jit3A_529 : i32 to vector<16xi32>
    %div3A_531 = arith.divsi %add3A_528, %div3A_530 : vector<16xi32>
    %sign3A_532 = arith.constant 0 : i32
    %sign3A_533 = vector.broadcast %sign3A_532 : i32 to vector<16xi32>
    %sign3A_534 = arith.cmpi sgt, %add3A_528, %sign3A_533 : vector<16xi32>
    %sign3A_535 = arith.extui %sign3A_534 : vector<16xi1> to vector<16xi32>
    %sign3A_536 = arith.constant 0 : i32
    %sign3A_537 = vector.broadcast %sign3A_536 : i32 to vector<16xi32>
    %sign3A_538 = arith.cmpi slt, %add3A_528, %sign3A_537 : vector<16xi32>
    %sign3A_539 = arith.extui %sign3A_538 : vector<16xi1> to vector<16xi32>
    %sign3A_540 = arith.subi %sign3A_535, %sign3A_539 : vector<16xi32>
    %sign3A_541 = arith.constant 0 : i32
    %sign3A_542 = arith.cmpi sgt, %jit3A_529, %sign3A_541 : i32
    %sign3A_543 = arith.extui %sign3A_542 : i1 to i32
    %sign3A_544 = arith.constant 0 : i32
    %sign3A_545 = arith.cmpi slt, %jit3A_529, %sign3A_544 : i32
    %sign3A_546 = arith.extui %sign3A_545 : i1 to i32
    %sign3A_547 = arith.subi %sign3A_543, %sign3A_546 : i32
    %ne3A_548 = vector.broadcast %sign3A_547 : i32 to vector<16xi32>
    %ne3A_549 = arith.cmpi ne, %sign3A_540, %ne3A_548 : vector<16xi32>
    %rem3A_550 = vector.broadcast %jit3A_529 : i32 to vector<16xi32>
    %rem3A_551 = arith.remsi %add3A_528, %rem3A_550 : vector<16xi32>
    %ne3A_552 = arith.constant 0 : i32
    %ne3A_553 = vector.broadcast %ne3A_552 : i32 to vector<16xi32>
    %ne3A_554 = arith.cmpi ne, %rem3A_551, %ne3A_553 : vector<16xi32>
    %and3A_555 = arith.andi %ne3A_549, %ne3A_554 : vector<16xi1>
    %sub3A_556 = arith.constant 1 : i32
    %sub3A_557 = vector.broadcast %sub3A_556 : i32 to vector<16xi32>
    %sub3A_558 = arith.subi %div3A_531, %sub3A_557 : vector<16xi32>
    %select_n3A_559 = arith.select %and3A_555, %sub3A_558, %div3A_531 : vector<16xi1>, vector<16xi32>
    %add3A_560 = arith.addi %broadcast_in_dim3A_525, %select_n3A_559 : vector<16xi32>
    %broadcast_in_dim3A_561 = arith.constant 24 : i32
    %broadcast_in_dim3A_562 = vector.broadcast %broadcast_in_dim3A_561 : i32 to vector<16xi32>
    %add3A_563 = arith.constant 32 : i32
    %add3A_564 = vector.broadcast %add3A_563 : i32 to vector<16xi32>
    %add3A_565 = arith.addi %iota3A, %add3A_564 : vector<16xi32>
    %jit3A_566 = arith.constant 8 : i32
    %div3A_567 = vector.broadcast %jit3A_566 : i32 to vector<16xi32>
    %div3A_568 = arith.divsi %add3A_565, %div3A_567 : vector<16xi32>
    %sign3A_569 = arith.constant 0 : i32
    %sign3A_570 = vector.broadcast %sign3A_569 : i32 to vector<16xi32>
    %sign3A_571 = arith.cmpi sgt, %add3A_565, %sign3A_570 : vector<16xi32>
    %sign3A_572 = arith.extui %sign3A_571 : vector<16xi1> to vector<16xi32>
    %sign3A_573 = arith.constant 0 : i32
    %sign3A_574 = vector.broadcast %sign3A_573 : i32 to vector<16xi32>
    %sign3A_575 = arith.cmpi slt, %add3A_565, %sign3A_574 : vector<16xi32>
    %sign3A_576 = arith.extui %sign3A_575 : vector<16xi1> to vector<16xi32>
    %sign3A_577 = arith.subi %sign3A_572, %sign3A_576 : vector<16xi32>
    %sign3A_578 = arith.constant 0 : i32
    %sign3A_579 = arith.cmpi sgt, %jit3A_566, %sign3A_578 : i32
    %sign3A_580 = arith.extui %sign3A_579 : i1 to i32
    %sign3A_581 = arith.constant 0 : i32
    %sign3A_582 = arith.cmpi slt, %jit3A_566, %sign3A_581 : i32
    %sign3A_583 = arith.extui %sign3A_582 : i1 to i32
    %sign3A_584 = arith.subi %sign3A_580, %sign3A_583 : i32
    %ne3A_585 = vector.broadcast %sign3A_584 : i32 to vector<16xi32>
    %ne3A_586 = arith.cmpi ne, %sign3A_577, %ne3A_585 : vector<16xi32>
    %rem3A_587 = vector.broadcast %jit3A_566 : i32 to vector<16xi32>
    %rem3A_588 = arith.remsi %add3A_565, %rem3A_587 : vector<16xi32>
    %ne3A_589 = arith.constant 0 : i32
    %ne3A_590 = vector.broadcast %ne3A_589 : i32 to vector<16xi32>
    %ne3A_591 = arith.cmpi ne, %rem3A_588, %ne3A_590 : vector<16xi32>
    %and3A_592 = arith.andi %ne3A_586, %ne3A_591 : vector<16xi1>
    %sub3A_593 = arith.constant 1 : i32
    %sub3A_594 = vector.broadcast %sub3A_593 : i32 to vector<16xi32>
    %sub3A_595 = arith.subi %div3A_568, %sub3A_594 : vector<16xi32>
    %select_n3A_596 = arith.select %and3A_592, %sub3A_595, %div3A_568 : vector<16xi1>, vector<16xi32>
    %add3A_597 = arith.addi %broadcast_in_dim3A_562, %select_n3A_596 : vector<16xi32>
    %broadcast_in_dim3A_598 = arith.constant 24 : i32
    %broadcast_in_dim3A_599 = vector.broadcast %broadcast_in_dim3A_598 : i32 to vector<16xi32>
    %add3A_600 = arith.constant 48 : i32
    %add3A_601 = vector.broadcast %add3A_600 : i32 to vector<16xi32>
    %add3A_602 = arith.addi %iota3A, %add3A_601 : vector<16xi32>
    %jit3A_603 = arith.constant 8 : i32
    %div3A_604 = vector.broadcast %jit3A_603 : i32 to vector<16xi32>
    %div3A_605 = arith.divsi %add3A_602, %div3A_604 : vector<16xi32>
    %sign3A_606 = arith.constant 0 : i32
    %sign3A_607 = vector.broadcast %sign3A_606 : i32 to vector<16xi32>
    %sign3A_608 = arith.cmpi sgt, %add3A_602, %sign3A_607 : vector<16xi32>
    %sign3A_609 = arith.extui %sign3A_608 : vector<16xi1> to vector<16xi32>
    %sign3A_610 = arith.constant 0 : i32
    %sign3A_611 = vector.broadcast %sign3A_610 : i32 to vector<16xi32>
    %sign3A_612 = arith.cmpi slt, %add3A_602, %sign3A_611 : vector<16xi32>
    %sign3A_613 = arith.extui %sign3A_612 : vector<16xi1> to vector<16xi32>
    %sign3A_614 = arith.subi %sign3A_609, %sign3A_613 : vector<16xi32>
    %sign3A_615 = arith.constant 0 : i32
    %sign3A_616 = arith.cmpi sgt, %jit3A_603, %sign3A_615 : i32
    %sign3A_617 = arith.extui %sign3A_616 : i1 to i32
    %sign3A_618 = arith.constant 0 : i32
    %sign3A_619 = arith.cmpi slt, %jit3A_603, %sign3A_618 : i32
    %sign3A_620 = arith.extui %sign3A_619 : i1 to i32
    %sign3A_621 = arith.subi %sign3A_617, %sign3A_620 : i32
    %ne3A_622 = vector.broadcast %sign3A_621 : i32 to vector<16xi32>
    %ne3A_623 = arith.cmpi ne, %sign3A_614, %ne3A_622 : vector<16xi32>
    %rem3A_624 = vector.broadcast %jit3A_603 : i32 to vector<16xi32>
    %rem3A_625 = arith.remsi %add3A_602, %rem3A_624 : vector<16xi32>
    %ne3A_626 = arith.constant 0 : i32
    %ne3A_627 = vector.broadcast %ne3A_626 : i32 to vector<16xi32>
    %ne3A_628 = arith.cmpi ne, %rem3A_625, %ne3A_627 : vector<16xi32>
    %and3A_629 = arith.andi %ne3A_623, %ne3A_628 : vector<16xi1>
    %sub3A_630 = arith.constant 1 : i32
    %sub3A_631 = vector.broadcast %sub3A_630 : i32 to vector<16xi32>
    %sub3A_632 = arith.subi %div3A_605, %sub3A_631 : vector<16xi32>
    %select_n3A_633 = arith.select %and3A_629, %sub3A_632, %div3A_605 : vector<16xi1>, vector<16xi32>
    %add3A_634 = arith.addi %broadcast_in_dim3A_599, %select_n3A_633 : vector<16xi32>
    %add3A_635 = arith.constant 0 : i32
    %add3A_636 = vector.broadcast %add3A_635 : i32 to vector<16xi32>
    %add3A_637 = arith.addi %iota3A, %add3A_636 : vector<16xi32>
    %rem3A_638 = arith.constant 8 : i32
    %rem3A_639 = vector.broadcast %rem3A_638 : i32 to vector<16xi32>
    %rem3A_640 = arith.remsi %add3A_637, %rem3A_639 : vector<16xi32>
    %add3A_641 = arith.constant 16 : i32
    %add3A_642 = vector.broadcast %add3A_641 : i32 to vector<16xi32>
    %add3A_643 = arith.addi %iota3A, %add3A_642 : vector<16xi32>
    %rem3A_644 = arith.constant 8 : i32
    %rem3A_645 = vector.broadcast %rem3A_644 : i32 to vector<16xi32>
    %rem3A_646 = arith.remsi %add3A_643, %rem3A_645 : vector<16xi32>
    %add3A_647 = arith.constant 32 : i32
    %add3A_648 = vector.broadcast %add3A_647 : i32 to vector<16xi32>
    %add3A_649 = arith.addi %iota3A, %add3A_648 : vector<16xi32>
    %rem3A_650 = arith.constant 8 : i32
    %rem3A_651 = vector.broadcast %rem3A_650 : i32 to vector<16xi32>
    %rem3A_652 = arith.remsi %add3A_649, %rem3A_651 : vector<16xi32>
    %add3A_653 = arith.constant 48 : i32
    %add3A_654 = vector.broadcast %add3A_653 : i32 to vector<16xi32>
    %add3A_655 = arith.addi %iota3A, %add3A_654 : vector<16xi32>
    %rem3A_656 = arith.constant 8 : i32
    %rem3A_657 = vector.broadcast %rem3A_656 : i32 to vector<16xi32>
    %rem3A_658 = arith.remsi %add3A_655, %rem3A_657 : vector<16xi32>
    %scan3A = arith.constant 0 : i32
    %scan3A_659 = arith.constant 0 : i32
    %scan3A_660 = arith.constant 50 : i32
    %scan3A_661 = arith.addi %scan3A_659, %scan3A_660 : i32
    %scan3A_662 = arith.constant 1 : i32
    scf.for %scan3A_755 = %scan3A_659 to %scan3A_661 step %scan3A_662  : i32 {
      %mul3A_756 = arith.constant 4 : i32
      %mul3A_757 = arith.muli %scan3A_755, %mul3A_756 : i32
      %add3A_758 = arith.constant 0 : i32
      %add3A_759 = arith.addi %mul3A_757, %add3A_758 : i32
      %mul3A_760 = arith.constant 200 : i32
      %mul3A_761 = arith.muli %add3A, %mul3A_760 : i32
      %add3A_762 = arith.addi %mul3A_761, %add3A_759 : i32
      %jit3A_763 = arith.constant 32 : i32
      %div3A_764 = arith.divsi %add3A_762, %jit3A_763 : i32
      %sign3A_765 = arith.constant 0 : i32
      %sign3A_766 = arith.cmpi sgt, %add3A_762, %sign3A_765 : i32
      %sign3A_767 = arith.extui %sign3A_766 : i1 to i32
      %sign3A_768 = arith.constant 0 : i32
      %sign3A_769 = arith.cmpi slt, %add3A_762, %sign3A_768 : i32
      %sign3A_770 = arith.extui %sign3A_769 : i1 to i32
      %sign3A_771 = arith.subi %sign3A_767, %sign3A_770 : i32
      %sign3A_772 = arith.constant 0 : i32
      %sign3A_773 = arith.cmpi sgt, %jit3A_763, %sign3A_772 : i32
      %sign3A_774 = arith.extui %sign3A_773 : i1 to i32
      %sign3A_775 = arith.constant 0 : i32
      %sign3A_776 = arith.cmpi slt, %jit3A_763, %sign3A_775 : i32
      %sign3A_777 = arith.extui %sign3A_776 : i1 to i32
      %sign3A_778 = arith.subi %sign3A_774, %sign3A_777 : i32
      %ne3A_779 = arith.cmpi ne, %sign3A_771, %sign3A_778 : i32
      %rem3A_780 = arith.remsi %add3A_762, %jit3A_763 : i32
      %ne3A_781 = arith.constant 0 : i32
      %ne3A_782 = arith.cmpi ne, %rem3A_780, %ne3A_781 : i32
      %and3A_783 = arith.andi %ne3A_779, %ne3A_782 : i1
      %sub3A_784 = arith.constant 1 : i32
      %sub3A_785 = arith.subi %div3A_764, %sub3A_784 : i32
      %select_n3A_786 = arith.select %and3A_783, %sub3A_785, %div3A_764 : i32
      %jit3A_787 = arith.constant 32 : i32
      %eq3A = arith.constant 0 : i32
      %eq3A_788 = arith.cmpi eq, %jit3A_787, %eq3A : i32
      %jit3A_789 = arith.constant 1 : i32
      %select_n3A_790 = arith.select %eq3A_788, %jit3A_789, %jit3A_787 : i32
      %rem3A_791 = arith.remsi %add3A_762, %select_n3A_790 : i32
      %ne3A_792 = arith.constant 0 : i32
      %ne3A_793 = arith.cmpi ne, %rem3A_791, %ne3A_792 : i32
      %lt3A = arith.constant 0 : i32
      %lt3A_794 = arith.cmpi slt, %rem3A_791, %lt3A : i32
      %lt3A_795 = arith.constant 0 : i32
      %lt3A_796 = arith.cmpi slt, %select_n3A_790, %lt3A_795 : i32
      %ne3A_797 = arith.xori %lt3A_794, %lt3A_796 : i1
      %and3A_798 = arith.andi %ne3A_797, %ne3A_793 : i1
      %add3A_799 = arith.addi %rem3A_791, %select_n3A_790 : i32
      %select_n3A_800 = arith.select %and3A_798, %add3A_799, %rem3A_791 : i32
      %dma_wait3A_801 = arith.constant 0 : i32
      %dma_wait3A_802 = arith.constant 0 : i32
      %dma_wait3A_803 = arith.constant 0 : i32
      %dma_wait3A_804 = arith.constant 0 : i32
      %dma_wait3A_805 = tpu.memref_slice %arg6[%dma_wait3A_803, %dma_wait3A_804] : memref<512x64xf32, #tpu.memory_space<vmem>> -> memref<128x64xf32, #tpu.memory_space<vmem>>
      %dma_wait3A_806 = arith.constant 0 : i32
      %dma_wait3A_807 = tpu.memref_slice %arg5[%dma_wait3A_801, %dma_wait3A_806] : memref<200x128xi32, #tpu.memory_space<vmem>> -> memref<1x128xi32, #tpu.memory_space<vmem>>
      %dma_wait3A_808 = tpu.memref_squeeze %dma_wait3A_807 : memref<1x128xi32, #tpu.memory_space<vmem>> -> memref<128xi32, #tpu.memory_space<vmem>>
      %dma_wait3A_809 = arith.constant 0 : i32
      %dma_wait3A_810 = arith.constant 0 : i32
      %dma_wait3A_811 = tpu.memref_slice %arg3[%dma_wait3A_809, %dma_wait3A_810] : memref<1000000x64xf32, #tpu.memory_space<hbm>> -> memref<1000000x64xf32, #tpu.memory_space<hbm>>
      %dma_wait3A_812 = tpu.memref_slice %arg8[%dma_wait3A_802] : memref<4x!tpu.dma_semaphore, #tpu.memory_space<semaphore_mem>> -> memref<1x!tpu.dma_semaphore, #tpu.memory_space<semaphore_mem>>
      %dma_wait3A_813 = tpu.memref_squeeze %dma_wait3A_812 : memref<1x!tpu.dma_semaphore, #tpu.memory_space<semaphore_mem>> -> memref<!tpu.dma_semaphore, #tpu.memory_space<semaphore_mem>>
      tpu.wait_indirect_dma semaphore(%dma_wait3A_813 : memref<!tpu.dma_semaphore, #tpu.memory_space<semaphore_mem>>) src(%dma_wait3A_811 : memref<1000000x64xf32, #tpu.memory_space<hbm>>) dst(%dma_wait3A_805 : memref<128x64xf32, #tpu.memory_space<vmem>>)
      %gt3A = arith.constant 0 : i32
      %gt3A_814 = arith.cmpi sgt, %scan3A_755, %gt3A : i32
      %convert_element_type3A = arith.extui %gt3A_814 : i1 to i32
      %cond3A = arith.constant 0 : i32
      %cond3A_815 = arith.cmpi ne, %convert_element_type3A, %cond3A : i32
      scf.if %cond3A_815 {
        %dma_wait3A_1134 = arith.constant 0 : i32
        %dma_wait3A_1135 = arith.constant 0 : i32
        %dma_wait3A_1136 = arith.constant 0 : i32
        %dma_wait3A_1137 = arith.constant 0 : i32
        %dma_wait3A_1138 = arith.constant 0 : i32
        %dma_wait3A_1139 = arith.constant 0 : i32
        %dma_wait3A_1140 = tpu.memref_slice %arg7[%dma_wait3A_1137, %dma_wait3A_1138, %dma_wait3A_1139] : memref<32x8x129xf32, #tpu.memory_space<vmem>> -> memref<8x8x128xf32, #tpu.memory_space<vmem>>
        %dma_wait3A_1141 = arith.constant 0 : i32
        %dma_wait3A_1142 = arith.constant 0 : i32
        %dma_wait3A_1143 = arith.constant 0 : i32
        %dma_wait3A_1144 = tpu.memref_slice %arg4[%dma_wait3A_1134, %dma_wait3A_1141, %dma_wait3A_1135, %dma_wait3A_1142, %dma_wait3A_1143] : memref<200x8x32x8x128xf32, #tpu.memory_space<hbm>> -> memref<1x8x1x8x128xf32, #tpu.memory_space<hbm>>
        %dma_wait3A_1145 = tpu.memref_squeeze %dma_wait3A_1144 : memref<1x8x1x8x128xf32, #tpu.memory_space<hbm>> -> memref<8x8x128xf32, #tpu.memory_space<hbm>>
        %dma_wait3A_1146 = tpu.memref_slice %arg9[%dma_wait3A_1136] : memref<4x!tpu.dma_semaphore, #tpu.memory_space<semaphore_mem>> -> memref<1x!tpu.dma_semaphore, #tpu.memory_space<semaphore_mem>>
        %dma_wait3A_1147 = tpu.memref_squeeze %dma_wait3A_1146 : memref<1x!tpu.dma_semaphore, #tpu.memory_space<semaphore_mem>> -> memref<!tpu.dma_semaphore, #tpu.memory_space<semaphore_mem>>
        %dma_wait3A_1148 = arith.constant 0 : i32
        %dma_wait3A_1149 = arith.constant 0 : i32
        %dma_wait3A_1150 = arith.constant 0 : i32
        %dma_wait3A_1151 = tpu.memref_slice %arg4[%dma_wait3A_1134, %dma_wait3A_1148, %dma_wait3A_1135, %dma_wait3A_1149, %dma_wait3A_1150] : memref<200x8x32x8x128xf32, #tpu.memory_space<hbm>> -> memref<1x8x1x8x128xf32, #tpu.memory_space<hbm>>
        %dma_wait3A_1152 = tpu.memref_squeeze %dma_wait3A_1151 : memref<1x8x1x8x128xf32, #tpu.memory_space<hbm>> -> memref<8x8x128xf32, #tpu.memory_space<hbm>>
        %dma_wait3A_1153 = arith.constant 0 : i32
        %dma_wait3A_1154 = arith.constant 0 : i32
        %dma_wait3A_1155 = arith.constant 0 : i32
        %dma_wait3A_1156 = tpu.memref_slice %arg7[%dma_wait3A_1153, %dma_wait3A_1154, %dma_wait3A_1155] : memref<32x8x129xf32, #tpu.memory_space<vmem>> -> memref<8x8x128xf32, #tpu.memory_space<vmem>>
        tpu.wait_dma2 semaphore(%dma_wait3A_1147 : memref<!tpu.dma_semaphore, #tpu.memory_space<semaphore_mem>>) src(%dma_wait3A_1156 : memref<8x8x128xf32, #tpu.memory_space<vmem>>) dst(%dma_wait3A_1152 : memref<8x8x128xf32, #tpu.memory_space<hbm>>)
      } else {
      }
      %parallel_loop3A = arith.constant 0 : i32
      %parallel_loop3A_816 = arith.constant 128 : i32
      %parallel_loop3A_817 = arith.constant 1 : i32
      scf.for %parallel_loop3A_1134 = %parallel_loop3A to %parallel_loop3A_816 step %parallel_loop3A_817  : i32 {
        %parallel_loop3A_1135 = arith.constant 0 : i32
        %parallel_loop3A_1136 = vector.broadcast %parallel_loop3A_1135 : i32 to vector<16xi32>
        %parallel_loop3A_1137 = arith.muli %iota3A, %parallel_loop3A_1136 : vector<16xi32>
        %parallel_loop3A_1138 = vector.broadcast %parallel_loop3A_1134 : i32 to vector<16xi32>
        %parallel_loop3A_1139 = arith.addi %parallel_loop3A_1137, %parallel_loop3A_1138 : vector<16xi32>
        %parallel_loop3A_1140 = arith.constant 0 : i32
        %parallel_loop3A_1141 = arith.addi %parallel_loop3A_1140, %parallel_loop3A_1134 : i32
        %parallel_loop3A_1142 = arith.index_cast %parallel_loop3A_1141 : i32 to index
        %parallel_loop3A_1143 = arith.constant 0 : index
        %parallel_loop3A_1144 = tpu.vector_load %arg6[%parallel_loop3A_1142, %parallel_loop3A_1143] {strides = array<i32>} : memref<512x64xf32, #tpu.memory_space<vmem>>, vector<16xf32>,
        %parallel_loop3A_1145 = arith.constant 8.000000e+00 : f32
        %parallel_loop3A_1146 = vector.broadcast %parallel_loop3A_1145 : f32 to vector<16xf32>
        %parallel_loop3A_1147 = arith.mulf %parallel_loop3A_1144, %parallel_loop3A_1146 : vector<16xf32>
        tpu.vector_store_idx %arg7[%add3A_79, %rem3A_640, %parallel_loop3A_1139], %parallel_loop3A_1147 : memref<32x8x129xf32, #tpu.memory_space<vmem>>[vector<16xi32>, vector<16xi32>, vector<16xi32>], vector<16xf32>,
        %parallel_loop3A_1148 = arith.constant 0 : i32
        %parallel_loop3A_1149 = arith.addi %parallel_loop3A_1148, %parallel_loop3A_1134 : i32
        %parallel_loop3A_1150 = arith.index_cast %parallel_loop3A_1149 : i32 to index
        %parallel_loop3A_1151 = arith.constant 16 : index
        %parallel_loop3A_1152 = tpu.vector_load %arg6[%parallel_loop3A_1150, %parallel_loop3A_1151] {strides = array<i32>} : memref<512x64xf32, #tpu.memory_space<vmem>>, vector<16xf32>,
        %parallel_loop3A_1153 = arith.constant 8.000000e+00 : f32
        %parallel_loop3A_1154 = vector.broadcast %parallel_loop3A_1153 : f32 to vector<16xf32>
        %parallel_loop3A_1155 = arith.mulf %parallel_loop3A_1152, %parallel_loop3A_1154 : vector<16xf32>
        tpu.vector_store_idx %arg7[%add3A_116, %rem3A_646, %parallel_loop3A_1139], %parallel_loop3A_1155 : memref<32x8x129xf32, #tpu.memory_space<vmem>>[vector<16xi32>, vector<16xi32>, vector<16xi32>], vector<16xf32>,
        %parallel_loop3A_1156 = arith.constant 0 : i32
        %parallel_loop3A_1157 = arith.addi %parallel_loop3A_1156, %parallel_loop3A_1134 : i32
        %parallel_loop3A_1158 = arith.index_cast %parallel_loop3A_1157 : i32 to index
        %parallel_loop3A_1159 = arith.constant 32 : index
        %parallel_loop3A_1160 = tpu.vector_load %arg6[%parallel_loop3A_1158, %parallel_loop3A_1159] {strides = array<i32>} : memref<512x64xf32, #tpu.memory_space<vmem>>, vector<16xf32>,
        %parallel_loop3A_1161 = arith.constant 8.000000e+00 : f32
        %parallel_loop3A_1162 = vector.broadcast %parallel_loop3A_1161 : f32 to vector<16xf32>
        %parallel_loop3A_1163 = arith.mulf %parallel_loop3A_1160, %parallel_loop3A_1162 : vector<16xf32>
        tpu.vector_store_idx %arg7[%add3A_153, %rem3A_652, %parallel_loop3A_1139], %parallel_loop3A_1163 : memref<32x8x129xf32, #tpu.memory_space<vmem>>[vector<16xi32>, vector<16xi32>, vector<16xi32>], vector<16xf32>,
        %parallel_loop3A_1164 = arith.constant 0 : i32
        %parallel_loop3A_1165 = arith.addi %parallel_loop3A_1164, %parallel_loop3A_1134 : i32
        %parallel_loop3A_1166 = arith.index_cast %parallel_loop3A_1165 : i32 to index
        %parallel_loop3A_1167 = arith.constant 48 : index
        %parallel_loop3A_1168 = tpu.vector_load %arg6[%parallel_loop3A_1166, %parallel_loop3A_1167] {strides = array<i32>} : memref<512x64xf32, #tpu.memory_space<vmem>>, vector<16xf32>,
        %parallel_loop3A_1169 = arith.constant 8.000000e+00 : f32
        %parallel_loop3A_1170 = vector.broadcast %parallel_loop3A_1169 : f32 to vector<16xf32>
        %parallel_loop3A_1171 = arith.mulf %parallel_loop3A_1168, %parallel_loop3A_1170 : vector<16xf32>
        tpu.vector_store_idx %arg7[%add3A_190, %rem3A_658, %parallel_loop3A_1139], %parallel_loop3A_1171 : memref<32x8x129xf32, #tpu.memory_space<vmem>>[vector<16xi32>, vector<16xi32>, vector<16xi32>], vector<16xf32>,
      } {sc.loop_unroll_factor = 8 : i64, sc.parallel_access}
      %dma_start3A_818 = arith.constant 0 : i32
      %dma_start3A_819 = arith.constant 0 : i32
      %dma_start3A_820 = arith.constant 0 : i32
      %dma_start3A_821 = arith.constant 0 : i32
      %dma_start3A_822 = tpu.memref_slice %arg7[%dma_start3A_819, %dma_start3A_820, %dma_start3A_821] : memref<32x8x129xf32, #tpu.memory_space<vmem>> -> memref<8x8x128xf32, #tpu.memory_space<vmem>>
      %dma_start3A_823 = arith.constant 0 : i32
      %dma_start3A_824 = arith.constant 0 : i32
      %dma_start3A_825 = arith.constant 0 : i32
      %dma_start3A_826 = tpu.memref_slice %arg4[%select_n3A_786, %dma_start3A_823, %select_n3A_800, %dma_start3A_824, %dma_start3A_825] : memref<200x8x32x8x128xf32, #tpu.memory_space<hbm>> -> memref<1x8x1x8x128xf32, #tpu.memory_space<hbm>>
      %dma_start3A_827 = tpu.memref_squeeze %dma_start3A_826 : memref<1x8x1x8x128xf32, #tpu.memory_space<hbm>> -> memref<8x8x128xf32, #tpu.memory_space<hbm>>
      %dma_start3A_828 = tpu.memref_slice %arg9[%dma_start3A_818] : memref<4x!tpu.dma_semaphore, #tpu.memory_space<semaphore_mem>> -> memref<1x!tpu.dma_semaphore, #tpu.memory_space<semaphore_mem>>
      %dma_start3A_829 = tpu.memref_squeeze %dma_start3A_828 : memref<1x!tpu.dma_semaphore, #tpu.memory_space<semaphore_mem>> -> memref<!tpu.dma_semaphore, #tpu.memory_space<semaphore_mem>>
      %dma_start3A_830 = arith.constant 0 : i32
      %dma_start3A_831 = arith.constant 0 : i32
      %dma_start3A_832 = arith.constant 0 : i32
      %dma_start3A_833 = tpu.memref_slice %arg4[%select_n3A_786, %dma_start3A_830, %select_n3A_800, %dma_start3A_831, %dma_start3A_832] : memref<200x8x32x8x128xf32, #tpu.memory_space<hbm>> -> memref<1x8x1x8x128xf32, #tpu.memory_space<hbm>>
      %dma_start3A_834 = tpu.memref_squeeze %dma_start3A_833 : memref<1x8x1x8x128xf32, #tpu.memory_space<hbm>> -> memref<8x8x128xf32, #tpu.memory_space<hbm>>
      %dma_start3A_835 = arith.constant 0 : i32
      %dma_start3A_836 = arith.constant 0 : i32
      %dma_start3A_837 = arith.constant 0 : i32
      %dma_start3A_838 = tpu.memref_slice %arg7[%dma_start3A_835, %dma_start3A_836, %dma_start3A_837] : memref<32x8x129xf32, #tpu.memory_space<vmem>> -> memref<8x8x128xf32, #tpu.memory_space<vmem>>
      tpu.enqueue_dma source(%dma_start3A_838 : memref<8x8x128xf32, #tpu.memory_space<vmem>>) target(%dma_start3A_834 : memref<8x8x128xf32, #tpu.memory_space<hbm>>) target_semaphore(%dma_start3A_829 : memref<!tpu.dma_semaphore, #tpu.memory_space<semaphore_mem>>)
      %add3A_839 = arith.constant 4 : i32
      %add3A_840 = arith.addi %add3A_759, %add3A_839 : i32
      %lt3A_841 = arith.constant 200 : i32
      %lt3A_842 = arith.cmpi slt, %add3A_840, %lt3A_841 : i32
      %convert_element_type3A_843 = arith.extui %lt3A_842 : i1 to i32
      %cond3A_844 = arith.constant 0 : i32
      %cond3A_845 = arith.cmpi ne, %convert_element_type3A_843, %cond3A_844 : i32
      scf.if %cond3A_845 {
        %dma_start3A_1134 = arith.constant 0 : i32
        %dma_start3A_1135 = arith.constant 0 : i32
        %dma_start3A_1136 = arith.constant 0 : i32
        %dma_start3A_1137 = tpu.memref_slice %arg6[%dma_start3A_1135, %dma_start3A_1136] : memref<512x64xf32, #tpu.memory_space<vmem>> -> memref<128x64xf32, #tpu.memory_space<vmem>>
        %dma_start3A_1138 = arith.constant 0 : i32
        %dma_start3A_1139 = tpu.memref_slice %arg5[%add3A_840, %dma_start3A_1138] : memref<200x128xi32, #tpu.memory_space<vmem>> -> memref<1x128xi32, #tpu.memory_space<vmem>>
        %dma_start3A_1140 = tpu.memref_squeeze %dma_start3A_1139 : memref<1x128xi32, #tpu.memory_space<vmem>> -> memref<128xi32, #tpu.memory_space<vmem>>
        %dma_start3A_1141 = arith.constant 0 : i32
        %dma_start3A_1142 = arith.constant 0 : i32
        %dma_start3A_1143 = tpu.memref_slice %arg3[%dma_start3A_1141, %dma_start3A_1142] : memref<1000000x64xf32, #tpu.memory_space<hbm>> -> memref<1000000x64xf32, #tpu.memory_space<hbm>>
        %dma_start3A_1144 = tpu.memref_slice %arg8[%dma_start3A_1134] : memref<4x!tpu.dma_semaphore, #tpu.memory_space<semaphore_mem>> -> memref<1x!tpu.dma_semaphore, #tpu.memory_space<semaphore_mem>>
        %dma_start3A_1145 = tpu.memref_squeeze %dma_start3A_1144 : memref<1x!tpu.dma_semaphore, #tpu.memory_space<semaphore_mem>> -> memref<!tpu.dma_semaphore, #tpu.memory_space<semaphore_mem>>
        tpu.enqueue_indirect_dma source(%dma_start3A_1143 : memref<1000000x64xf32, #tpu.memory_space<hbm>>) target(%dma_start3A_1137 : memref<128x64xf32, #tpu.memory_space<vmem>>) offsets(%dma_start3A_1140 : memref<128xi32, #tpu.memory_space<vmem>>) semaphore(%dma_start3A_1145 : memref<!tpu.dma_semaphore, #tpu.memory_space<semaphore_mem>>)
      } else {
      }
      %mul3A_846 = arith.constant 4 : i32
      %mul3A_847 = arith.muli %scan3A_755, %mul3A_846 : i32
      %add3A_848 = arith.constant 1 : i32
      %add3A_849 = arith.addi %mul3A_847, %add3A_848 : i32
      %mul3A_850 = arith.constant 200 : i32
      %mul3A_851 = arith.muli %add3A, %mul3A_850 : i32
      %add3A_852 = arith.addi %mul3A_851, %add3A_849 : i32
      %jit3A_853 = arith.constant 32 : i32
      %div3A_854 = arith.divsi %add3A_852, %jit3A_853 : i32
      %sign3A_855 = arith.constant 0 : i32
      %sign3A_856 = arith.cmpi sgt, %add3A_852, %sign3A_855 : i32
      %sign3A_857 = arith.extui %sign3A_856 : i1 to i32
      %sign3A_858 = arith.constant 0 : i32
      %sign3A_859 = arith.cmpi slt, %add3A_852, %sign3A_858 : i32
      %sign3A_860 = arith.extui %sign3A_859 : i1 to i32
      %sign3A_861 = arith.subi %sign3A_857, %sign3A_860 : i32
      %sign3A_862 = arith.constant 0 : i32
      %sign3A_863 = arith.cmpi sgt, %jit3A_853, %sign3A_862 : i32
      %sign3A_864 = arith.extui %sign3A_863 : i1 to i32
      %sign3A_865 = arith.constant 0 : i32
      %sign3A_866 = arith.cmpi slt, %jit3A_853, %sign3A_865 : i32
      %sign3A_867 = arith.extui %sign3A_866 : i1 to i32
      %sign3A_868 = arith.subi %sign3A_864, %sign3A_867 : i32
      %ne3A_869 = arith.cmpi ne, %sign3A_861, %sign3A_868 : i32
      %rem3A_870 = arith.remsi %add3A_852, %jit3A_853 : i32
      %ne3A_871 = arith.constant 0 : i32
      %ne3A_872 = arith.cmpi ne, %rem3A_870, %ne3A_871 : i32
      %and3A_873 = arith.andi %ne3A_869, %ne3A_872 : i1
      %sub3A_874 = arith.constant 1 : i32
      %sub3A_875 = arith.subi %div3A_854, %sub3A_874 : i32
      %select_n3A_876 = arith.select %and3A_873, %sub3A_875, %div3A_854 : i32
      %jit3A_877 = arith.constant 32 : i32
      %eq3A_878 = arith.constant 0 : i32
      %eq3A_879 = arith.cmpi eq, %jit3A_877, %eq3A_878 : i32
      %jit3A_880 = arith.constant 1 : i32
      %select_n3A_881 = arith.select %eq3A_879, %jit3A_880, %jit3A_877 : i32
      %rem3A_882 = arith.remsi %add3A_852, %select_n3A_881 : i32
      %ne3A_883 = arith.constant 0 : i32
      %ne3A_884 = arith.cmpi ne, %rem3A_882, %ne3A_883 : i32
      %lt3A_885 = arith.constant 0 : i32
      %lt3A_886 = arith.cmpi slt, %rem3A_882, %lt3A_885 : i32
      %lt3A_887 = arith.constant 0 : i32
      %lt3A_888 = arith.cmpi slt, %select_n3A_881, %lt3A_887 : i32
      %ne3A_889 = arith.xori %lt3A_886, %lt3A_888 : i1
      %and3A_890 = arith.andi %ne3A_889, %ne3A_884 : i1
      %add3A_891 = arith.addi %rem3A_882, %select_n3A_881 : i32
      %select_n3A_892 = arith.select %and3A_890, %add3A_891, %rem3A_882 : i32
      %dma_wait3A_893 = arith.constant 0 : i32
      %dma_wait3A_894 = arith.constant 1 : i32
      %dma_wait3A_895 = arith.constant 128 : i32
      %dma_wait3A_896 = arith.constant 0 : i32
      %dma_wait3A_897 = tpu.memref_slice %arg6[%dma_wait3A_895, %dma_wait3A_896] : memref<512x64xf32, #tpu.memory_space<vmem>> -> memref<128x64xf32, #tpu.memory_space<vmem>>
      %dma_wait3A_898 = arith.constant 0 : i32
      %dma_wait3A_899 = tpu.memref_slice %arg5[%dma_wait3A_893, %dma_wait3A_898] : memref<200x128xi32, #tpu.memory_space<vmem>> -> memref<1x128xi32, #tpu.memory_space<vmem>>
      %dma_wait3A_900 = tpu.memref_squeeze %dma_wait3A_899 : memref<1x128xi32, #tpu.memory_space<vmem>> -> memref<128xi32, #tpu.memory_space<vmem>>
      %dma_wait3A_901 = arith.constant 0 : i32
      %dma_wait3A_902 = arith.constant 0 : i32
      %dma_wait3A_903 = tpu.memref_slice %arg3[%dma_wait3A_901, %dma_wait3A_902] : memref<1000000x64xf32, #tpu.memory_space<hbm>> -> memref<1000000x64xf32, #tpu.memory_space<hbm>>
      %dma_wait3A_904 = tpu.memref_slice %arg8[%dma_wait3A_894] : memref<4x!tpu.dma_semaphore, #tpu.memory_space<semaphore_mem>> -> memref<1x!tpu.dma_semaphore, #tpu.memory_space<semaphore_mem>>
      %dma_wait3A_905 = tpu.memref_squeeze %dma_wait3A_904 : memref<1x!tpu.dma_semaphore, #tpu.memory_space<semaphore_mem>> -> memref<!tpu.dma_semaphore, #tpu.memory_space<semaphore_mem>>
      tpu.wait_indirect_dma semaphore(%dma_wait3A_905 : memref<!tpu.dma_semaphore, #tpu.memory_space<semaphore_mem>>) src(%dma_wait3A_903 : memref<1000000x64xf32, #tpu.memory_space<hbm>>) dst(%dma_wait3A_897 : memref<128x64xf32, #tpu.memory_space<vmem>>)
      %gt3A_906 = arith.constant 0 : i32
      %gt3A_907 = arith.cmpi sgt, %scan3A_755, %gt3A_906 : i32
      %convert_element_type3A_908 = arith.extui %gt3A_907 : i1 to i32
      %cond3A_909 = arith.constant 0 : i32
      %cond3A_910 = arith.cmpi ne, %convert_element_type3A_908, %cond3A_909 : i32
      scf.if %cond3A_910 {
        %dma_wait3A_1134 = arith.constant 0 : i32
        %dma_wait3A_1135 = arith.constant 0 : i32
        %dma_wait3A_1136 = arith.constant 1 : i32
        %dma_wait3A_1137 = arith.constant 8 : i32
        %dma_wait3A_1138 = arith.constant 0 : i32
        %dma_wait3A_1139 = arith.constant 0 : i32
        %dma_wait3A_1140 = tpu.memref_slice %arg7[%dma_wait3A_1137, %dma_wait3A_1138, %dma_wait3A_1139] : memref<32x8x129xf32, #tpu.memory_space<vmem>> -> memref<8x8x128xf32, #tpu.memory_space<vmem>>
        %dma_wait3A_1141 = arith.constant 0 : i32
        %dma_wait3A_1142 = arith.constant 0 : i32
        %dma_wait3A_1143 = arith.constant 0 : i32
        %dma_wait3A_1144 = tpu.memref_slice %arg4[%dma_wait3A_1134, %dma_wait3A_1141, %dma_wait3A_1135, %dma_wait3A_1142, %dma_wait3A_1143] : memref<200x8x32x8x128xf32, #tpu.memory_space<hbm>> -> memref<1x8x1x8x128xf32, #tpu.memory_space<hbm>>
        %dma_wait3A_1145 = tpu.memref_squeeze %dma_wait3A_1144 : memref<1x8x1x8x128xf32, #tpu.memory_space<hbm>> -> memref<8x8x128xf32, #tpu.memory_space<hbm>>
        %dma_wait3A_1146 = tpu.memref_slice %arg9[%dma_wait3A_1136] : memref<4x!tpu.dma_semaphore, #tpu.memory_space<semaphore_mem>> -> memref<1x!tpu.dma_semaphore, #tpu.memory_space<semaphore_mem>>
        %dma_wait3A_1147 = tpu.memref_squeeze %dma_wait3A_1146 : memref<1x!tpu.dma_semaphore, #tpu.memory_space<semaphore_mem>> -> memref<!tpu.dma_semaphore, #tpu.memory_space<semaphore_mem>>
        %dma_wait3A_1148 = arith.constant 0 : i32
        %dma_wait3A_1149 = arith.constant 0 : i32
        %dma_wait3A_1150 = arith.constant 0 : i32
        %dma_wait3A_1151 = tpu.memref_slice %arg4[%dma_wait3A_1134, %dma_wait3A_1148, %dma_wait3A_1135, %dma_wait3A_1149, %dma_wait3A_1150] : memref<200x8x32x8x128xf32, #tpu.memory_space<hbm>> -> memref<1x8x1x8x128xf32, #tpu.memory_space<hbm>>
        %dma_wait3A_1152 = tpu.memref_squeeze %dma_wait3A_1151 : memref<1x8x1x8x128xf32, #tpu.memory_space<hbm>> -> memref<8x8x128xf32, #tpu.memory_space<hbm>>
        %dma_wait3A_1153 = arith.constant 8 : i32
        %dma_wait3A_1154 = arith.constant 0 : i32
        %dma_wait3A_1155 = arith.constant 0 : i32
        %dma_wait3A_1156 = tpu.memref_slice %arg7[%dma_wait3A_1153, %dma_wait3A_1154, %dma_wait3A_1155] : memref<32x8x129xf32, #tpu.memory_space<vmem>> -> memref<8x8x128xf32, #tpu.memory_space<vmem>>
        tpu.wait_dma2 semaphore(%dma_wait3A_1147 : memref<!tpu.dma_semaphore, #tpu.memory_space<semaphore_mem>>) src(%dma_wait3A_1156 : memref<8x8x128xf32, #tpu.memory_space<vmem>>) dst(%dma_wait3A_1152 : memref<8x8x128xf32, #tpu.memory_space<hbm>>)
      } else {
      }
      %parallel_loop3A_911 = arith.constant 0 : i32
      %parallel_loop3A_912 = arith.constant 128 : i32
      %parallel_loop3A_913 = arith.constant 1 : i32
      scf.for %parallel_loop3A_1134 = %parallel_loop3A_911 to %parallel_loop3A_912 step %parallel_loop3A_913  : i32 {
        %parallel_loop3A_1135 = arith.constant 0 : i32
        %parallel_loop3A_1136 = vector.broadcast %parallel_loop3A_1135 : i32 to vector<16xi32>
        %parallel_loop3A_1137 = arith.muli %iota3A, %parallel_loop3A_1136 : vector<16xi32>
        %parallel_loop3A_1138 = vector.broadcast %parallel_loop3A_1134 : i32 to vector<16xi32>
        %parallel_loop3A_1139 = arith.addi %parallel_loop3A_1137, %parallel_loop3A_1138 : vector<16xi32>
        %parallel_loop3A_1140 = arith.constant 128 : i32
        %parallel_loop3A_1141 = arith.addi %parallel_loop3A_1140, %parallel_loop3A_1134 : i32
        %parallel_loop3A_1142 = arith.index_cast %parallel_loop3A_1141 : i32 to index
        %parallel_loop3A_1143 = arith.constant 0 : index
        %parallel_loop3A_1144 = tpu.vector_load %arg6[%parallel_loop3A_1142, %parallel_loop3A_1143] {strides = array<i32>} : memref<512x64xf32, #tpu.memory_space<vmem>>, vector<16xf32>,
        %parallel_loop3A_1145 = arith.constant 8.000000e+00 : f32
        %parallel_loop3A_1146 = vector.broadcast %parallel_loop3A_1145 : f32 to vector<16xf32>
        %parallel_loop3A_1147 = arith.mulf %parallel_loop3A_1144, %parallel_loop3A_1146 : vector<16xf32>
        tpu.vector_store_idx %arg7[%add3A_227, %rem3A_640, %parallel_loop3A_1139], %parallel_loop3A_1147 : memref<32x8x129xf32, #tpu.memory_space<vmem>>[vector<16xi32>, vector<16xi32>, vector<16xi32>], vector<16xf32>,
        %parallel_loop3A_1148 = arith.constant 128 : i32
        %parallel_loop3A_1149 = arith.addi %parallel_loop3A_1148, %parallel_loop3A_1134 : i32
        %parallel_loop3A_1150 = arith.index_cast %parallel_loop3A_1149 : i32 to index
        %parallel_loop3A_1151 = arith.constant 16 : index
        %parallel_loop3A_1152 = tpu.vector_load %arg6[%parallel_loop3A_1150, %parallel_loop3A_1151] {strides = array<i32>} : memref<512x64xf32, #tpu.memory_space<vmem>>, vector<16xf32>,
        %parallel_loop3A_1153 = arith.constant 8.000000e+00 : f32
        %parallel_loop3A_1154 = vector.broadcast %parallel_loop3A_1153 : f32 to vector<16xf32>
        %parallel_loop3A_1155 = arith.mulf %parallel_loop3A_1152, %parallel_loop3A_1154 : vector<16xf32>
        tpu.vector_store_idx %arg7[%add3A_264, %rem3A_646, %parallel_loop3A_1139], %parallel_loop3A_1155 : memref<32x8x129xf32, #tpu.memory_space<vmem>>[vector<16xi32>, vector<16xi32>, vector<16xi32>], vector<16xf32>,
        %parallel_loop3A_1156 = arith.constant 128 : i32
        %parallel_loop3A_1157 = arith.addi %parallel_loop3A_1156, %parallel_loop3A_1134 : i32
        %parallel_loop3A_1158 = arith.index_cast %parallel_loop3A_1157 : i32 to index
        %parallel_loop3A_1159 = arith.constant 32 : index
        %parallel_loop3A_1160 = tpu.vector_load %arg6[%parallel_loop3A_1158, %parallel_loop3A_1159] {strides = array<i32>} : memref<512x64xf32, #tpu.memory_space<vmem>>, vector<16xf32>,
        %parallel_loop3A_1161 = arith.constant 8.000000e+00 : f32
        %parallel_loop3A_1162 = vector.broadcast %parallel_loop3A_1161 : f32 to vector<16xf32>
        %parallel_loop3A_1163 = arith.mulf %parallel_loop3A_1160, %parallel_loop3A_1162 : vector<16xf32>
        tpu.vector_store_idx %arg7[%add3A_301, %rem3A_652, %parallel_loop3A_1139], %parallel_loop3A_1163 : memref<32x8x129xf32, #tpu.memory_space<vmem>>[vector<16xi32>, vector<16xi32>, vector<16xi32>], vector<16xf32>,
        %parallel_loop3A_1164 = arith.constant 128 : i32
        %parallel_loop3A_1165 = arith.addi %parallel_loop3A_1164, %parallel_loop3A_1134 : i32
        %parallel_loop3A_1166 = arith.index_cast %parallel_loop3A_1165 : i32 to index
        %parallel_loop3A_1167 = arith.constant 48 : index
        %parallel_loop3A_1168 = tpu.vector_load %arg6[%parallel_loop3A_1166, %parallel_loop3A_1167] {strides = array<i32>} : memref<512x64xf32, #tpu.memory_space<vmem>>, vector<16xf32>,
        %parallel_loop3A_1169 = arith.constant 8.000000e+00 : f32
        %parallel_loop3A_1170 = vector.broadcast %parallel_loop3A_1169 : f32 to vector<16xf32>
        %parallel_loop3A_1171 = arith.mulf %parallel_loop3A_1168, %parallel_loop3A_1170 : vector<16xf32>
        tpu.vector_store_idx %arg7[%add3A_338, %rem3A_658, %parallel_loop3A_1139], %parallel_loop3A_1171 : memref<32x8x129xf32, #tpu.memory_space<vmem>>[vector<16xi32>, vector<16xi32>, vector<16xi32>], vector<16xf32>,
      } {sc.loop_unroll_factor = 8 : i64, sc.parallel_access}
      %dma_start3A_914 = arith.constant 1 : i32
      %dma_start3A_915 = arith.constant 8 : i32
      %dma_start3A_916 = arith.constant 0 : i32
      %dma_start3A_917 = arith.constant 0 : i32
      %dma_start3A_918 = tpu.memref_slice %arg7[%dma_start3A_915, %dma_start3A_916, %dma_start3A_917] : memref<32x8x129xf32, #tpu.memory_space<vmem>> -> memref<8x8x128xf32, #tpu.memory_space<vmem>>
      %dma_start3A_919 = arith.constant 0 : i32
      %dma_start3A_920 = arith.constant 0 : i32
      %dma_start3A_921 = arith.constant 0 : i32
      %dma_start3A_922 = tpu.memref_slice %arg4[%select_n3A_876, %dma_start3A_919, %select_n3A_892, %dma_start3A_920, %dma_start3A_921] : memref<200x8x32x8x128xf32, #tpu.memory_space<hbm>> -> memref<1x8x1x8x128xf32, #tpu.memory_space<hbm>>
      %dma_start3A_923 = tpu.memref_squeeze %dma_start3A_922 : memref<1x8x1x8x128xf32, #tpu.memory_space<hbm>> -> memref<8x8x128xf32, #tpu.memory_space<hbm>>
      %dma_start3A_924 = tpu.memref_slice %arg9[%dma_start3A_914] : memref<4x!tpu.dma_semaphore, #tpu.memory_space<semaphore_mem>> -> memref<1x!tpu.dma_semaphore, #tpu.memory_space<semaphore_mem>>
      %dma_start3A_925 = tpu.memref_squeeze %dma_start3A_924 : memref<1x!tpu.dma_semaphore, #tpu.memory_space<semaphore_mem>> -> memref<!tpu.dma_semaphore, #tpu.memory_space<semaphore_mem>>
      %dma_start3A_926 = arith.constant 0 : i32
      %dma_start3A_927 = arith.constant 0 : i32
      %dma_start3A_928 = arith.constant 0 : i32
      %dma_start3A_929 = tpu.memref_slice %arg4[%select_n3A_876, %dma_start3A_926, %select_n3A_892, %dma_start3A_927, %dma_start3A_928] : memref<200x8x32x8x128xf32, #tpu.memory_space<hbm>> -> memref<1x8x1x8x128xf32, #tpu.memory_space<hbm>>
      %dma_start3A_930 = tpu.memref_squeeze %dma_start3A_929 : memref<1x8x1x8x128xf32, #tpu.memory_space<hbm>> -> memref<8x8x128xf32, #tpu.memory_space<hbm>>
      %dma_start3A_931 = arith.constant 8 : i32
      %dma_start3A_932 = arith.constant 0 : i32
      %dma_start3A_933 = arith.constant 0 : i32
      %dma_start3A_934 = tpu.memref_slice %arg7[%dma_start3A_931, %dma_start3A_932, %dma_start3A_933] : memref<32x8x129xf32, #tpu.memory_space<vmem>> -> memref<8x8x128xf32, #tpu.memory_space<vmem>>
      tpu.enqueue_dma source(%dma_start3A_934 : memref<8x8x128xf32, #tpu.memory_space<vmem>>) target(%dma_start3A_930 : memref<8x8x128xf32, #tpu.memory_space<hbm>>) target_semaphore(%dma_start3A_925 : memref<!tpu.dma_semaphore, #tpu.memory_space<semaphore_mem>>)
      %add3A_935 = arith.constant 4 : i32
      %add3A_936 = arith.addi %add3A_849, %add3A_935 : i32
      %lt3A_937 = arith.constant 200 : i32
      %lt3A_938 = arith.cmpi slt, %add3A_936, %lt3A_937 : i32
      %convert_element_type3A_939 = arith.extui %lt3A_938 : i1 to i32
      %cond3A_940 = arith.constant 0 : i32
      %cond3A_941 = arith.cmpi ne, %convert_element_type3A_939, %cond3A_940 : i32
      scf.if %cond3A_941 {
        %dma_start3A_1134 = arith.constant 1 : i32
        %dma_start3A_1135 = arith.constant 128 : i32
        %dma_start3A_1136 = arith.constant 0 : i32
        %dma_start3A_1137 = tpu.memref_slice %arg6[%dma_start3A_1135, %dma_start3A_1136] : memref<512x64xf32, #tpu.memory_space<vmem>> -> memref<128x64xf32, #tpu.memory_space<vmem>>
        %dma_start3A_1138 = arith.constant 0 : i32
        %dma_start3A_1139 = tpu.memref_slice %arg5[%add3A_936, %dma_start3A_1138] : memref<200x128xi32, #tpu.memory_space<vmem>> -> memref<1x128xi32, #tpu.memory_space<vmem>>
        %dma_start3A_1140 = tpu.memref_squeeze %dma_start3A_1139 : memref<1x128xi32, #tpu.memory_space<vmem>> -> memref<128xi32, #tpu.memory_space<vmem>>
        %dma_start3A_1141 = arith.constant 0 : i32
        %dma_start3A_1142 = arith.constant 0 : i32
        %dma_start3A_1143 = tpu.memref_slice %arg3[%dma_start3A_1141, %dma_start3A_1142] : memref<1000000x64xf32, #tpu.memory_space<hbm>> -> memref<1000000x64xf32, #tpu.memory_space<hbm>>
        %dma_start3A_1144 = tpu.memref_slice %arg8[%dma_start3A_1134] : memref<4x!tpu.dma_semaphore, #tpu.memory_space<semaphore_mem>> -> memref<1x!tpu.dma_semaphore, #tpu.memory_space<semaphore_mem>>
        %dma_start3A_1145 = tpu.memref_squeeze %dma_start3A_1144 : memref<1x!tpu.dma_semaphore, #tpu.memory_space<semaphore_mem>> -> memref<!tpu.dma_semaphore, #tpu.memory_space<semaphore_mem>>
        tpu.enqueue_indirect_dma source(%dma_start3A_1143 : memref<1000000x64xf32, #tpu.memory_space<hbm>>) target(%dma_start3A_1137 : memref<128x64xf32, #tpu.memory_space<vmem>>) offsets(%dma_start3A_1140 : memref<128xi32, #tpu.memory_space<vmem>>) semaphore(%dma_start3A_1145 : memref<!tpu.dma_semaphore, #tpu.memory_space<semaphore_mem>>)
      } else {
      }
      %mul3A_942 = arith.constant 4 : i32
      %mul3A_943 = arith.muli %scan3A_755, %mul3A_942 : i32
      %add3A_944 = arith.constant 2 : i32
      %add3A_945 = arith.addi %mul3A_943, %add3A_944 : i32
      %mul3A_946 = arith.constant 200 : i32
      %mul3A_947 = arith.muli %add3A, %mul3A_946 : i32
      %add3A_948 = arith.addi %mul3A_947, %add3A_945 : i32
      %jit3A_949 = arith.constant 32 : i32
      %div3A_950 = arith.divsi %add3A_948, %jit3A_949 : i32
      %sign3A_951 = arith.constant 0 : i32
      %sign3A_952 = arith.cmpi sgt, %add3A_948, %sign3A_951 : i32
      %sign3A_953 = arith.extui %sign3A_952 : i1 to i32
      %sign3A_954 = arith.constant 0 : i32
      %sign3A_955 = arith.cmpi slt, %add3A_948, %sign3A_954 : i32
      %sign3A_956 = arith.extui %sign3A_955 : i1 to i32
      %sign3A_957 = arith.subi %sign3A_953, %sign3A_956 : i32
      %sign3A_958 = arith.constant 0 : i32
      %sign3A_959 = arith.cmpi sgt, %jit3A_949, %sign3A_958 : i32
      %sign3A_960 = arith.extui %sign3A_959 : i1 to i32
      %sign3A_961 = arith.constant 0 : i32
      %sign3A_962 = arith.cmpi slt, %jit3A_949, %sign3A_961 : i32
      %sign3A_963 = arith.extui %sign3A_962 : i1 to i32
      %sign3A_964 = arith.subi %sign3A_960, %sign3A_963 : i32
      %ne3A_965 = arith.cmpi ne, %sign3A_957, %sign3A_964 : i32
      %rem3A_966 = arith.remsi %add3A_948, %jit3A_949 : i32
      %ne3A_967 = arith.constant 0 : i32
      %ne3A_968 = arith.cmpi ne, %rem3A_966, %ne3A_967 : i32
      %and3A_969 = arith.andi %ne3A_965, %ne3A_968 : i1
      %sub3A_970 = arith.constant 1 : i32
      %sub3A_971 = arith.subi %div3A_950, %sub3A_970 : i32
      %select_n3A_972 = arith.select %and3A_969, %sub3A_971, %div3A_950 : i32
      %jit3A_973 = arith.constant 32 : i32
      %eq3A_974 = arith.constant 0 : i32
      %eq3A_975 = arith.cmpi eq, %jit3A_973, %eq3A_974 : i32
      %jit3A_976 = arith.constant 1 : i32
      %select_n3A_977 = arith.select %eq3A_975, %jit3A_976, %jit3A_973 : i32
      %rem3A_978 = arith.remsi %add3A_948, %select_n3A_977 : i32
      %ne3A_979 = arith.constant 0 : i32
      %ne3A_980 = arith.cmpi ne, %rem3A_978, %ne3A_979 : i32
      %lt3A_981 = arith.constant 0 : i32
      %lt3A_982 = arith.cmpi slt, %rem3A_978, %lt3A_981 : i32
      %lt3A_983 = arith.constant 0 : i32
      %lt3A_984 = arith.cmpi slt, %select_n3A_977, %lt3A_983 : i32
      %ne3A_985 = arith.xori %lt3A_982, %lt3A_984 : i1
      %and3A_986 = arith.andi %ne3A_985, %ne3A_980 : i1
      %add3A_987 = arith.addi %rem3A_978, %select_n3A_977 : i32
      %select_n3A_988 = arith.select %and3A_986, %add3A_987, %rem3A_978 : i32
      %dma_wait3A_989 = arith.constant 0 : i32
      %dma_wait3A_990 = arith.constant 2 : i32
      %dma_wait3A_991 = arith.constant 256 : i32
      %dma_wait3A_992 = arith.constant 0 : i32
      %dma_wait3A_993 = tpu.memref_slice %arg6[%dma_wait3A_991, %dma_wait3A_992] : memref<512x64xf32, #tpu.memory_space<vmem>> -> memref<128x64xf32, #tpu.memory_space<vmem>>
      %dma_wait3A_994 = arith.constant 0 : i32
      %dma_wait3A_995 = tpu.memref_slice %arg5[%dma_wait3A_989, %dma_wait3A_994] : memref<200x128xi32, #tpu.memory_space<vmem>> -> memref<1x128xi32, #tpu.memory_space<vmem>>
      %dma_wait3A_996 = tpu.memref_squeeze %dma_wait3A_995 : memref<1x128xi32, #tpu.memory_space<vmem>> -> memref<128xi32, #tpu.memory_space<vmem>>
      %dma_wait3A_997 = arith.constant 0 : i32
      %dma_wait3A_998 = arith.constant 0 : i32
      %dma_wait3A_999 = tpu.memref_slice %arg3[%dma_wait3A_997, %dma_wait3A_998] : memref<1000000x64xf32, #tpu.memory_space<hbm>> -> memref<1000000x64xf32, #tpu.memory_space<hbm>>
      %dma_wait3A_1000 = tpu.memref_slice %arg8[%dma_wait3A_990] : memref<4x!tpu.dma_semaphore, #tpu.memory_space<semaphore_mem>> -> memref<1x!tpu.dma_semaphore, #tpu.memory_space<semaphore_mem>>
      %dma_wait3A_1001 = tpu.memref_squeeze %dma_wait3A_1000 : memref<1x!tpu.dma_semaphore, #tpu.memory_space<semaphore_mem>> -> memref<!tpu.dma_semaphore, #tpu.memory_space<semaphore_mem>>
      tpu.wait_indirect_dma semaphore(%dma_wait3A_1001 : memref<!tpu.dma_semaphore, #tpu.memory_space<semaphore_mem>>) src(%dma_wait3A_999 : memref<1000000x64xf32, #tpu.memory_space<hbm>>) dst(%dma_wait3A_993 : memref<128x64xf32, #tpu.memory_space<vmem>>)
      %gt3A_1002 = arith.constant 0 : i32
      %gt3A_1003 = arith.cmpi sgt, %scan3A_755, %gt3A_1002 : i32
      %convert_element_type3A_1004 = arith.extui %gt3A_1003 : i1 to i32
      %cond3A_1005 = arith.constant 0 : i32
      %cond3A_1006 = arith.cmpi ne, %convert_element_type3A_1004, %cond3A_1005 : i32
      scf.if %cond3A_1006 {
        %dma_wait3A_1134 = arith.constant 0 : i32
        %dma_wait3A_1135 = arith.constant 0 : i32
        %dma_wait3A_1136 = arith.constant 2 : i32
        %dma_wait3A_1137 = arith.constant 16 : i32
        %dma_wait3A_1138 = arith.constant 0 : i32
        %dma_wait3A_1139 = arith.constant 0 : i32
        %dma_wait3A_1140 = tpu.memref_slice %arg7[%dma_wait3A_1137, %dma_wait3A_1138, %dma_wait3A_1139] : memref<32x8x129xf32, #tpu.memory_space<vmem>> -> memref<8x8x128xf32, #tpu.memory_space<vmem>>
        %dma_wait3A_1141 = arith.constant 0 : i32
        %dma_wait3A_1142 = arith.constant 0 : i32
        %dma_wait3A_1143 = arith.constant 0 : i32
        %dma_wait3A_1144 = tpu.memref_slice %arg4[%dma_wait3A_1134, %dma_wait3A_1141, %dma_wait3A_1135, %dma_wait3A_1142, %dma_wait3A_1143] : memref<200x8x32x8x128xf32, #tpu.memory_space<hbm>> -> memref<1x8x1x8x128xf32, #tpu.memory_space<hbm>>
        %dma_wait3A_1145 = tpu.memref_squeeze %dma_wait3A_1144 : memref<1x8x1x8x128xf32, #tpu.memory_space<hbm>> -> memref<8x8x128xf32, #tpu.memory_space<hbm>>
        %dma_wait3A_1146 = tpu.memref_slice %arg9[%dma_wait3A_1136] : memref<4x!tpu.dma_semaphore, #tpu.memory_space<semaphore_mem>> -> memref<1x!tpu.dma_semaphore, #tpu.memory_space<semaphore_mem>>
        %dma_wait3A_1147 = tpu.memref_squeeze %dma_wait3A_1146 : memref<1x!tpu.dma_semaphore, #tpu.memory_space<semaphore_mem>> -> memref<!tpu.dma_semaphore, #tpu.memory_space<semaphore_mem>>
        %dma_wait3A_1148 = arith.constant 0 : i32
        %dma_wait3A_1149 = arith.constant 0 : i32
        %dma_wait3A_1150 = arith.constant 0 : i32
        %dma_wait3A_1151 = tpu.memref_slice %arg4[%dma_wait3A_1134, %dma_wait3A_1148, %dma_wait3A_1135, %dma_wait3A_1149, %dma_wait3A_1150] : memref<200x8x32x8x128xf32, #tpu.memory_space<hbm>> -> memref<1x8x1x8x128xf32, #tpu.memory_space<hbm>>
        %dma_wait3A_1152 = tpu.memref_squeeze %dma_wait3A_1151 : memref<1x8x1x8x128xf32, #tpu.memory_space<hbm>> -> memref<8x8x128xf32, #tpu.memory_space<hbm>>
        %dma_wait3A_1153 = arith.constant 16 : i32
        %dma_wait3A_1154 = arith.constant 0 : i32
        %dma_wait3A_1155 = arith.constant 0 : i32
        %dma_wait3A_1156 = tpu.memref_slice %arg7[%dma_wait3A_1153, %dma_wait3A_1154, %dma_wait3A_1155] : memref<32x8x129xf32, #tpu.memory_space<vmem>> -> memref<8x8x128xf32, #tpu.memory_space<vmem>>
        tpu.wait_dma2 semaphore(%dma_wait3A_1147 : memref<!tpu.dma_semaphore, #tpu.memory_space<semaphore_mem>>) src(%dma_wait3A_1156 : memref<8x8x128xf32, #tpu.memory_space<vmem>>) dst(%dma_wait3A_1152 : memref<8x8x128xf32, #tpu.memory_space<hbm>>)
      } else {
      }
      %parallel_loop3A_1007 = arith.constant 0 : i32
      %parallel_loop3A_1008 = arith.constant 128 : i32
      %parallel_loop3A_1009 = arith.constant 1 : i32
      scf.for %parallel_loop3A_1134 = %parallel_loop3A_1007 to %parallel_loop3A_1008 step %parallel_loop3A_1009  : i32 {
        %parallel_loop3A_1135 = arith.constant 0 : i32
        %parallel_loop3A_1136 = vector.broadcast %parallel_loop3A_1135 : i32 to vector<16xi32>
        %parallel_loop3A_1137 = arith.muli %iota3A, %parallel_loop3A_1136 : vector<16xi32>
        %parallel_loop3A_1138 = vector.broadcast %parallel_loop3A_1134 : i32 to vector<16xi32>
        %parallel_loop3A_1139 = arith.addi %parallel_loop3A_1137, %parallel_loop3A_1138 : vector<16xi32>
        %parallel_loop3A_1140 = arith.constant 256 : i32
        %parallel_loop3A_1141 = arith.addi %parallel_loop3A_1140, %parallel_loop3A_1134 : i32
        %parallel_loop3A_1142 = arith.index_cast %parallel_loop3A_1141 : i32 to index
        %parallel_loop3A_1143 = arith.constant 0 : index
        %parallel_loop3A_1144 = tpu.vector_load %arg6[%parallel_loop3A_1142, %parallel_loop3A_1143] {strides = array<i32>} : memref<512x64xf32, #tpu.memory_space<vmem>>, vector<16xf32>,
        %parallel_loop3A_1145 = arith.constant 8.000000e+00 : f32
        %parallel_loop3A_1146 = vector.broadcast %parallel_loop3A_1145 : f32 to vector<16xf32>
        %parallel_loop3A_1147 = arith.mulf %parallel_loop3A_1144, %parallel_loop3A_1146 : vector<16xf32>
        tpu.vector_store_idx %arg7[%add3A_375, %rem3A_640, %parallel_loop3A_1139], %parallel_loop3A_1147 : memref<32x8x129xf32, #tpu.memory_space<vmem>>[vector<16xi32>, vector<16xi32>, vector<16xi32>], vector<16xf32>,
        %parallel_loop3A_1148 = arith.constant 256 : i32
        %parallel_loop3A_1149 = arith.addi %parallel_loop3A_1148, %parallel_loop3A_1134 : i32
        %parallel_loop3A_1150 = arith.index_cast %parallel_loop3A_1149 : i32 to index
        %parallel_loop3A_1151 = arith.constant 16 : index
        %parallel_loop3A_1152 = tpu.vector_load %arg6[%parallel_loop3A_1150, %parallel_loop3A_1151] {strides = array<i32>} : memref<512x64xf32, #tpu.memory_space<vmem>>, vector<16xf32>,
        %parallel_loop3A_1153 = arith.constant 8.000000e+00 : f32
        %parallel_loop3A_1154 = vector.broadcast %parallel_loop3A_1153 : f32 to vector<16xf32>
        %parallel_loop3A_1155 = arith.mulf %parallel_loop3A_1152, %parallel_loop3A_1154 : vector<16xf32>
        tpu.vector_store_idx %arg7[%add3A_412, %rem3A_646, %parallel_loop3A_1139], %parallel_loop3A_1155 : memref<32x8x129xf32, #tpu.memory_space<vmem>>[vector<16xi32>, vector<16xi32>, vector<16xi32>], vector<16xf32>,
        %parallel_loop3A_1156 = arith.constant 256 : i32
        %parallel_loop3A_1157 = arith.addi %parallel_loop3A_1156, %parallel_loop3A_1134 : i32
        %parallel_loop3A_1158 = arith.index_cast %parallel_loop3A_1157 : i32 to index
        %parallel_loop3A_1159 = arith.constant 32 : index
        %parallel_loop3A_1160 = tpu.vector_load %arg6[%parallel_loop3A_1158, %parallel_loop3A_1159] {strides = array<i32>} : memref<512x64xf32, #tpu.memory_space<vmem>>, vector<16xf32>,
        %parallel_loop3A_1161 = arith.constant 8.000000e+00 : f32
        %parallel_loop3A_1162 = vector.broadcast %parallel_loop3A_1161 : f32 to vector<16xf32>
        %parallel_loop3A_1163 = arith.mulf %parallel_loop3A_1160, %parallel_loop3A_1162 : vector<16xf32>
        tpu.vector_store_idx %arg7[%add3A_449, %rem3A_652, %parallel_loop3A_1139], %parallel_loop3A_1163 : memref<32x8x129xf32, #tpu.memory_space<vmem>>[vector<16xi32>, vector<16xi32>, vector<16xi32>], vector<16xf32>,
        %parallel_loop3A_1164 = arith.constant 256 : i32
        %parallel_loop3A_1165 = arith.addi %parallel_loop3A_1164, %parallel_loop3A_1134 : i32
        %parallel_loop3A_1166 = arith.index_cast %parallel_loop3A_1165 : i32 to index
        %parallel_loop3A_1167 = arith.constant 48 : index
        %parallel_loop3A_1168 = tpu.vector_load %arg6[%parallel_loop3A_1166, %parallel_loop3A_1167] {strides = array<i32>} : memref<512x64xf32, #tpu.memory_space<vmem>>, vector<16xf32>,
        %parallel_loop3A_1169 = arith.constant 8.000000e+00 : f32
        %parallel_loop3A_1170 = vector.broadcast %parallel_loop3A_1169 : f32 to vector<16xf32>
        %parallel_loop3A_1171 = arith.mulf %parallel_loop3A_1168, %parallel_loop3A_1170 : vector<16xf32>
        tpu.vector_store_idx %arg7[%add3A_486, %rem3A_658, %parallel_loop3A_1139], %parallel_loop3A_1171 : memref<32x8x129xf32, #tpu.memory_space<vmem>>[vector<16xi32>, vector<16xi32>, vector<16xi32>], vector<16xf32>,
      } {sc.loop_unroll_factor = 8 : i64, sc.parallel_access}
      %dma_start3A_1010 = arith.constant 2 : i32
      %dma_start3A_1011 = arith.constant 16 : i32
      %dma_start3A_1012 = arith.constant 0 : i32
      %dma_start3A_1013 = arith.constant 0 : i32
      %dma_start3A_1014 = tpu.memref_slice %arg7[%dma_start3A_1011, %dma_start3A_1012, %dma_start3A_1013] : memref<32x8x129xf32, #tpu.memory_space<vmem>> -> memref<8x8x128xf32, #tpu.memory_space<vmem>>
      %dma_start3A_1015 = arith.constant 0 : i32
      %dma_start3A_1016 = arith.constant 0 : i32
      %dma_start3A_1017 = arith.constant 0 : i32
      %dma_start3A_1018 = tpu.memref_slice %arg4[%select_n3A_972, %dma_start3A_1015, %select_n3A_988, %dma_start3A_1016, %dma_start3A_1017] : memref<200x8x32x8x128xf32, #tpu.memory_space<hbm>> -> memref<1x8x1x8x128xf32, #tpu.memory_space<hbm>>
      %dma_start3A_1019 = tpu.memref_squeeze %dma_start3A_1018 : memref<1x8x1x8x128xf32, #tpu.memory_space<hbm>> -> memref<8x8x128xf32, #tpu.memory_space<hbm>>
      %dma_start3A_1020 = tpu.memref_slice %arg9[%dma_start3A_1010] : memref<4x!tpu.dma_semaphore, #tpu.memory_space<semaphore_mem>> -> memref<1x!tpu.dma_semaphore, #tpu.memory_space<semaphore_mem>>
      %dma_start3A_1021 = tpu.memref_squeeze %dma_start3A_1020 : memref<1x!tpu.dma_semaphore, #tpu.memory_space<semaphore_mem>> -> memref<!tpu.dma_semaphore, #tpu.memory_space<semaphore_mem>>
      %dma_start3A_1022 = arith.constant 0 : i32
      %dma_start3A_1023 = arith.constant 0 : i32
      %dma_start3A_1024 = arith.constant 0 : i32
      %dma_start3A_1025 = tpu.memref_slice %arg4[%select_n3A_972, %dma_start3A_1022, %select_n3A_988, %dma_start3A_1023, %dma_start3A_1024] : memref<200x8x32x8x128xf32, #tpu.memory_space<hbm>> -> memref<1x8x1x8x128xf32, #tpu.memory_space<hbm>>
      %dma_start3A_1026 = tpu.memref_squeeze %dma_start3A_1025 : memref<1x8x1x8x128xf32, #tpu.memory_space<hbm>> -> memref<8x8x128xf32, #tpu.memory_space<hbm>>
      %dma_start3A_1027 = arith.constant 16 : i32
      %dma_start3A_1028 = arith.constant 0 : i32
      %dma_start3A_1029 = arith.constant 0 : i32
      %dma_start3A_1030 = tpu.memref_slice %arg7[%dma_start3A_1027, %dma_start3A_1028, %dma_start3A_1029] : memref<32x8x129xf32, #tpu.memory_space<vmem>> -> memref<8x8x128xf32, #tpu.memory_space<vmem>>
      tpu.enqueue_dma source(%dma_start3A_1030 : memref<8x8x128xf32, #tpu.memory_space<vmem>>) target(%dma_start3A_1026 : memref<8x8x128xf32, #tpu.memory_space<hbm>>) target_semaphore(%dma_start3A_1021 : memref<!tpu.dma_semaphore, #tpu.memory_space<semaphore_mem>>)
      %add3A_1031 = arith.constant 4 : i32
      %add3A_1032 = arith.addi %add3A_945, %add3A_1031 : i32
      %lt3A_1033 = arith.constant 200 : i32
      %lt3A_1034 = arith.cmpi slt, %add3A_1032, %lt3A_1033 : i32
      %convert_element_type3A_1035 = arith.extui %lt3A_1034 : i1 to i32
      %cond3A_1036 = arith.constant 0 : i32
      %cond3A_1037 = arith.cmpi ne, %convert_element_type3A_1035, %cond3A_1036 : i32
      scf.if %cond3A_1037 {
        %dma_start3A_1134 = arith.constant 2 : i32
        %dma_start3A_1135 = arith.constant 256 : i32
        %dma_start3A_1136 = arith.constant 0 : i32
        %dma_start3A_1137 = tpu.memref_slice %arg6[%dma_start3A_1135, %dma_start3A_1136] : memref<512x64xf32, #tpu.memory_space<vmem>> -> memref<128x64xf32, #tpu.memory_space<vmem>>
        %dma_start3A_1138 = arith.constant 0 : i32
        %dma_start3A_1139 = tpu.memref_slice %arg5[%add3A_1032, %dma_start3A_1138] : memref<200x128xi32, #tpu.memory_space<vmem>> -> memref<1x128xi32, #tpu.memory_space<vmem>>
        %dma_start3A_1140 = tpu.memref_squeeze %dma_start3A_1139 : memref<1x128xi32, #tpu.memory_space<vmem>> -> memref<128xi32, #tpu.memory_space<vmem>>
        %dma_start3A_1141 = arith.constant 0 : i32
        %dma_start3A_1142 = arith.constant 0 : i32
        %dma_start3A_1143 = tpu.memref_slice %arg3[%dma_start3A_1141, %dma_start3A_1142] : memref<1000000x64xf32, #tpu.memory_space<hbm>> -> memref<1000000x64xf32, #tpu.memory_space<hbm>>
        %dma_start3A_1144 = tpu.memref_slice %arg8[%dma_start3A_1134] : memref<4x!tpu.dma_semaphore, #tpu.memory_space<semaphore_mem>> -> memref<1x!tpu.dma_semaphore, #tpu.memory_space<semaphore_mem>>
        %dma_start3A_1145 = tpu.memref_squeeze %dma_start3A_1144 : memref<1x!tpu.dma_semaphore, #tpu.memory_space<semaphore_mem>> -> memref<!tpu.dma_semaphore, #tpu.memory_space<semaphore_mem>>
        tpu.enqueue_indirect_dma source(%dma_start3A_1143 : memref<1000000x64xf32, #tpu.memory_space<hbm>>) target(%dma_start3A_1137 : memref<128x64xf32, #tpu.memory_space<vmem>>) offsets(%dma_start3A_1140 : memref<128xi32, #tpu.memory_space<vmem>>) semaphore(%dma_start3A_1145 : memref<!tpu.dma_semaphore, #tpu.memory_space<semaphore_mem>>)
      } else {
      }
      %mul3A_1038 = arith.constant 4 : i32
      %mul3A_1039 = arith.muli %scan3A_755, %mul3A_1038 : i32
      %add3A_1040 = arith.constant 3 : i32
      %add3A_1041 = arith.addi %mul3A_1039, %add3A_1040 : i32
      %mul3A_1042 = arith.constant 200 : i32
      %mul3A_1043 = arith.muli %add3A, %mul3A_1042 : i32
      %add3A_1044 = arith.addi %mul3A_1043, %add3A_1041 : i32
      %jit3A_1045 = arith.constant 32 : i32
      %div3A_1046 = arith.divsi %add3A_1044, %jit3A_1045 : i32
      %sign3A_1047 = arith.constant 0 : i32
      %sign3A_1048 = arith.cmpi sgt, %add3A_1044, %sign3A_1047 : i32
      %sign3A_1049 = arith.extui %sign3A_1048 : i1 to i32
      %sign3A_1050 = arith.constant 0 : i32
      %sign3A_1051 = arith.cmpi slt, %add3A_1044, %sign3A_1050 : i32
      %sign3A_1052 = arith.extui %sign3A_1051 : i1 to i32
      %sign3A_1053 = arith.subi %sign3A_1049, %sign3A_1052 : i32
      %sign3A_1054 = arith.constant 0 : i32
      %sign3A_1055 = arith.cmpi sgt, %jit3A_1045, %sign3A_1054 : i32
      %sign3A_1056 = arith.extui %sign3A_1055 : i1 to i32
      %sign3A_1057 = arith.constant 0 : i32
      %sign3A_1058 = arith.cmpi slt, %jit3A_1045, %sign3A_1057 : i32
      %sign3A_1059 = arith.extui %sign3A_1058 : i1 to i32
      %sign3A_1060 = arith.subi %sign3A_1056, %sign3A_1059 : i32
      %ne3A_1061 = arith.cmpi ne, %sign3A_1053, %sign3A_1060 : i32
      %rem3A_1062 = arith.remsi %add3A_1044, %jit3A_1045 : i32
      %ne3A_1063 = arith.constant 0 : i32
      %ne3A_1064 = arith.cmpi ne, %rem3A_1062, %ne3A_1063 : i32
      %and3A_1065 = arith.andi %ne3A_1061, %ne3A_1064 : i1
      %sub3A_1066 = arith.constant 1 : i32
      %sub3A_1067 = arith.subi %div3A_1046, %sub3A_1066 : i32
      %select_n3A_1068 = arith.select %and3A_1065, %sub3A_1067, %div3A_1046 : i32
      %jit3A_1069 = arith.constant 32 : i32
      %eq3A_1070 = arith.constant 0 : i32
      %eq3A_1071 = arith.cmpi eq, %jit3A_1069, %eq3A_1070 : i32
      %jit3A_1072 = arith.constant 1 : i32
      %select_n3A_1073 = arith.select %eq3A_1071, %jit3A_1072, %jit3A_1069 : i32
      %rem3A_1074 = arith.remsi %add3A_1044, %select_n3A_1073 : i32
      %ne3A_1075 = arith.constant 0 : i32
      %ne3A_1076 = arith.cmpi ne, %rem3A_1074, %ne3A_1075 : i32
      %lt3A_1077 = arith.constant 0 : i32
      %lt3A_1078 = arith.cmpi slt, %rem3A_1074, %lt3A_1077 : i32
      %lt3A_1079 = arith.constant 0 : i32
      %lt3A_1080 = arith.cmpi slt, %select_n3A_1073, %lt3A_1079 : i32
      %ne3A_1081 = arith.xori %lt3A_1078, %lt3A_1080 : i1
      %and3A_1082 = arith.andi %ne3A_1081, %ne3A_1076 : i1
      %add3A_1083 = arith.addi %rem3A_1074, %select_n3A_1073 : i32
      %select_n3A_1084 = arith.select %and3A_1082, %add3A_1083, %rem3A_1074 : i32
      %dma_wait3A_1085 = arith.constant 0 : i32
      %dma_wait3A_1086 = arith.constant 3 : i32
      %dma_wait3A_1087 = arith.constant 384 : i32
      %dma_wait3A_1088 = arith.constant 0 : i32
      %dma_wait3A_1089 = tpu.memref_slice %arg6[%dma_wait3A_1087, %dma_wait3A_1088] : memref<512x64xf32, #tpu.memory_space<vmem>> -> memref<128x64xf32, #tpu.memory_space<vmem>>
      %dma_wait3A_1090 = arith.constant 0 : i32
      %dma_wait3A_1091 = tpu.memref_slice %arg5[%dma_wait3A_1085, %dma_wait3A_1090] : memref<200x128xi32, #tpu.memory_space<vmem>> -> memref<1x128xi32, #tpu.memory_space<vmem>>
      %dma_wait3A_1092 = tpu.memref_squeeze %dma_wait3A_1091 : memref<1x128xi32, #tpu.memory_space<vmem>> -> memref<128xi32, #tpu.memory_space<vmem>>
      %dma_wait3A_1093 = arith.constant 0 : i32
      %dma_wait3A_1094 = arith.constant 0 : i32
      %dma_wait3A_1095 = tpu.memref_slice %arg3[%dma_wait3A_1093, %dma_wait3A_1094] : memref<1000000x64xf32, #tpu.memory_space<hbm>> -> memref<1000000x64xf32, #tpu.memory_space<hbm>>
      %dma_wait3A_1096 = tpu.memref_slice %arg8[%dma_wait3A_1086] : memref<4x!tpu.dma_semaphore, #tpu.memory_space<semaphore_mem>> -> memref<1x!tpu.dma_semaphore, #tpu.memory_space<semaphore_mem>>
      %dma_wait3A_1097 = tpu.memref_squeeze %dma_wait3A_1096 : memref<1x!tpu.dma_semaphore, #tpu.memory_space<semaphore_mem>> -> memref<!tpu.dma_semaphore, #tpu.memory_space<semaphore_mem>>
      tpu.wait_indirect_dma semaphore(%dma_wait3A_1097 : memref<!tpu.dma_semaphore, #tpu.memory_space<semaphore_mem>>) src(%dma_wait3A_1095 : memref<1000000x64xf32, #tpu.memory_space<hbm>>) dst(%dma_wait3A_1089 : memref<128x64xf32, #tpu.memory_space<vmem>>)
      %gt3A_1098 = arith.constant 0 : i32
      %gt3A_1099 = arith.cmpi sgt, %scan3A_755, %gt3A_1098 : i32
      %convert_element_type3A_1100 = arith.extui %gt3A_1099 : i1 to i32
      %cond3A_1101 = arith.constant 0 : i32
      %cond3A_1102 = arith.cmpi ne, %convert_element_type3A_1100, %cond3A_1101 : i32
      scf.if %cond3A_1102 {
        %dma_wait3A_1134 = arith.constant 0 : i32
        %dma_wait3A_1135 = arith.constant 0 : i32
        %dma_wait3A_1136 = arith.constant 3 : i32
        %dma_wait3A_1137 = arith.constant 24 : i32
        %dma_wait3A_1138 = arith.constant 0 : i32
        %dma_wait3A_1139 = arith.constant 0 : i32
        %dma_wait3A_1140 = tpu.memref_slice %arg7[%dma_wait3A_1137, %dma_wait3A_1138, %dma_wait3A_1139] : memref<32x8x129xf32, #tpu.memory_space<vmem>> -> memref<8x8x128xf32, #tpu.memory_space<vmem>>
        %dma_wait3A_1141 = arith.constant 0 : i32
        %dma_wait3A_1142 = arith.constant 0 : i32
        %dma_wait3A_1143 = arith.constant 0 : i32
        %dma_wait3A_1144 = tpu.memref_slice %arg4[%dma_wait3A_1134, %dma_wait3A_1141, %dma_wait3A_1135, %dma_wait3A_1142, %dma_wait3A_1143] : memref<200x8x32x8x128xf32, #tpu.memory_space<hbm>> -> memref<1x8x1x8x128xf32, #tpu.memory_space<hbm>>
        %dma_wait3A_1145 = tpu.memref_squeeze %dma_wait3A_1144 : memref<1x8x1x8x128xf32, #tpu.memory_space<hbm>> -> memref<8x8x128xf32, #tpu.memory_space<hbm>>
        %dma_wait3A_1146 = tpu.memref_slice %arg9[%dma_wait3A_1136] : memref<4x!tpu.dma_semaphore, #tpu.memory_space<semaphore_mem>> -> memref<1x!tpu.dma_semaphore, #tpu.memory_space<semaphore_mem>>
        %dma_wait3A_1147 = tpu.memref_squeeze %dma_wait3A_1146 : memref<1x!tpu.dma_semaphore, #tpu.memory_space<semaphore_mem>> -> memref<!tpu.dma_semaphore, #tpu.memory_space<semaphore_mem>>
        %dma_wait3A_1148 = arith.constant 0 : i32
        %dma_wait3A_1149 = arith.constant 0 : i32
        %dma_wait3A_1150 = arith.constant 0 : i32
        %dma_wait3A_1151 = tpu.memref_slice %arg4[%dma_wait3A_1134, %dma_wait3A_1148, %dma_wait3A_1135, %dma_wait3A_1149, %dma_wait3A_1150] : memref<200x8x32x8x128xf32, #tpu.memory_space<hbm>> -> memref<1x8x1x8x128xf32, #tpu.memory_space<hbm>>
        %dma_wait3A_1152 = tpu.memref_squeeze %dma_wait3A_1151 : memref<1x8x1x8x128xf32, #tpu.memory_space<hbm>> -> memref<8x8x128xf32, #tpu.memory_space<hbm>>
        %dma_wait3A_1153 = arith.constant 24 : i32
        %dma_wait3A_1154 = arith.constant 0 : i32
        %dma_wait3A_1155 = arith.constant 0 : i32
        %dma_wait3A_1156 = tpu.memref_slice %arg7[%dma_wait3A_1153, %dma_wait3A_1154, %dma_wait3A_1155] : memref<32x8x129xf32, #tpu.memory_space<vmem>> -> memref<8x8x128xf32, #tpu.memory_space<vmem>>
        tpu.wait_dma2 semaphore(%dma_wait3A_1147 : memref<!tpu.dma_semaphore, #tpu.memory_space<semaphore_mem>>) src(%dma_wait3A_1156 : memref<8x8x128xf32, #tpu.memory_space<vmem>>) dst(%dma_wait3A_1152 : memref<8x8x128xf32, #tpu.memory_space<hbm>>)
      } else {
      }
      %parallel_loop3A_1103 = arith.constant 0 : i32
      %parallel_loop3A_1104 = arith.constant 128 : i32
      %parallel_loop3A_1105 = arith.constant 1 : i32
      scf.for %parallel_loop3A_1134 = %parallel_loop3A_1103 to %parallel_loop3A_1104 step %parallel_loop3A_1105  : i32 {
        %parallel_loop3A_1135 = arith.constant 0 : i32
        %parallel_loop3A_1136 = vector.broadcast %parallel_loop3A_1135 : i32 to vector<16xi32>
        %parallel_loop3A_1137 = arith.muli %iota3A, %parallel_loop3A_1136 : vector<16xi32>
        %parallel_loop3A_1138 = vector.broadcast %parallel_loop3A_1134 : i32 to vector<16xi32>
        %parallel_loop3A_1139 = arith.addi %parallel_loop3A_1137, %parallel_loop3A_1138 : vector<16xi32>
        %parallel_loop3A_1140 = arith.constant 384 : i32
        %parallel_loop3A_1141 = arith.addi %parallel_loop3A_1140, %parallel_loop3A_1134 : i32
        %parallel_loop3A_1142 = arith.index_cast %parallel_loop3A_1141 : i32 to index
        %parallel_loop3A_1143 = arith.constant 0 : index
        %parallel_loop3A_1144 = tpu.vector_load %arg6[%parallel_loop3A_1142, %parallel_loop3A_1143] {strides = array<i32>} : memref<512x64xf32, #tpu.memory_space<vmem>>, vector<16xf32>,
        %parallel_loop3A_1145 = arith.constant 8.000000e+00 : f32
        %parallel_loop3A_1146 = vector.broadcast %parallel_loop3A_1145 : f32 to vector<16xf32>
        %parallel_loop3A_1147 = arith.mulf %parallel_loop3A_1144, %parallel_loop3A_1146 : vector<16xf32>
        tpu.vector_store_idx %arg7[%add3A_523, %rem3A_640, %parallel_loop3A_1139], %parallel_loop3A_1147 : memref<32x8x129xf32, #tpu.memory_space<vmem>>[vector<16xi32>, vector<16xi32>, vector<16xi32>], vector<16xf32>,
        %parallel_loop3A_1148 = arith.constant 384 : i32
        %parallel_loop3A_1149 = arith.addi %parallel_loop3A_1148, %parallel_loop3A_1134 : i32
        %parallel_loop3A_1150 = arith.index_cast %parallel_loop3A_1149 : i32 to index
        %parallel_loop3A_1151 = arith.constant 16 : index
        %parallel_loop3A_1152 = tpu.vector_load %arg6[%parallel_loop3A_1150, %parallel_loop3A_1151] {strides = array<i32>} : memref<512x64xf32, #tpu.memory_space<vmem>>, vector<16xf32>,
        %parallel_loop3A_1153 = arith.constant 8.000000e+00 : f32
        %parallel_loop3A_1154 = vector.broadcast %parallel_loop3A_1153 : f32 to vector<16xf32>
        %parallel_loop3A_1155 = arith.mulf %parallel_loop3A_1152, %parallel_loop3A_1154 : vector<16xf32>
        tpu.vector_store_idx %arg7[%add3A_560, %rem3A_646, %parallel_loop3A_1139], %parallel_loop3A_1155 : memref<32x8x129xf32, #tpu.memory_space<vmem>>[vector<16xi32>, vector<16xi32>, vector<16xi32>], vector<16xf32>,
        %parallel_loop3A_1156 = arith.constant 384 : i32
        %parallel_loop3A_1157 = arith.addi %parallel_loop3A_1156, %parallel_loop3A_1134 : i32
        %parallel_loop3A_1158 = arith.index_cast %parallel_loop3A_1157 : i32 to index
        %parallel_loop3A_1159 = arith.constant 32 : index
        %parallel_loop3A_1160 = tpu.vector_load %arg6[%parallel_loop3A_1158, %parallel_loop3A_1159] {strides = array<i32>} : memref<512x64xf32, #tpu.memory_space<vmem>>, vector<16xf32>,
        %parallel_loop3A_1161 = arith.constant 8.000000e+00 : f32
        %parallel_loop3A_1162 = vector.broadcast %parallel_loop3A_1161 : f32 to vector<16xf32>
        %parallel_loop3A_1163 = arith.mulf %parallel_loop3A_1160, %parallel_loop3A_1162 : vector<16xf32>
        tpu.vector_store_idx %arg7[%add3A_597, %rem3A_652, %parallel_loop3A_1139], %parallel_loop3A_1163 : memref<32x8x129xf32, #tpu.memory_space<vmem>>[vector<16xi32>, vector<16xi32>, vector<16xi32>], vector<16xf32>,
        %parallel_loop3A_1164 = arith.constant 384 : i32
        %parallel_loop3A_1165 = arith.addi %parallel_loop3A_1164, %parallel_loop3A_1134 : i32
        %parallel_loop3A_1166 = arith.index_cast %parallel_loop3A_1165 : i32 to index
        %parallel_loop3A_1167 = arith.constant 48 : index
        %parallel_loop3A_1168 = tpu.vector_load %arg6[%parallel_loop3A_1166, %parallel_loop3A_1167] {strides = array<i32>} : memref<512x64xf32, #tpu.memory_space<vmem>>, vector<16xf32>,
        %parallel_loop3A_1169 = arith.constant 8.000000e+00 : f32
        %parallel_loop3A_1170 = vector.broadcast %parallel_loop3A_1169 : f32 to vector<16xf32>
        %parallel_loop3A_1171 = arith.mulf %parallel_loop3A_1168, %parallel_loop3A_1170 : vector<16xf32>
        tpu.vector_store_idx %arg7[%add3A_634, %rem3A_658, %parallel_loop3A_1139], %parallel_loop3A_1171 : memref<32x8x129xf32, #tpu.memory_space<vmem>>[vector<16xi32>, vector<16xi32>, vector<16xi32>], vector<16xf32>,
      } {sc.loop_unroll_factor = 8 : i64, sc.parallel_access}
      %dma_start3A_1106 = arith.constant 3 : i32
      %dma_start3A_1107 = arith.constant 24 : i32
      %dma_start3A_1108 = arith.constant 0 : i32
      %dma_start3A_1109 = arith.constant 0 : i32
      %dma_start3A_1110 = tpu.memref_slice %arg7[%dma_start3A_1107, %dma_start3A_1108, %dma_start3A_1109] : memref<32x8x129xf32, #tpu.memory_space<vmem>> -> memref<8x8x128xf32, #tpu.memory_space<vmem>>
      %dma_start3A_1111 = arith.constant 0 : i32
      %dma_start3A_1112 = arith.constant 0 : i32
      %dma_start3A_1113 = arith.constant 0 : i32
      %dma_start3A_1114 = tpu.memref_slice %arg4[%select_n3A_1068, %dma_start3A_1111, %select_n3A_1084, %dma_start3A_1112, %dma_start3A_1113] : memref<200x8x32x8x128xf32, #tpu.memory_space<hbm>> -> memref<1x8x1x8x128xf32, #tpu.memory_space<hbm>>
      %dma_start3A_1115 = tpu.memref_squeeze %dma_start3A_1114 : memref<1x8x1x8x128xf32, #tpu.memory_space<hbm>> -> memref<8x8x128xf32, #tpu.memory_space<hbm>>
      %dma_start3A_1116 = tpu.memref_slice %arg9[%dma_start3A_1106] : memref<4x!tpu.dma_semaphore, #tpu.memory_space<semaphore_mem>> -> memref<1x!tpu.dma_semaphore, #tpu.memory_space<semaphore_mem>>
      %dma_start3A_1117 = tpu.memref_squeeze %dma_start3A_1116 : memref<1x!tpu.dma_semaphore, #tpu.memory_space<semaphore_mem>> -> memref<!tpu.dma_semaphore, #tpu.memory_space<semaphore_mem>>
      %dma_start3A_1118 = arith.constant 0 : i32
      %dma_start3A_1119 = arith.constant 0 : i32
      %dma_start3A_1120 = arith.constant 0 : i32
      %dma_start3A_1121 = tpu.memref_slice %arg4[%select_n3A_1068, %dma_start3A_1118, %select_n3A_1084, %dma_start3A_1119, %dma_start3A_1120] : memref<200x8x32x8x128xf32, #tpu.memory_space<hbm>> -> memref<1x8x1x8x128xf32, #tpu.memory_space<hbm>>
      %dma_start3A_1122 = tpu.memref_squeeze %dma_start3A_1121 : memref<1x8x1x8x128xf32, #tpu.memory_space<hbm>> -> memref<8x8x128xf32, #tpu.memory_space<hbm>>
      %dma_start3A_1123 = arith.constant 24 : i32
      %dma_start3A_1124 = arith.constant 0 : i32
      %dma_start3A_1125 = arith.constant 0 : i32
      %dma_start3A_1126 = tpu.memref_slice %arg7[%dma_start3A_1123, %dma_start3A_1124, %dma_start3A_1125] : memref<32x8x129xf32, #tpu.memory_space<vmem>> -> memref<8x8x128xf32, #tpu.memory_space<vmem>>
      tpu.enqueue_dma source(%dma_start3A_1126 : memref<8x8x128xf32, #tpu.memory_space<vmem>>) target(%dma_start3A_1122 : memref<8x8x128xf32, #tpu.memory_space<hbm>>) target_semaphore(%dma_start3A_1117 : memref<!tpu.dma_semaphore, #tpu.memory_space<semaphore_mem>>)
      %add3A_1127 = arith.constant 4 : i32
      %add3A_1128 = arith.addi %add3A_1041, %add3A_1127 : i32
      %lt3A_1129 = arith.constant 200 : i32
      %lt3A_1130 = arith.cmpi slt, %add3A_1128, %lt3A_1129 : i32
      %convert_element_type3A_1131 = arith.extui %lt3A_1130 : i1 to i32
      %cond3A_1132 = arith.constant 0 : i32
      %cond3A_1133 = arith.cmpi ne, %convert_element_type3A_1131, %cond3A_1132 : i32
      scf.if %cond3A_1133 {
        %dma_start3A_1134 = arith.constant 3 : i32
        %dma_start3A_1135 = arith.constant 384 : i32
        %dma_start3A_1136 = arith.constant 0 : i32
        %dma_start3A_1137 = tpu.memref_slice %arg6[%dma_start3A_1135, %dma_start3A_1136] : memref<512x64xf32, #tpu.memory_space<vmem>> -> memref<128x64xf32, #tpu.memory_space<vmem>>
        %dma_start3A_1138 = arith.constant 0 : i32
        %dma_start3A_1139 = tpu.memref_slice %arg5[%add3A_1128, %dma_start3A_1138] : memref<200x128xi32, #tpu.memory_space<vmem>> -> memref<1x128xi32, #tpu.memory_space<vmem>>
        %dma_start3A_1140 = tpu.memref_squeeze %dma_start3A_1139 : memref<1x128xi32, #tpu.memory_space<vmem>> -> memref<128xi32, #tpu.memory_space<vmem>>
        %dma_start3A_1141 = arith.constant 0 : i32
        %dma_start3A_1142 = arith.constant 0 : i32
        %dma_start3A_1143 = tpu.memref_slice %arg3[%dma_start3A_1141, %dma_start3A_1142] : memref<1000000x64xf32, #tpu.memory_space<hbm>> -> memref<1000000x64xf32, #tpu.memory_space<hbm>>
        %dma_start3A_1144 = tpu.memref_slice %arg8[%dma_start3A_1134] : memref<4x!tpu.dma_semaphore, #tpu.memory_space<semaphore_mem>> -> memref<1x!tpu.dma_semaphore, #tpu.memory_space<semaphore_mem>>
        %dma_start3A_1145 = tpu.memref_squeeze %dma_start3A_1144 : memref<1x!tpu.dma_semaphore, #tpu.memory_space<semaphore_mem>> -> memref<!tpu.dma_semaphore, #tpu.memory_space<semaphore_mem>>
        tpu.enqueue_indirect_dma source(%dma_start3A_1143 : memref<1000000x64xf32, #tpu.memory_space<hbm>>) target(%dma_start3A_1137 : memref<128x64xf32, #tpu.memory_space<vmem>>) offsets(%dma_start3A_1140 : memref<128xi32, #tpu.memory_space<vmem>>) semaphore(%dma_start3A_1145 : memref<!tpu.dma_semaphore, #tpu.memory_space<semaphore_mem>>)
      } else {
      }
    }
    %scan3A_663 = arith.constant 50 : i32
    %dma_wait3A = arith.constant 0 : i32
    %dma_wait3A_664 = arith.constant 0 : i32
    %dma_wait3A_665 = arith.constant 0 : i32
    %dma_wait3A_666 = arith.constant 0 : i32
    %dma_wait3A_667 = arith.constant 0 : i32
    %dma_wait3A_668 = arith.constant 0 : i32
    %dma_wait3A_669 = tpu.memref_slice %arg7[%dma_wait3A_666, %dma_wait3A_667, %dma_wait3A_668] : memref<32x8x129xf32, #tpu.memory_space<vmem>> -> memref<8x8x128xf32, #tpu.memory_space<vmem>>
    %dma_wait3A_670 = arith.constant 0 : i32
    %dma_wait3A_671 = arith.constant 0 : i32
    %dma_wait3A_672 = arith.constant 0 : i32
    %dma_wait3A_673 = tpu.memref_slice %arg4[%dma_wait3A, %dma_wait3A_670, %dma_wait3A_664, %dma_wait3A_671, %dma_wait3A_672] : memref<200x8x32x8x128xf32, #tpu.memory_space<hbm>> -> memref<1x8x1x8x128xf32, #tpu.memory_space<hbm>>
    %dma_wait3A_674 = tpu.memref_squeeze %dma_wait3A_673 : memref<1x8x1x8x128xf32, #tpu.memory_space<hbm>> -> memref<8x8x128xf32, #tpu.memory_space<hbm>>
    %dma_wait3A_675 = tpu.memref_slice %arg9[%dma_wait3A_665] : memref<4x!tpu.dma_semaphore, #tpu.memory_space<semaphore_mem>> -> memref<1x!tpu.dma_semaphore, #tpu.memory_space<semaphore_mem>>
    %dma_wait3A_676 = tpu.memref_squeeze %dma_wait3A_675 : memref<1x!tpu.dma_semaphore, #tpu.memory_space<semaphore_mem>> -> memref<!tpu.dma_semaphore, #tpu.memory_space<semaphore_mem>>
    %dma_wait3A_677 = arith.constant 0 : i32
    %dma_wait3A_678 = arith.constant 0 : i32
    %dma_wait3A_679 = arith.constant 0 : i32
    %dma_wait3A_680 = tpu.memref_slice %arg4[%dma_wait3A, %dma_wait3A_677, %dma_wait3A_664, %dma_wait3A_678, %dma_wait3A_679] : memref<200x8x32x8x128xf32, #tpu.memory_space<hbm>> -> memref<1x8x1x8x128xf32, #tpu.memory_space<hbm>>
    %dma_wait3A_681 = tpu.memref_squeeze %dma_wait3A_680 : memref<1x8x1x8x128xf32, #tpu.memory_space<hbm>> -> memref<8x8x128xf32, #tpu.memory_space<hbm>>
    %dma_wait3A_682 = arith.constant 0 : i32
    %dma_wait3A_683 = arith.constant 0 : i32
    %dma_wait3A_684 = arith.constant 0 : i32
    %dma_wait3A_685 = tpu.memref_slice %arg7[%dma_wait3A_682, %dma_wait3A_683, %dma_wait3A_684] : memref<32x8x129xf32, #tpu.memory_space<vmem>> -> memref<8x8x128xf32, #tpu.memory_space<vmem>>
    tpu.wait_dma2 semaphore(%dma_wait3A_676 : memref<!tpu.dma_semaphore, #tpu.memory_space<semaphore_mem>>) src(%dma_wait3A_685 : memref<8x8x128xf32, #tpu.memory_space<vmem>>) dst(%dma_wait3A_681 : memref<8x8x128xf32, #tpu.memory_space<hbm>>)
    %dma_wait3A_686 = arith.constant 0 : i32
    %dma_wait3A_687 = arith.constant 0 : i32
    %dma_wait3A_688 = arith.constant 1 : i32
    %dma_wait3A_689 = arith.constant 8 : i32
    %dma_wait3A_690 = arith.constant 0 : i32
    %dma_wait3A_691 = arith.constant 0 : i32
    %dma_wait3A_692 = tpu.memref_slice %arg7[%dma_wait3A_689, %dma_wait3A_690, %dma_wait3A_691] : memref<32x8x129xf32, #tpu.memory_space<vmem>> -> memref<8x8x128xf32, #tpu.memory_space<vmem>>
    %dma_wait3A_693 = arith.constant 0 : i32
    %dma_wait3A_694 = arith.constant 0 : i32
    %dma_wait3A_695 = arith.constant 0 : i32
    %dma_wait3A_696 = tpu.memref_slice %arg4[%dma_wait3A_686, %dma_wait3A_693, %dma_wait3A_687, %dma_wait3A_694, %dma_wait3A_695] : memref<200x8x32x8x128xf32, #tpu.memory_space<hbm>> -> memref<1x8x1x8x128xf32, #tpu.memory_space<hbm>>
    %dma_wait3A_697 = tpu.memref_squeeze %dma_wait3A_696 : memref<1x8x1x8x128xf32, #tpu.memory_space<hbm>> -> memref<8x8x128xf32, #tpu.memory_space<hbm>>
    %dma_wait3A_698 = tpu.memref_slice %arg9[%dma_wait3A_688] : memref<4x!tpu.dma_semaphore, #tpu.memory_space<semaphore_mem>> -> memref<1x!tpu.dma_semaphore, #tpu.memory_space<semaphore_mem>>
    %dma_wait3A_699 = tpu.memref_squeeze %dma_wait3A_698 : memref<1x!tpu.dma_semaphore, #tpu.memory_space<semaphore_mem>> -> memref<!tpu.dma_semaphore, #tpu.memory_space<semaphore_mem>>
    %dma_wait3A_700 = arith.constant 0 : i32
    %dma_wait3A_701 = arith.constant 0 : i32
    %dma_wait3A_702 = arith.constant 0 : i32
    %dma_wait3A_703 = tpu.memref_slice %arg4[%dma_wait3A_686, %dma_wait3A_700, %dma_wait3A_687, %dma_wait3A_701, %dma_wait3A_702] : memref<200x8x32x8x128xf32, #tpu.memory_space<hbm>> -> memref<1x8x1x8x128xf32, #tpu.memory_space<hbm>>
    %dma_wait3A_704 = tpu.memref_squeeze %dma_wait3A_703 : memref<1x8x1x8x128xf32, #tpu.memory_space<hbm>> -> memref<8x8x128xf32, #tpu.memory_space<hbm>>
    %dma_wait3A_705 = arith.constant 8 : i32
    %dma_wait3A_706 = arith.constant 0 : i32
    %dma_wait3A_707 = arith.constant 0 : i32
    %dma_wait3A_708 = tpu.memref_slice %arg7[%dma_wait3A_705, %dma_wait3A_706, %dma_wait3A_707] : memref<32x8x129xf32, #tpu.memory_space<vmem>> -> memref<8x8x128xf32, #tpu.memory_space<vmem>>
    tpu.wait_dma2 semaphore(%dma_wait3A_699 : memref<!tpu.dma_semaphore, #tpu.memory_space<semaphore_mem>>) src(%dma_wait3A_708 : memref<8x8x128xf32, #tpu.memory_space<vmem>>) dst(%dma_wait3A_704 : memref<8x8x128xf32, #tpu.memory_space<hbm>>)
    %dma_wait3A_709 = arith.constant 0 : i32
    %dma_wait3A_710 = arith.constant 0 : i32
    %dma_wait3A_711 = arith.constant 2 : i32
    %dma_wait3A_712 = arith.constant 16 : i32
    %dma_wait3A_713 = arith.constant 0 : i32
    %dma_wait3A_714 = arith.constant 0 : i32
    %dma_wait3A_715 = tpu.memref_slice %arg7[%dma_wait3A_712, %dma_wait3A_713, %dma_wait3A_714] : memref<32x8x129xf32, #tpu.memory_space<vmem>> -> memref<8x8x128xf32, #tpu.memory_space<vmem>>
    %dma_wait3A_716 = arith.constant 0 : i32
    %dma_wait3A_717 = arith.constant 0 : i32
    %dma_wait3A_718 = arith.constant 0 : i32
    %dma_wait3A_719 = tpu.memref_slice %arg4[%dma_wait3A_709, %dma_wait3A_716, %dma_wait3A_710, %dma_wait3A_717, %dma_wait3A_718] : memref<200x8x32x8x128xf32, #tpu.memory_space<hbm>> -> memref<1x8x1x8x128xf32, #tpu.memory_space<hbm>>
    %dma_wait3A_720 = tpu.memref_squeeze %dma_wait3A_719 : memref<1x8x1x8x128xf32, #tpu.memory_space<hbm>> -> memref<8x8x128xf32, #tpu.memory_space<hbm>>
    %dma_wait3A_721 = tpu.memref_slice %arg9[%dma_wait3A_711] : memref<4x!tpu.dma_semaphore, #tpu.memory_space<semaphore_mem>> -> memref<1x!tpu.dma_semaphore, #tpu.memory_space<semaphore_mem>>
    %dma_wait3A_722 = tpu.memref_squeeze %dma_wait3A_721 : memref<1x!tpu.dma_semaphore, #tpu.memory_space<semaphore_mem>> -> memref<!tpu.dma_semaphore, #tpu.memory_space<semaphore_mem>>
    %dma_wait3A_723 = arith.constant 0 : i32
    %dma_wait3A_724 = arith.constant 0 : i32
    %dma_wait3A_725 = arith.constant 0 : i32
    %dma_wait3A_726 = tpu.memref_slice %arg4[%dma_wait3A_709, %dma_wait3A_723, %dma_wait3A_710, %dma_wait3A_724, %dma_wait3A_725] : memref<200x8x32x8x128xf32, #tpu.memory_space<hbm>> -> memref<1x8x1x8x128xf32, #tpu.memory_space<hbm>>
    %dma_wait3A_727 = tpu.memref_squeeze %dma_wait3A_726 : memref<1x8x1x8x128xf32, #tpu.memory_space<hbm>> -> memref<8x8x128xf32, #tpu.memory_space<hbm>>
    %dma_wait3A_728 = arith.constant 16 : i32
    %dma_wait3A_729 = arith.constant 0 : i32
    %dma_wait3A_730 = arith.constant 0 : i32
    %dma_wait3A_731 = tpu.memref_slice %arg7[%dma_wait3A_728, %dma_wait3A_729, %dma_wait3A_730] : memref<32x8x129xf32, #tpu.memory_space<vmem>> -> memref<8x8x128xf32, #tpu.memory_space<vmem>>
    tpu.wait_dma2 semaphore(%dma_wait3A_722 : memref<!tpu.dma_semaphore, #tpu.memory_space<semaphore_mem>>) src(%dma_wait3A_731 : memref<8x8x128xf32, #tpu.memory_space<vmem>>) dst(%dma_wait3A_727 : memref<8x8x128xf32, #tpu.memory_space<hbm>>)
    %dma_wait3A_732 = arith.constant 0 : i32
    %dma_wait3A_733 = arith.constant 0 : i32
    %dma_wait3A_734 = arith.constant 3 : i32
    %dma_wait3A_735 = arith.constant 24 : i32
    %dma_wait3A_736 = arith.constant 0 : i32
    %dma_wait3A_737 = arith.constant 0 : i32
    %dma_wait3A_738 = tpu.memref_slice %arg7[%dma_wait3A_735, %dma_wait3A_736, %dma_wait3A_737] : memref<32x8x129xf32, #tpu.memory_space<vmem>> -> memref<8x8x128xf32, #tpu.memory_space<vmem>>
    %dma_wait3A_739 = arith.constant 0 : i32
    %dma_wait3A_740 = arith.constant 0 : i32
    %dma_wait3A_741 = arith.constant 0 : i32
    %dma_wait3A_742 = tpu.memref_slice %arg4[%dma_wait3A_732, %dma_wait3A_739, %dma_wait3A_733, %dma_wait3A_740, %dma_wait3A_741] : memref<200x8x32x8x128xf32, #tpu.memory_space<hbm>> -> memref<1x8x1x8x128xf32, #tpu.memory_space<hbm>>
    %dma_wait3A_743 = tpu.memref_squeeze %dma_wait3A_742 : memref<1x8x1x8x128xf32, #tpu.memory_space<hbm>> -> memref<8x8x128xf32, #tpu.memory_space<hbm>>
    %dma_wait3A_744 = tpu.memref_slice %arg9[%dma_wait3A_734] : memref<4x!tpu.dma_semaphore, #tpu.memory_space<semaphore_mem>> -> memref<1x!tpu.dma_semaphore, #tpu.memory_space<semaphore_mem>>
    %dma_wait3A_745 = tpu.memref_squeeze %dma_wait3A_744 : memref<1x!tpu.dma_semaphore, #tpu.memory_space<semaphore_mem>> -> memref<!tpu.dma_semaphore, #tpu.memory_space<semaphore_mem>>
    %dma_wait3A_746 = arith.constant 0 : i32
    %dma_wait3A_747 = arith.constant 0 : i32
    %dma_wait3A_748 = arith.constant 0 : i32
    %dma_wait3A_749 = tpu.memref_slice %arg4[%dma_wait3A_732, %dma_wait3A_746, %dma_wait3A_733, %dma_wait3A_747, %dma_wait3A_748] : memref<200x8x32x8x128xf32, #tpu.memory_space<hbm>> -> memref<1x8x1x8x128xf32, #tpu.memory_space<hbm>>
    %dma_wait3A_750 = tpu.memref_squeeze %dma_wait3A_749 : memref<1x8x1x8x128xf32, #tpu.memory_space<hbm>> -> memref<8x8x128xf32, #tpu.memory_space<hbm>>
    %dma_wait3A_751 = arith.constant 24 : i32
    %dma_wait3A_752 = arith.constant 0 : i32
    %dma_wait3A_753 = arith.constant 0 : i32
    %dma_wait3A_754 = tpu.memref_slice %arg7[%dma_wait3A_751, %dma_wait3A_752, %dma_wait3A_753] : memref<32x8x129xf32, #tpu.memory_space<vmem>> -> memref<8x8x128xf32, #tpu.memory_space<vmem>>
    tpu.wait_dma2 semaphore(%dma_wait3A_745 : memref<!tpu.dma_semaphore, #tpu.memory_space<semaphore_mem>>) src(%dma_wait3A_754 : memref<8x8x128xf32, #tpu.memory_space<vmem>>) dst(%dma_wait3A_750 : memref<8x8x128xf32, #tpu.memory_space<hbm>>)
    return
  }
}

</mosaic_0001>

<sc_bundles>
// kernel: _embed.3.cloned.1.call-start
scs
__scs_entry_jumppad:
0x0: {  	(pc) =	sbr.rel $0x88, $3  }
0x1: {  	(tag) =	ssettag $0x0;
	lr =	simm.s32 $0x1  }
0x2: {  	[smem:$0x3F9F] =	sst lr;
	_ =	strace $0xD0000000  }
0x3: {  	_ = 	snop  }
0x4: {  	_ = 	snop  }
0x5: {  	_ = 	snop  }
0x6: {  	_ = 	snop  }
0x7: {  	_ = 	snop  }
__scs_overlays_trampoline_lowered:
0x8: {  	[smem:$0x3FAE] =	sst s0  }
0x9: {  	[smem:$0x3FAF] =	sst s1  }
0xa: {  	[smem:$0x3FB0] =	sst s2  }
0xb: {  	[smem:$0x3FB1] =	sst s3  }
0xc: {  	[smem:$0x3FB2] =	sst s4  }
0xd: {  	[smem:$0x3FB3] =	sst s5  }
0xe: {  	[smem:$0x3FB4] =	sst s6  }
0xf: {  	[smem:$0x3FB5] =	sst s7  }
0x10: {  	[smem:$0x3FB6] =	sst s8  }
0x11: {  	[smem:$0x3FB7] =	sst s9;
	s0 =	simm.s32 @!p0 $0x0  }
0x12: {  	s1 =	sld [smem:$0x3F9D];
	s0 =	simm.s32 @p0 $0x1  }
0x13: {  	[smem:$0x3FB8] =	sst s0;
	s0 =	simm.s32 @!p1 $0x0  }
0x14: {  	s2 =	sld [smem:$0x3F9C];
	s0 =	simm.s32 @p1 $0x1  }
0x15: {  	[smem:$0x3FB9] =	sst s0;
	s0 =	simm.s32 @!p2 $0x0  }
0x16: {  	s3 =	sld [smem:$0x3FDB];
	s0 =	simm.s32 @p2 $0x1  }
0x17: {  	s4 =	simm.s32 $0x1BF5;
	[smem:$0x3FBB] =	sst s0  }
0x18: {  	s0 =	sld [smem:$0x3F9E];
	_ =	swait.ge [sflag:s4], $0x0  }
0x19: {  	s7 =	sld [smem:$0x3F9F]  }
0x1a: {  	s8 =	sadd.s32 $0xFFFFE003, lr  }
0x1b: {  	s9 =	sadd.s32 $0xFFFFFEF7, lr;
	s5 =	simm.s32 $0xFFFFFFFF;
	p2 =	slt.u32 s8, $0xFFFFF086  }
0x1c: {  	p1 =	slt.u32 s9, $0xF7A;
	s5 =	simm.s32 @!p2 $0x0  }
0x1d: {  	s5 =	simm.s32 @p1 $0x1;
	p0 =	seq.s32 s7, s2  }
0x1e: {  	s7 =	smul.u32 @!p0 $0xF7A, s2;
	p2 =	seq.s32 @!p0 s5, $0x0  }
0x1f: {  	s9 =	smul.u32 $0xF7A, s1;
	s8 =	simm.s32 @!p0 $0x1BF5;
	p2 =	por !p2, p0  }
0x20: {  	[sflag:s8] =	ssyncset.s32 @!p0 $0xFFFFF086;
	s6 =	sadd.s32 @!p0 s3, s7;
	s7 =	simm.s32 @!p0 $0x108  }
0x21: {  	s3 =	sadd.s32 s3, s9;
	s6 =	sadd.s32 @!p0 $0x88, s6;
	s7 =	simm.s32 @p2 $0x1082  }
0x22: {  	[simem:s7], [sflag:s8] =	dma.local @!p0 [hbm:s6], $0xF7A  }
0x23: {  	s9 =	sor.u32 $0xD0000000, s2;
	s6 =	simm.s32 $0x108;
	_ =	swait.ge @!p0 [sflag:s8], $0x0  }
0x24: {  	s3 =	sadd.s32 $0x88, s3;
	s6 =	simm.s32 @!p1 $0x1082;
	[sflag:s4] =	ssyncset.s32 $0xFFFFF086  }
0x25: {  	[simem:s6], [sflag:s4] =	dma.local [hbm:s3], $0xF7A  }
0x26: {  	[smem:$0x3F9F] =	sst s1;
	(tag) =	ssettag s2;
	_ =	strace s9  }
0x27: {  	s1 =	sld [smem:$0x3FAF]  }
0x28: {  	s2 =	sld [smem:$0x3FB0]  }
0x29: {  	s4 =	sld [smem:$0x3FB2]  }
0x2a: {  	p0 =	seq.s32 s5, $0x0;
	s5 =	sld [smem:$0x3FB3]  }
0x2b: {  	s6 =	sld [smem:$0x3FB4]  }
0x2c: {  	s7 =	sld [smem:$0x3FB5]  }
0x2d: {  	s3 =	simm.s32 $0x108;
	s8 =	sld [smem:$0x3FB6]  }
0x2e: {  	s3 =	simm.s32 @!p0 $0x1082;
	s9 =	sld [smem:$0x3FB7]  }
0x2f: {  	lr =	sadd.s32 s0, s3;
	s0 =	sld [smem:$0x3FAE]  }
0x30: {  	s3 =	sld [smem:$0x3FB1]  }
0x31: {  	[smem:$0x3FBA] =	sst s10  }
0x32: {  	s10 =	sld [smem:$0x3FB8];
	_ =	sdelay $0x3  }
0x33: {  	p0 =	seq.s32 s10, $0x1;
	s10 =	sld [smem:$0x3FBA];
	_ =	sdelay $0x3  }
0x34: {  	[smem:$0x3FBA] =	sst s10  }
0x35: {  	s10 =	sld [smem:$0x3FB9];
	_ =	sdelay $0x3  }
0x36: {  	p1 =	seq.s32 s10, $0x1;
	s10 =	sld [smem:$0x3FBA];
	_ =	sdelay $0x3  }
0x37: {  	[smem:$0x3FBA] =	sst s10  }
0x38: {  	s10 =	sld [smem:$0x3FBB]  }
0x39: {  	_ = 	snop;
	(pc) =	sbr.ind lr, $3  }
0x3a: {  	_ = 	snop  }
0x3b: {  	_ = 	snop  }
0x3c: {  	p2 =	seq.s32 s10, $0x1;
	s10 =	sld [smem:$0x3FBA]  }
0x3d: {  	_ =	shalt  }
0x3e: {  	_ =	shalt  }
0x3f: {  	_ =	shalt  }
0x40: {  	_ =	shalt  }
0x41: {  	_ =	shalt  }
0x42: {  	_ =	shalt  }
0x43: {  	_ =	shalt  }
0x44: {  	_ =	shalt  }
0x45: {  	_ =	shalt  }
0x46: {  	_ =	shalt  }
0x47: {  	_ =	shalt  }
0x48: {  	_ =	shalt  }
0x49: {  	_ =	shalt  }
0x4a: {  	_ =	shalt  }
0x4b: {  	_ =	shalt  }
0x4c: {  	_ =	shalt  }
0x4d: {  	_ =	shalt  }
0x4e: {  	_ =	shalt  }
0x4f: {  	_ =	shalt  }
0x50: {  	_ =	shalt  }
0x51: {  	_ =	shalt  }
0x52: {  	_ =	shalt  }
0x53: {  	_ =	shalt  }
0x54: {  	_ =	shalt  }
0x55: {  	_ =	shalt  }
0x56: {  	_ =	shalt  }
0x57: {  	_ =	shalt  }
0x58: {  	_ =	shalt  }
0x59: {  	_ =	shalt  }
0x5a: {  	_ =	shalt  }
0x5b: {  	_ =	shalt  }
0x5c: {  	_ =	shalt  }
0x5d: {  	_ =	shalt  }
0x5e: {  	_ =	shalt  }
0x5f: {  	_ =	shalt  }
0x60: {  	_ =	shalt  }
0x61: {  	_ =	shalt  }
0x62: {  	_ =	shalt  }
0x63: {  	_ =	shalt  }
0x64: {  	_ =	shalt  }
0x65: {  	_ =	shalt  }
0x66: {  	_ =	shalt  }
0x67: {  	_ =	shalt  }
0x68: {  	_ =	shalt  }
0x69: {  	_ =	shalt  }
0x6a: {  	_ =	shalt  }
0x6b: {  	_ =	shalt  }
0x6c: {  	_ =	shalt  }
0x6d: {  	_ =	shalt  }
0x6e: {  	_ =	shalt  }
0x6f: {  	_ =	shalt  }
0x70: {  	_ =	shalt  }
0x71: {  	_ =	shalt  }
0x72: {  	_ =	shalt  }
0x73: {  	_ =	shalt  }
0x74: {  	_ =	shalt  }
0x75: {  	_ =	shalt  }
0x76: {  	_ =	shalt  }
0x77: {  	_ =	shalt  }
0x78: {  	_ =	shalt  }
0x79: {  	_ =	shalt  }
0x7a: {  	_ =	shalt  }
0x7b: {  	_ =	shalt  }
0x7c: {  	_ =	shalt  }
0x7d: {  	_ =	shalt  }
0x7e: {  	_ =	shalt  }
0x7f: {  	_ =	shalt  }
0x80: {  	_ =	shalt  }
0x81: {  	_ =	shalt  }
0x82: {  	_ =	shalt  }
0x83: {  	_ =	shalt  }
0x84: {  	_ =	shalt  }
0x85: {  	_ =	shalt  }
0x86: {  	_ =	shalt  }
0x87: {  	_ =	shalt  }
.Lfunc_end0:
.L_simem_size_0:
called_computation_lowered:
.L_overlay_start_0:
0x88: {  	s2 =	sld [smem:$0x3FD9]  }
0x89: {  	s3 =	sld [smem:$0x3FFE];
	_ =	sdelay $0x1  }
0x8a: {  	s1 =	srdreg.scid  }
0x8b: {  	s0 =	sand.u32 $0x1, s1  }
0x8c: {  	s17 =	sshll.u32 s0, $0xA;
	s2 =	sadd.s32 s3, s2  }
0x8d: {  	s2 =	sadd.s32 s2, s17  }
0x8e: {  	[smem:$0x3FC6] =	sst s2  }
0x8f: {  	_ = 	snop  }
0x90: {  	s2 =	sld [smem:$0x3FC9]  }
0x91: {  	s18 =	sld [smem:$0x3FD0];
	(tm) =	ssettm $0x1  }
0x92: {  	s4 =	sld [smem:$0x3FFB];
	_ =	sdelay $0x3  }
0x93: {  	_ =	strace s4  }
0x94: {  	s4 =	sld [smem:$0x3FFC];
	_ =	sdelay $0x3  }
0x95: {  	_ =	strace s4  }
0x96: {  	s4 =	sld [smem:$0x3FFD];
	_ =	sdelay $0x3  }
0x97: {  	_ =	strace s4  }
0x98: {  	_ =	strace $0x8FFFFFFF  }
0x99: {  	s19 =	sld [smem:$0x3FDB];
	_ =	sdelay $0x1  }
0x9a: {  	s5 =	simm.s32 $_scs_section_size  }
0x9b: {  	s6 =	simm.s32 $_size__tile_overlayer_lowered;
	s7 =	simm.s32 $_tile_overlayer_lowered  }
0x9c: {  	s22 =	simm.s32 $0x1BFF;
	s21 =	sshll.u32 s7, $0x1;
	s4 =	sadd.s32 s5, s19  }
0x9d: {  	s8 =	simm.s32 $0x0;
	s20 =	sshll.u32 s6, $0x1;
	s6 =	sadd.s32 s21, s4  }
0x9e: {  	[timem:s8], [sflag:s22] =	dma.local [hbm:s6], s20  }
0x9f: {  	_ =	swait.ge [sflag:s22], s20  }
0xa0: {  	s5 =	ssub.s32 $0x0, s20;
	[sflag:s22] =	ssyncset.done $0x0  }
0xa1: {  	[sflag:s22] =	ssyncadd.s32 s5;
	_ =	sdelay $0x1  }
0xa2: {  	s23 =	simm.s32 $0x1B8B  }
0xa3: {  	_ =	swait.ge [sflag:s23], $0x1  }
0xa4: {  	[sflag:s23] =	ssyncset.done $0x0  }
0xa5: {  	s25 =	simm.s32 $0x1B8E;
	s24 =	sld [smem:$0x3FFE];
	[sflag:s23] =	ssyncadd.s32 $0xFFFFFFFF  }
0xa6: {  	s26 =	simm.s32 $execute0_lowered;
	[smem:$0x3FD2] =	sst s25  }
0xa7: {  	s6 =	sshll.u32 s26, $0x1;
	_ =	strace $0x80000046;
	[dreg:$0x1] =	wrdreg $0xFFFFFFFF  }
0xa8: {  	s28 =	simm.s32 $_size_execute0_lowered;
	s4 =	sadd.s32 s4, s6;
	[dreg:$0x0] =	wrdreg $0x0  }
0xa9: {  	s6 =	sshll.u32 s28, $0x1;
	[dreg:$0x2] =	wrdreg s4  }
0xaa: {  	[dreg:$0x3] =	wrdreg s6  }
0xab: {  	[dreg:$0x4] =	wrdreg $0xC0  }
0xac: {  	_ =	task [dreg:s8], $0x5FFFF  }
0xad: {  	[dreg:$0x1] =	wrdreg $0xFFFFFFFF  }
0xae: {  	[dreg:$0x0] =	wrdreg $0x60  }
0xaf: {  	[dreg:$0x2] =	wrdreg s2  }
0xb0: {  	[dreg:$0x3] =	wrdreg s24  }
0xb1: {  	[dreg:$0x4] =	wrdreg s18  }
0xb2: {  	[dreg:$0x5] =	wrdreg $0x9  }
0xb3: {  	_ =	task.clear_ibuf [dreg:s8], $0x6FFFF;
	_ =	strace $0x90000046  }
0xb4: {  	s29 =	simm.s32 $0x9;
	_ =	strace $0x80000048  }
0xb5: {  	_ =	swait.ge [sflag:s29], $0x1  }
0xb6: {  	[sflag:s29] =	ssyncadd.s32 $0xFFFFFFFF  }
0xb7: {  	_ =	strace $0x90000048  }
0xb8: {  	_ =	sfence  }
0xb9: {  	s30 =	sld [smem:$0x0];
	_ =	sdelay $0x2  }
0xba: {  	s31 =	sshll.u32 s1, $0xD;
	s1 =	sshrl.u32 s1, $0x2  }
0xbb: {  	s3 =	sand.u32 $0x4000, s31;
	s1 =	sadd.s32 s1, s30  }
0xbc: {  	s0 =	sor.u32 s3, s0;
	s1 =	sshll.u32 s1, $0x11  }
0xbd: {  	s0 =	sor.u32 s1, s0  }
0xbe: {  	s0 =	sadd.s32 $0x8F2B, s0  }
0xbf: {  	[sflag:s0] =	ssyncadd.remote.s32 $0x1  }
0xc0: {  	_ =	sfence.sel $0xFFFF  }
0xc1: {  	[dreg:$0x0] =	wrdreg $0xFFFFFFFF;
	(pc) =	sbr.abs _section_cstart, $3  }
0xc2: {  	[dreg:$0x1] =	wrdreg $0xFFFFFFFF  }
0xc3: {  	_ =	task.clear_ibuf [dreg:s8], $0x2FFFF;
	_ =	strace $0x9FFFFFFF  }
0xc4: {  	(tm) =	ssettm $0x7FFFFFFF  }
0xc5: {  	_ =	shalt  }
tec
execute0_lowered:
.L_overlay_start_1:
0x0: {  	(tag) =	ssettag $0x1  }
0x1: {  	v0 =	vlaneseq.u32  }
0x2: {  	v5 =	vmul.u32 $0x88, v0;
	_ =	sdelay $0x1  }
0x3: {  	v4 =	vadd.s32 $0x2200, v5  }
0x4: {  	v26 =	vadd.s32 $0x2A80, v5;
	[tilespmem:$0x1FC10] =	vst v4  }
0x5: {  	s0 =	rddreg [dreg:$0x0];
	v27 =	vadd.s32 $0x3300, v5;
	[tilespmem:$0x1FC20] =	vst v26  }
0x6: {  	s2 =	rddreg [dreg:$0x1];
	s3 =	simm.s32 $0x0;
	v28 =	vadd.s32 $0x3B80, v5;
	[tilespmem:$0x1FC30] =	vst v27  }
0x7: {  	[smem:$0x7FF] =	sst s3;
	v29 =	vadd.s32 $0x2201, v5;
	[tilespmem:$0x1FC40] =	vst v28  }
0x8: {  	s1 =	rddreg [dreg:$0x2];
	v30 =	vadd.s32 $0x2A81, v5;
	_ =	strace $0x80000047;
	[tilespmem:$0x1FC50] =	vst v29  }
0x9: {  	v31 =	vadd.s32 $0x3301, v5;
	[tilespmem:$0x1FC60] =	vst v30  }
0xa: {  	v32 =	vadd.s32 $0x3B81, v5;
	[tilespmem:$0x1FC70] =	vst v31  }
0xb: {  	v33 =	vadd.s32 $0x2202, v5;
	[tilespmem:$0x1FC80] =	vst v32  }
0xc: {  	v34 =	vadd.s32 $0x2A82, v5;
	[tilespmem:$0x1FC90] =	vst v33  }
0xd: {  	v9 =	vadd.s32 $0x3B83, v5;
	[tilespmem:$0x1FCA0] =	vst v34  }
0xe: {  	v40 =	vadd.s32 $0x3B84, v5;
	[tilespmem:$0x1FCB0] =	vst v9  }
0xf: {  	v43 =	vadd.s32 $0x3B85, v5;
	[tilespmem:$0x1FCC0] =	vst v40  }
0x10: {  	[tilespmem:$0x1FCD0] =	vst v43  }
0x11: {  	v36 =	vadd.s32 $0x880, v5;
	[tilespmem:$0x1FCE0] =	vst v5  }
0x12: {  	v37 =	vadd.s32 $0x1100, v5;
	[tilespmem:$0x1FCF0] =	vst v36  }
0x13: {  	v51 =	vadd.s32 $0x1980, v5;
	[tilespmem:$0x1FD00] =	vst v37  }
0x14: {  	v52 =	vor.u32 $0x1, v5;
	[tilespmem:$0x1FD10] =	vst v51  }
0x15: {  	v53 =	vadd.s32 $0x881, v5;
	[tilespmem:$0x1FD20] =	vst v52  }
0x16: {  	v46 =	vadd.s32 $0x1101, v5;
	[tilespmem:$0x1FD30] =	vst v53  }
0x17: {  	v54 =	vadd.s32 $0x1981, v5;
	[tilespmem:$0x1FD40] =	vst v46  }
0x18: {  	v42 =	vor.u32 $0x2, v5;
	[tilespmem:$0x1FD50] =	vst v54  }
0x19: {  	v44 =	vadd.s32 $0x882, v5;
	[tilespmem:$0x1FD60] =	vst v42  }
0x1a: {  	v39 =	vadd.s32 $0x1102, v5;
	[tilespmem:$0x1FD70] =	vst v44  }
0x1b: {  	v10 =	vadd.s32 $0x1982, v5;
	[tilespmem:$0x1FD80] =	vst v39  }
0x1c: {  	v47 =	vor.u32 $0x3, v5;
	[tilespmem:$0x1FD90] =	vst v10  }
0x1d: {  	v50 =	vadd.s32 $0x883, v5;
	[tilespmem:$0x1FDA0] =	vst v47  }
0x1e: {  	v49 =	vadd.s32 $0x1103, v5;
	[tilespmem:$0x1FDB0] =	vst v50  }
0x1f: {  	v11 =	vadd.s32 $0x1983, v5;
	[tilespmem:$0x1FDC0] =	vst v49  }
0x20: {  	v48 =	vor.u32 $0x4, v5;
	[tilespmem:$0x1FDD0] =	vst v11  }
0x21: {  	v38 =	vadd.s32 $0x884, v5;
	[tilespmem:$0x1FDE0] =	vst v48  }
0x22: {  	v41 =	vadd.s32 $0x1104, v5;
	[tilespmem:$0x1FDF0] =	vst v38  }
0x23: {  	v12 =	vadd.s32 $0x1984, v5;
	[tilespmem:$0x1FE00] =	vst v41  }
0x24: {  	v55 =	vor.u32 $0x5, v5;
	[tilespmem:$0x1FE10] =	vst v12  }
0x25: {  	v56 =	vadd.s32 $0x885, v5;
	[tilespmem:$0x1FE20] =	vst v55  }
0x26: {  	v57 =	vadd.s32 $0x1105, v5;
	[tilespmem:$0x1FE30] =	vst v56  }
0x27: {  	v58 =	vadd.s32 $0x1985, v5;
	[tilespmem:$0x1FE40] =	vst v57  }
0x28: {  	v59 =	vor.u32 $0x6, v5;
	[tilespmem:$0x1FE50] =	vst v58  }
0x29: {  	v60 =	vadd.s32 $0x886, v5;
	[tilespmem:$0x1FE60] =	vst v59  }
0x2a: {  	v61 =	vadd.s32 $0x1106, v5;
	[tilespmem:$0x1FE70] =	vst v60  }
0x2b: {  	v2 =	vadd.s32 $0x1986, v5;
	[tilespmem:$0x1FE80] =	vst v61  }
0x2c: {  	v15 =	vor.u32 $0x7, v5;
	[tilespmem:$0x1FE90] =	vst v2  }
0x2d: {  	v62 =	vadd.s32 $0x887, v5;
	[tilespmem:$0x1FEA0] =	vst v15  }
0x2e: {  	v63 =	vadd.s32 $0x1107, v5;
	[tilespmem:$0x1FEB0] =	vst v62  }
0x2f: {  	v3 =	vadd.s32 $0x1987, v5;
	[tilespmem:$0x1FEC0] =	vst v63  }
0x30: {  	v35 =	vadd.s32 $0x3302, v5;
	[tilespmem:$0x1FED0] =	vst v3  }
0x31: {  	v0 =	vadd.s32 $0x3B82, v5;
	[tilespmem:$0x1FEE0] =	vst v35  }
0x32: {  	v6 =	vadd.s32 $0x2203, v5;
	[tilespmem:$0x1FEF0] =	vst v0  }
0x33: {  	v7 =	vadd.s32 $0x2A83, v5;
	[tilespmem:$0x1FF00] =	vst v6  }
0x34: {  	v8 =	vadd.s32 $0x3303, v5;
	[tilespmem:$0x1FF10] =	vst v7  }
0x35: {  	v19 =	vadd.s32 $0x2204, v5;
	[tilespmem:$0x1FF20] =	vst v8  }
0x36: {  	v20 =	vadd.s32 $0x2A84, v5;
	[tilespmem:$0x1FF30] =	vst v19  }
0x37: {  	v21 =	vadd.s32 $0x3304, v5;
	[tilespmem:$0x1FF40] =	vst v20  }
0x38: {  	v22 =	vadd.s32 $0x2205, v5;
	[tilespmem:$0x1FF50] =	vst v21  }
0x39: {  	s4 =	srdreg.scid;
	s5 =	stileid.u32;
	s9 =	simm.s32 $0x80;
	v13 =	vadd.s32 $0x2A85, v5;
	[tilespmem:$0x1FF60] =	vst v22  }
0x3a: {  	s12 =	simm.s32 $0x100;
	s13 =	simm.s32 $0xA400;
	s14 =	simm.s32 $0x180;
	v16 =	vadd.s32 $0x3305, v5;
	[tilespmem:$0x1FF70] =	vst v13  }
0x3b: {  	s15 =	simm.s32 $0xC400;
	s16 =	simm.s32 $0x1;
	s17 =	simm.s32 $0xE400;
	v23 =	vadd.s32 $0x2206, v5;
	[tilespmem:$0x1FF80] =	vst v16  }
0x3c: {  	s18 =	simm.s32 $0x2;
	s19 =	simm.s32 $0x3;
	s20 =	simm.s32 $0x4;
	v17 =	vadd.s32 $0x2A86, v5;
	[tilespmem:$0x1FF90] =	vst v23  }
0x3d: {  	s21 =	simm.s32 $0x5;
	s22 =	simm.s32 $0x6;
	s23 =	simm.s32 $0x7;
	v45 =	vadd.s32 $0x3306, v5;
	[tilespmem:$0x1FFA0] =	vst v17  }
.Ltmp0:
0x3e: {  	s4 =	sand.u32 $0x1, s4;
	s5 =	sshll.u32 s5, $0x1;
	v24 =	vadd.s32 $0x3B86, v5;
	[tilespmem:$0x1FFB0] =	vst v45;
	(pc) =	sbr.rel .LBB2_1-.Ltmp0, $4  }
0x3f: {  	s24 =	simm.s32 $0x8;
	s6 =	ssub.s32 $0x2, s4;
	s7 =	sor.u32 s4, s5;
	v18 =	vadd.s32 $0x2207, v5;
	[tilespmem:$0x1FFC0] =	vst v24  }
0x40: {  	s25 =	simm.s32 $0x0;
	s30 =	sshrl.u32 s6, $0x1;
	s8 =	smul.u32 $0xC80, s7;
	v14 =	vadd.s32 $0x2A87, v5;
	[tilespmem:$0x1FFD0] =	vst v18  }
0x41: {  	v1 =	vimm.s32 $0x0;
	vm0 =	vcmask $0x300;
	s4 =	sadd.s32 $0xF42800, s2;
	s31 =	ssub.s32 s6, s30;
	s6 =	smul.u32 $0xC8, s7;
	v5 =	vadd.s32 $0x3307, v5;
	[tilespmem:$0x1FFE0] =	vst v14  }
0x42: {  	v1 =	vsel vm0, $0x3, v1;
	s5 =	sadd.s32 s0, s8;
	s7 =	smax.u32 s31, $0x1;
	s8 =	simm.s32 $0x9;
	[tilespmem:$0x1FFF0] =	vst v5  }
.LBB2_20:
0x43: {  	_ =	swait.ge [sflag:s21], $0x2000  }
0x44: {  	[sflag:s21] =	ssyncset.done $0x0  }
0x45: {  	[sflag:s21] =	ssyncadd.s32 $0xFFFFE000  }
0x46: {  	_ =	swait.ge [sflag:s22], $0x2000  }
0x47: {  	[sflag:s22] =	ssyncset.done $0x0  }
0x48: {  	s25 =	sadd.s32 $0x1, s25;
	[sflag:s22] =	ssyncadd.s32 $0xFFFFE000  }
0x49: {  	p0 =	sne.s32 s25, s7;
	_ =	swait.ge [sflag:s23], $0x2000  }
.Ltmp1:
0x4a: {  	[sflag:s23] =	ssyncset.done $0x0;
	(pc) =	sbr.rel @!p0 .LBB2_21-.Ltmp1, $4  }
0x4b: {  	[sflag:s23] =	ssyncadd.s32 $0xFFFFE000  }
0x4c: {  	_ =	swait.ge [sflag:s24], $0x2000  }
0x4d: {  	[sflag:s24] =	ssyncset.done $0x0  }
0x4e: {  	[sflag:s24] =	ssyncadd.s32 $0xFFFFE000  }
.LBB2_1:
0x4f: {  	[tilespmem:s3], [sflag:$0x9] =	stream.linear.gather [hbm4b:s5+s3], $0x6400, $0x38;
	[tilespmem:$0x16C00] =	vst v63  }
0x50: {  	_ =	swait.ge [sflag:s8], $0x6400  }
0x51: {  	[sflag:s8] =	ssyncset.done $0x0  }
0x52: {  	s0 =	simm.s32 $0x6400;
	[sflag:s8] =	ssyncadd.s32 $0xFFFF9C00  }
0x53: {  	[tilespmem:s0], [sflag:$0x1] =	stream.indirect.gather [hbm4b:s4+s9], $0x40, s3, s9, $0xb8;
	[tilespmem:$0x16C00] =	vst v63  }
0x54: {  	s31 =	simm.s32 $0x8400  }
0x55: {  	[tilespmem:s31], [sflag:$0x2] =	stream.indirect.gather [hbm4b:s4+s9], $0x40, s9, s9, $0xb8;
	[tilespmem:$0x16C00] =	vst v63  }
0x56: {  	_ = 	snop  }
0x57: {  	[tilespmem:s13], [sflag:$0x3] =	stream.indirect.gather [hbm4b:s4+s9], $0x40, s12, s9, $0xb8;
	[tilespmem:$0x16C00] =	vst v63  }
0x58: {  	s26 =	simm.s32 $0x0  }
0x59: {  	[tilespmem:s15], [sflag:$0x4] =	stream.indirect.gather [hbm4b:s4+s9], $0x40, s14, s9, $0xb8;
	[tilespmem:$0x16C00] =	vst v63  }
.LBB2_2:
0x5a: {  	_ =	swait.ge [sflag:s16], $0x2000  }
0x5b: {  	s0 =	simm.s32 $0x0;
	p0 =	seq.s32 s26, $0x0;
	s31 =	simm.s32 $0x1  }
0x5c: {  	s2 =	simm.s32 $0x2;
	s10 =	simm.s32 $0x3;
	s11 =	simm.s32 $0x5;
	v2 =	vmov s0;
	v3 =	vmov s31  }
0x5d: {  	[sflag:s16] =	ssyncset.done $0x0;
	v4 =	vmov s2;
	v5 =	vmov s10;
	s10 =	simm.s32 $0x4;
	s31 =	simm.s32 $0x6;
	v7 =	vmov s11  }
0x5e: {  	s28 =	simm.s32 @!p0 $0x5;
	s2 =	simm.s32 $0x7;
	v2 =	vshrl.u32 v2, $0x3;
	[sflag:s16] =	ssyncadd.s32 $0xFFFFE000;
	v6 =	vmov s10;
	v8 =	vmov s31  }
0x5f: {  	v3 =	vshrl.u32 v3, $0x3;
	v9 =	vmov s2;
	v4 =	vshrl.u32 v4, $0x3;
	_ =	swait.ge @!p0 [sflag:s28], $0x2000  }
0x60: {  	v5 =	vshrl.u32 v5, $0x3;
	v7 =	vshrl.u32 v7, $0x3;
	v9 =	vshrl.u32 v9, $0x3;
	[sflag:s28] =	ssyncset.done @!p0 $0x0;
	v0 =	vld [tilespmem:$0x1FCE0]  }
0x61: {  	s30 =	simm.s32 $0x6500;
	v2 =	vshll.u32 v2, v1;
	v6 =	vshrl.u32 v6, $0x3;
	v9 =	vshll.u32 v9, v1;
	[sflag:s28] =	ssyncadd.s32 @!p0 $0xFFFFE000  }
0x62: {  	v11 =	vshrl.u32 v8, $0x3;
	v8 =	vbroadcast v2, $0x0;
	v10 =	vbroadcast v9, $0x0;
	v2 =	vld [tilespmem:s30+$0xC0]  }
0x63: {  	v3 =	vshll.u32 v3, v1;
	v4 =	vshll.u32 v4, v1;
	v5 =	vshll.u32 v5, v1;
	v12 =	vld [tilespmem:s30+$0xFFFFFF00]  }
0x64: {  	v13 =	vshll.u32 v6, v1;
	v9 =	vbroadcast v3, $0x0;
	v14 =	vld [tilespmem:s30+$0xFFFFFF40];
	v15 =	vadd.s32 v15, v10  }
0x65: {  	v6 =	vbroadcast v4, $0x0;
	v3 =	vshll.u32 v7, v1;
	v16 =	vld [tilespmem:s30+$0xFFFFFF80];
	v7 =	vadd.s32 v0, v8  }
0x66: {  	v11 =	vshll.u32 v11, v1;
	v5 =	vbroadcast v5, $0x0;
	v18 =	vld [tilespmem:s30+$0xFFFFFFC0];
	v17 =	vadd.s32 v52, v9  }
0x67: {  	v4 =	vbroadcast v13, $0x0;
	v19 =	vadd.s32 v42, v6;
	v20 =	vld [tilespmem:s30+$0x0];
	v13 =	vmul.f32 $8.000000000e+00, v2  }
0x68: {  	v21 =	vadd.s32 v47, v5;
	v22 =	vld [tilespmem:s30+$0x40];
	v12 =	vmul.f32 $8.000000000e+00, v12;
	v2 =	vbroadcast v3, $0x0  }
0x69: {  	v24 =	vld [tilespmem:s30+$0x80];
	v23 =	vadd.s32 v48, v4;
	v14 =	vmul.f32 $8.000000000e+00, v14;
	v3 =	vbroadcast v11, $0x0;
	[tilespmem:v15+s17+$0x0] =	vst.idx.msk $0xffff, v13  }
0x6a: {  	[tilespmem:v7+s17+$0x0] =	vst.idx.msk $0xffff, v12;
	v7 =	vmul.f32 $8.000000000e+00, v16;
	v12 =	vadd.s32 v55, v2;
	v13 =	vld [tilespmem:s30+$0xD0]  }
0x6b: {  	[tilespmem:v17+s17+$0x0] =	vst.idx.msk $0xffff, v14;
	v14 =	vmul.f32 $8.000000000e+00, v18;
	v16 =	vadd.s32 v59, v3;
	v15 =	vld [tilespmem:s30+$0xFFFFFF10]  }
0x6c: {  	v18 =	vld [tilespmem:s30+$0xFFFFFF50];
	[tilespmem:v19+s17+$0x0] =	vst.idx.msk $0xffff, v7;
	v7 =	vmul.f32 $8.000000000e+00, v20;
	v19 =	vadd.s32 v62, v10  }
0x6d: {  	v25 =	vadd.s32 v36, v8;
	[tilespmem:v21+s17+$0x0] =	vst.idx.msk $0xffff, v14;
	v14 =	vmul.f32 $8.000000000e+00, v22;
	v26 =	vld [tilespmem:s30+$0xFFFFFF90]  }
0x6e: {  	v22 =	vadd.s32 v53, v9;
	v27 =	vld [tilespmem:s30+$0xFFFFFFD0];
	[tilespmem:v23+s17+$0x0] =	vst.idx.msk $0xffff, v7;
	v7 =	vmul.f32 $8.000000000e+00, v24  }
0x6f: {  	s10 =	simm.s32 $0x8;
	v24 =	vadd.s32 v44, v6;
	v28 =	vld [tilespmem:s30+$0x10];
	[tilespmem:v12+s17+$0x0] =	vst.idx.msk $0xffff, v14;
	v12 =	vmul.f32 $8.000000000e+00, v13  }
0x70: {  	v11 =	vmov s10;
	v14 =	vmul.f32 $8.000000000e+00, v15;
	v15 =	vadd.s32 v50, v5;
	v29 =	vld [tilespmem:s30+$0x50];
	[tilespmem:v16+s17+$0x0] =	vst.idx.msk $0xffff, v7  }
0x71: {  	v11 =	vshrl.u32 v11, $0x3;
	v16 =	vmul.f32 $8.000000000e+00, v18;
	v18 =	vadd.s32 v38, v4;
	v30 =	vld [tilespmem:s30+$0x90];
	[tilespmem:v19+s17+$0x0] =	vst.idx.msk $0xffff, v12  }
0x72: {  	v12 =	vshll.u32 v11, v1;
	[tilespmem:v25+s17+$0x0] =	vst.idx.msk $0xffff, v14;
	v11 =	vmul.f32 $8.000000000e+00, v26;
	v14 =	vadd.s32 v56, v2;
	v19 =	vld [tilespmem:s30+$0xE0]  }
0x73: {  	[tilespmem:v22+s17+$0x0] =	vst.idx.msk $0xffff, v16;
	v16 =	vmul.f32 $8.000000000e+00, v27;
	v22 =	vadd.s32 v60, v3;
	v25 =	vld [tilespmem:s30+$0xFFFFFF20]  }
0x74: {  	s11 =	simm.s32 $0x9;
	v26 =	vld [tilespmem:s30+$0xFFFFFF60];
	[tilespmem:v24+s17+$0x0] =	vst.idx.msk $0xffff, v11;
	v11 =	vmul.f32 $8.000000000e+00, v28;
	v24 =	vadd.s32 v63, v10  }
0x75: {  	v17 =	vmov s11;
	s11 =	simm.s32 $0xD;
	v27 =	vadd.s32 v37, v8;
	v45 =	vld [tilespmem:s30+$0xFFFFFFA0];
	[tilespmem:v15+s17+$0x0] =	vst.idx.msk $0xffff, v16;
	v15 =	vmul.f32 $8.000000000e+00, v29  }
0x76: {  	v31 =	vadd.s32 v46, v9;
	v13 =	vmov s11;
	v32 =	vld [tilespmem:s30+$0xFFFFFFE0];
	[tilespmem:v18+s17+$0x0] =	vst.idx.msk $0xffff, v11;
	v16 =	vmul.f32 $8.000000000e+00, v30  }
0x77: {  	v43 =	vshrl.u32 v13, $0x3;
	v18 =	vadd.s32 v39, v6;
	v33 =	vld [tilespmem:s30+$0x20];
	[tilespmem:v14+s17+$0x0] =	vst.idx.msk $0xffff, v15;
	v13 =	vmul.f32 $8.000000000e+00, v19  }
0x78: {  	v14 =	vmul.f32 $8.000000000e+00, v25;
	v34 =	vld [tilespmem:s30+$0x60];
	[tilespmem:v22+s17+$0x0] =	vst.idx.msk $0xffff, v16  }
0x79: {  	s2 =	simm.s32 $0xB;
	v25 =	vadd.s32 v49, v5;
	v15 =	vmul.f32 $8.000000000e+00, v26;
	v35 =	vld [tilespmem:s30+$0xA0];
	[tilespmem:v24+s17+$0x0] =	vst.idx.msk $0xffff, v13  }
0x7a: {  	v21 =	vmov s2;
	v26 =	vadd.s32 v41, v4;
	[tilespmem:v27+s17+$0x0] =	vst.idx.msk $0xffff, v14;
	v14 =	vmul.f32 $8.000000000e+00, v45;
	v24 =	vld [tilespmem:s30+$0xF0]  }
0x7b: {  	v21 =	vshrl.u32 v21, $0x3;
	[tilespmem:v31+s17+$0x0] =	vst.idx.msk $0xffff, v15;
	v19 =	vld [tilespmem:s30+$0xFFFFFF30]  }
0x7c: {  	v13 =	vshll.u32 v21, v1;
	v27 =	vmul.f32 $8.000000000e+00, v32;
	v21 =	vld [tilespmem:s30+$0xFFFFFF70];
	[tilespmem:v18+s17+$0x0] =	vst.idx.msk $0xffff, v14  }
0x7d: {  	s31 =	simm.s32 $0xA;
	s10 =	simm.s32 $0xC;
	v45 =	vmul.f32 $8.000000000e+00, v33;
	v14 =	vld [tilespmem:$0x1FED0]  }
0x7e: {  	v17 =	vshrl.u32 v17, $0x3;
	v20 =	vmov s31;
	s31 =	simm.s32 $0xE;
	v23 =	vmov s10;
	v18 =	vld [tilespmem:s30+$0xFFFFFFB0];
	[tilespmem:v25+s17+$0x0] =	vst.idx.msk $0xffff, v27  }
0x7f: {  	v20 =	vshrl.u32 v20, $0x3;
	v40 =	vshrl.u32 v23, $0x3;
	v7 =	vmov s31;
	v25 =	vld [tilespmem:s30+$0xFFFFFFF0];
	[tilespmem:v26+s17+$0x0] =	vst.idx.msk $0xffff, v45  }
0x80: {  	v16 =	vshll.u32 v17, v1;
	v17 =	vadd.s32 v51, v8;
	v8 =	vmul.f32 $8.000000000e+00, v34;
	v34 =	vld [tilespmem:$0x1FE90]  }
0x81: {  	v23 =	vadd.s32 v57, v2;
	v11 =	vshrl.u32 v7, $0x3;
	v15 =	vshll.u32 v40, v1;
	v40 =	vld [tilespmem:$0x1FD90]  }
0x82: {  	v7 =	vbroadcast v12, $0x0;
	v12 =	vshll.u32 v20, v1;
	v20 =	vadd.s32 v61, v3;
	v45 =	vld [tilespmem:$0x1FDD0]  }
0x83: {  	s28 =	sshll.u32 s26, $0x2;
	v22 =	vadd.s32 v14, v10;
	v10 =	vadd.s32 v54, v9;
	v9 =	vmul.f32 $8.000000000e+00, v35;
	v35 =	vld [tilespmem:$0x1FEA0]  }
0x84: {  	s0 =	simm.s32 $0x10;
	s29 =	sadd.s32 s6, s28;
	s2 =	simm.s32 $0xF;
	v14 =	vshll.u32 v43, v1;
	v43 =	vld [tilespmem:$0x1FE10]  }
.LBB2_3:
0x85: {  	_ =	sdelay $0x1  }
0x86: {  	v26 =	vmov s2;
	v6 =	vadd.s32 v40, v6;
	v27 =	vld [tilespmem:s30+$0x30];
	[tilespmem:v23+s17+$0x0] =	vst.idx.msk $0xffff, v8;
	v23 =	vmul.f32 $8.000000000e+00, v24  }
0x87: {  	v5 =	vadd.s32 v45, v5;
	v8 =	vmovc v7;
	v7 =	vshrl.u32 v26, $0x3;
	[tilespmem:v20+s17+$0x0] =	vst.idx.msk $0xffff, v9;
	v19 =	vmul.f32 $8.000000000e+00, v19;
	v24 =	vld [tilespmem:s30+$0x70]  }
0x88: {  	v4 =	vadd.s32 v43, v4;
	v7 =	vshll.u32 v7, v1;
	v20 =	vmul.f32 $8.000000000e+00, v21;
	v21 =	vld [tilespmem:s30+$0xB0];
	s30 =	sadd.s32 $0x200, s30;
	[tilespmem:v22+s17+$0x0] =	vst.idx.msk $0xffff, v23  }
0x89: {  	v2 =	vadd.s32 v58, v2;
	v9 =	vbroadcast v7, $0x0;
	v7 =	vmul.f32 $8.000000000e+00, v18;
	[tilespmem:v17+s17+$0x0] =	vst.idx.msk $0xffff, v19;
	v22 =	vld [tilespmem:s30+$0xC0]  }
0x8a: {  	v11 =	vshll.u32 v11, v1;
	v3 =	vadd.s32 v34, v3;
	v18 =	vmul.f32 $8.000000000e+00, v25;
	[tilespmem:v10+s17+$0x0] =	vst.idx.msk $0xffff, v20;
	v17 =	vld [tilespmem:s30+$0xFFFFFF00]  }
0x8b: {  	v10 =	vbroadcast v16, $0x0;
	v16 =	vadd.s32 v35, v9;
	[tilespmem:v6+s17+$0x0] =	vst.idx.msk $0xffff, v7;
	v7 =	vmul.f32 $8.000000000e+00, v27;
	v19 =	vld [tilespmem:s30+$0xFFFFFF40]  }
0x8c: {  	v20 =	vadd.s32 v0, v8;
	v6 =	vbroadcast v12, $0x0;
	[tilespmem:v5+s17+$0x0] =	vst.idx.msk $0xffff, v18;
	v23 =	vld [tilespmem:s30+$0xFFFFFF80];
	v12 =	vmul.f32 $8.000000000e+00, v24  }
0x8d: {  	v5 =	vbroadcast v13, $0x0;
	v18 =	vadd.s32 v52, v10;
	[tilespmem:v4+s17+$0x0] =	vst.idx.msk $0xffff, v7;
	v24 =	vld [tilespmem:s30+$0xFFFFFFC0];
	v7 =	vmul.f32 $8.000000000e+00, v21  }
0x8e: {  	v13 =	vadd.s32 v42, v6;
	v4 =	vbroadcast v15, $0x0;
	v21 =	vld [tilespmem:s30+$0x0];
	[tilespmem:v2+s17+$0x0] =	vst.idx.msk $0xffff, v12;
	v15 =	vmul.f32 $8.000000000e+00, v22  }
0x8f: {  	v2 =	vbroadcast v14, $0x0;
	[tilespmem:v3+s17+$0x0] =	vst.idx.msk $0xffff, v7;
	v12 =	vmul.f32 $8.000000000e+00, v17;
	v17 =	vadd.s32 v47, v5;
	v22 =	vld [tilespmem:s30+$0x40]  }
0x90: {  	v14 =	vadd.s32 v48, v4;
	v3 =	vbroadcast v11, $0x0;
	v7 =	vmul.f32 $8.000000000e+00, v19;
	v19 =	vld [tilespmem:s30+$0x80];
	[tilespmem:v16+s17+$0x0] =	vst.idx.msk $0xffff, v15  }
0x91: {  	[tilespmem:v20+s17+$0x0] =	vst.idx.msk $0xffff, v12;
	v12 =	vmul.f32 $8.000000000e+00, v23;
	v15 =	vadd.s32 v55, v2;
	v16 =	vld [tilespmem:s30+$0xD0]  }
0x92: {  	[tilespmem:v18+s17+$0x0] =	vst.idx.msk $0xffff, v7;
	v7 =	vmul.f32 $8.000000000e+00, v24;
	v18 =	vadd.s32 v59, v3;
	v20 =	vld [tilespmem:s30+$0xFFFFFF10]  }
0x93: {  	v24 =	vld [tilespmem:s30+$0xFFFFFF50];
	[tilespmem:v13+s17+$0x0] =	vst.idx.msk $0xffff, v12;
	v12 =	vmul.f32 $8.000000000e+00, v21;
	v13 =	vadd.s32 v62, v9  }
0x94: {  	v25 =	vadd.s32 v36, v8;
	v26 =	vld [tilespmem:s30+$0xFFFFFF90];
	[tilespmem:v17+s17+$0x0] =	vst.idx.msk $0xffff, v7;
	v7 =	vmul.f32 $8.000000000e+00, v22  }
0x95: {  	v22 =	vadd.s32 v53, v10;
	v27 =	vld [tilespmem:s30+$0xFFFFFFD0];
	[tilespmem:v14+s17+$0x0] =	vst.idx.msk $0xffff, v12;
	v12 =	vmul.f32 $8.000000000e+00, v19  }
0x96: {  	v19 =	vadd.s32 v44, v6;
	[tilespmem:v15+s17+$0x0] =	vst.idx.msk $0xffff, v7;
	v7 =	vmul.f32 $8.000000000e+00, v16  }
0x97: {  	s10 =	sadd.s32 $0x1, s0;
	v11 =	vmov s0;
	v28 =	vld [tilespmem:s30+$0x10];
	v16 =	vmul.f32 $8.000000000e+00, v20;
	v20 =	vadd.s32 v50, v5;
	[tilespmem:v18+s17+$0x0] =	vst.idx.msk $0xffff, v12  }
0x98: {  	v11 =	vshrl.u32 v11, $0x3;
	v23 =	vmov s10;
	v29 =	vld [tilespmem:s30+$0x50];
	v18 =	vmul.f32 $8.000000000e+00, v24;
	[tilespmem:v13+s17+$0x0] =	vst.idx.msk $0xffff, v7  }
0x99: {  	v24 =	vadd.s32 v38, v4;
	v30 =	vld [tilespmem:s30+$0x90];
	v7 =	vshll.u32 v11, v1;
	[tilespmem:v25+s17+$0x0] =	vst.idx.msk $0xffff, v16;
	v11 =	vmul.f32 $8.000000000e+00, v26  }
0x9a: {  	s11 =	sadd.s32 $0x2, s0;
	s31 =	sadd.s32 $0x3, s0;
	v23 =	vshrl.u32 v23, $0x3;
	v13 =	vadd.s32 v56, v2;
	[tilespmem:v22+s17+$0x0] =	vst.idx.msk $0xffff, v18;
	v16 =	vld [tilespmem:s30+$0xE0];
	v18 =	vmul.f32 $8.000000000e+00, v27  }
0x9b: {  	v21 =	vmov s11;
	v17 =	vmov s31;
	v22 =	vadd.s32 v60, v3;
	v25 =	vld [tilespmem:s30+$0xFFFFFF20];
	[tilespmem:v19+s17+$0x0] =	vst.idx.msk $0xffff, v11  }
0x9c: {  	s10 =	sadd.s32 $0x4, s0;
	v21 =	vshrl.u32 v21, $0x3;
	v26 =	vld [tilespmem:s30+$0xFFFFFF60];
	v11 =	vmul.f32 $8.000000000e+00, v28;
	v19 =	vadd.s32 v63, v9;
	[tilespmem:v20+s17+$0x0] =	vst.idx.msk $0xffff, v18  }
0x9d: {  	s11 =	sadd.s32 $0x5, s0;
	s31 =	sadd.s32 $0x6, s0;
	v14 =	vmov s10;
	v27 =	vadd.s32 v37, v8;
	v18 =	vmul.f32 $8.000000000e+00, v29;
	v29 =	vld [tilespmem:s30+$0xFFFFFFE0]  }
0x9e: {  	v15 =	vmov s11;
	v12 =	vmov s31;
	v28 =	vld [tilespmem:s30+$0xFFFFFFA0];
	[tilespmem:v24+s17+$0x0] =	vst.idx.msk $0xffff, v11;
	v24 =	vmul.f32 $8.000000000e+00, v30  }
0x9f: {  	v20 =	vadd.s32 v46, v10;
	v30 =	vshrl.u32 v15, $0x3;
	v31 =	vld [tilespmem:s30+$0x20];
	[tilespmem:v13+s17+$0x0] =	vst.idx.msk $0xffff, v18;
	v13 =	vmul.f32 $8.000000000e+00, v16  }
0xa0: {  	v15 =	vadd.s32 v39, v6;
	v11 =	vshrl.u32 v12, $0x3;
	v12 =	vmul.f32 $8.000000000e+00, v25;
	v32 =	vld [tilespmem:s30+$0x60];
	[tilespmem:v22+s17+$0x0] =	vst.idx.msk $0xffff, v24  }
0xa1: {  	v17 =	vshrl.u32 v17, $0x3;
	v10 =	vadd.s32 v54, v10;
	v25 =	vadd.s32 v49, v5;
	v33 =	vld [tilespmem:s30+$0xA0];
	[tilespmem:v19+s17+$0x0] =	vst.idx.msk $0xffff, v13  }
0xa2: {  	p1 =	slt.u32 s0, $0x78;
	v18 =	vmul.f32 $8.000000000e+00, v26;
	v26 =	vadd.s32 v41, v4;
	[tilespmem:v27+s17+$0x0] =	vst.idx.msk $0xffff, v12;
	v27 =	vmul.f32 $8.000000000e+00, v29;
	v29 =	vld [tilespmem:$0x1FED0]  }
.Ltmp2:
0xa3: {  	v16 =	vshll.u32 v23, v1;
	v23 =	vadd.s32 v57, v2;
	v22 =	vmul.f32 $8.000000000e+00, v28;
	v24 =	vld [tilespmem:s30+$0xF0];
	(pc) =	sbr.rel @p1 .LBB2_3-.Ltmp2, $4  }
0xa4: {  	v14 =	vshrl.u32 v14, $0x3;
	v12 =	vshll.u32 v21, v1;
	[tilespmem:v20+s17+$0x0] =	vst.idx.msk $0xffff, v18;
	v20 =	vadd.s32 v61, v3;
	v19 =	vld [tilespmem:s30+$0xFFFFFF30]  }
0xa5: {  	v13 =	vshll.u32 v17, v1;
	v17 =	vadd.s32 v51, v8;
	v21 =	vld [tilespmem:s30+$0xFFFFFF70];
	[tilespmem:v15+s17+$0x0] =	vst.idx.msk $0xffff, v22;
	v28 =	vmul.f32 $8.000000000e+00, v31  }
0xa6: {  	v7 =	vbroadcast v7, $0x0;
	v15 =	vshll.u32 v14, v1;
	v14 =	vshll.u32 v30, v1;
	v18 =	vld [tilespmem:s30+$0xFFFFFFB0];
	[tilespmem:v25+s17+$0x0] =	vst.idx.msk $0xffff, v27  }
0xa7: {  	s2 =	sadd.s32 $0x7, s0;
	s0 =	sadd.s32 $0x8, s0;
	v8 =	vmul.f32 $8.000000000e+00, v32;
	v25 =	vld [tilespmem:s30+$0xFFFFFFF0];
	[tilespmem:v26+s17+$0x0] =	vst.idx.msk $0xffff, v28;
	v22 =	vadd.s32 v29, v9;
	v9 =	vmul.f32 $8.000000000e+00, v33  }
0xa8: {  	_ =	sdelay $0x3  }
0xa9: {  	v26 =	vmov s2;
	v6 =	vadd.s32 v40, v6;
	v27 =	vld [tilespmem:s30+$0x30];
	v28 =	vmul.f32 $8.000000000e+00, v24;
	[tilespmem:v23+s17+$0x0] =	vst.idx.msk $0xffff, v8  }
0xaa: {  	v5 =	vadd.s32 v45, v5;
	v30 =	vshrl.u32 v26, $0x3;
	v19 =	vmul.f32 $8.000000000e+00, v19;
	[tilespmem:v20+s17+$0x0] =	vst.idx.msk $0xffff, v9;
	v24 =	vld [tilespmem:s30+$0x70]  }
0xab: {  	v4 =	vadd.s32 v43, v4;
	s0 =	sadd.s32 $0x200, s30;
	v31 =	vshll.u32 v30, v1;
	v32 =	vmul.f32 $8.000000000e+00, v21;
	v21 =	vld [tilespmem:s30+$0xB0];
	[tilespmem:v22+s17+$0x0] =	vst.idx.msk $0xffff, v28  }
0xac: {  	v2 =	vadd.s32 v58, v2;
	v8 =	vld [tilespmem:s0+$0xC0];
	v9 =	vbroadcast v31, $0x0;
	[tilespmem:v17+s17+$0x0] =	vst.idx.msk $0xffff, v19;
	v33 =	vmul.f32 $8.000000000e+00, v18  }
0xad: {  	v11 =	vshll.u32 v11, v1;
	v3 =	vadd.s32 v34, v3;
	v18 =	vld [tilespmem:s0+$0xFFFFFF00];
	[tilespmem:v10+s17+$0x0] =	vst.idx.msk $0xffff, v32;
	v25 =	vmul.f32 $8.000000000e+00, v25  }
0xae: {  	v16 =	vbroadcast v16, $0x0;
	v26 =	vld [tilespmem:s0+$0xFFFFFF40];
	v20 =	vadd.s32 v35, v9;
	[tilespmem:v6+s17+$0x0] =	vst.idx.msk $0xffff, v33;
	v27 =	vmul.f32 $8.000000000e+00, v27  }
0xaf: {  	v12 =	vbroadcast v12, $0x0;
	v28 =	vadd.s32 v0, v7;
	v30 =	vld [tilespmem:s0+$0xFFFFFF80];
	[tilespmem:v5+s17+$0x0] =	vst.idx.msk $0xffff, v25;
	v31 =	vmul.f32 $8.000000000e+00, v24  }
0xb0: {  	v13 =	vbroadcast v13, $0x0;
	v32 =	vadd.s32 v52, v16;
	v33 =	vld [tilespmem:s0+$0xFFFFFFC0];
	[tilespmem:v4+s17+$0x0] =	vst.idx.msk $0xffff, v27;
	v35 =	vmul.f32 $8.000000000e+00, v21  }
0xb1: {  	v15 =	vbroadcast v15, $0x0;
	v42 =	vadd.s32 v42, v12;
	v52 =	vld [tilespmem:s0+$0x0];
	v8 =	vmul.f32 $8.000000000e+00, v8;
	[tilespmem:v2+s17+$0x0] =	vst.idx.msk $0xffff, v31  }
0xb2: {  	v14 =	vbroadcast v14, $0x0;
	v25 =	vld [tilespmem:s0+$0x40];
	v24 =	vadd.s32 v47, v13;
	v2 =	vmul.f32 $8.000000000e+00, v18;
	[tilespmem:v3+s17+$0x0] =	vst.idx.msk $0xffff, v35  }
0xb3: {  	v11 =	vbroadcast v11, $0x0;
	v27 =	vld [tilespmem:s0+$0x80];
	v3 =	vmul.f32 $8.000000000e+00, v26;
	v26 =	vadd.s32 v48, v15;
	[tilespmem:v20+s17+$0x0] =	vst.idx.msk $0xffff, v8  }
0xb4: {  	[tilespmem:v28+s17+$0x0] =	vst.idx.msk $0xffff, v2;
	v2 =	vmul.f32 $8.000000000e+00, v30;
	v28 =	vadd.s32 v55, v14;
	v30 =	vld [tilespmem:s0+$0xD0]  }
0xb5: {  	[tilespmem:v32+s17+$0x0] =	vst.idx.msk $0xffff, v3;
	v3 =	vmul.f32 $8.000000000e+00, v33;
	v32 =	vadd.s32 v59, v11;
	v31 =	vld [tilespmem:s0+$0xFFFFFF10]  }
0xb6: {  	v35 =	vadd.s32 v62, v9;
	v33 =	vld [tilespmem:s0+$0xFFFFFF50];
	[tilespmem:v42+s17+$0x0] =	vst.idx.msk $0xffff, v2;
	v2 =	vmul.f32 $8.000000000e+00, v52  }
0xb7: {  	v36 =	vadd.s32 v36, v7;
	[tilespmem:v24+s17+$0x0] =	vst.idx.msk $0xffff, v3;
	v3 =	vmul.f32 $8.000000000e+00, v25;
	v42 =	vld [tilespmem:s0+$0xFFFFFF90]  }
0xb8: {  	v47 =	vadd.s32 v53, v16;
	v48 =	vld [tilespmem:s0+$0xFFFFFFD0];
	[tilespmem:v26+s17+$0x0] =	vst.idx.msk $0xffff, v2;
	v2 =	vmul.f32 $8.000000000e+00, v27  }
0xb9: {  	v52 =	vadd.s32 v44, v12;
	v53 =	vld [tilespmem:s0+$0x10];
	[tilespmem:v28+s17+$0x0] =	vst.idx.msk $0xffff, v3;
	v3 =	vmul.f32 $8.000000000e+00, v30  }
0xba: {  	v59 =	vadd.s32 v50, v13;
	v55 =	vmul.f32 $8.000000000e+00, v31;
	v62 =	vld [tilespmem:s0+$0x50];
	[tilespmem:v32+s17+$0x0] =	vst.idx.msk $0xffff, v2  }
0xbb: {  	v24 =	vadd.s32 v38, v15;
	v2 =	vmul.f32 $8.000000000e+00, v33;
	v25 =	vld [tilespmem:s0+$0x90];
	[tilespmem:v35+s17+$0x0] =	vst.idx.msk $0xffff, v3  }
0xbc: {  	v26 =	vadd.s32 v56, v14;
	[tilespmem:v36+s17+$0x0] =	vst.idx.msk $0xffff, v55;
	v3 =	vmul.f32 $8.000000000e+00, v42;
	v27 =	vld [tilespmem:s0+$0xE0]  }
0xbd: {  	v28 =	vadd.s32 v60, v11;
	[tilespmem:v47+s17+$0x0] =	vst.idx.msk $0xffff, v2;
	v2 =	vmul.f32 $8.000000000e+00, v48;
	v21 =	vld [tilespmem:s0+$0xFFFFFF20]  }
0xbe: {  	v31 =	vadd.s32 v63, v9;
	v30 =	vld [tilespmem:s0+$0xFFFFFF60];
	[tilespmem:v52+s17+$0x0] =	vst.idx.msk $0xffff, v3;
	v3 =	vmul.f32 $8.000000000e+00, v53  }
0xbf: {  	v32 =	vadd.s32 v37, v7;
	[tilespmem:v59+s17+$0x0] =	vst.idx.msk $0xffff, v2;
	v33 =	vld [tilespmem:s0+$0xFFFFFFA0];
	v2 =	vmul.f32 $8.000000000e+00, v62  }
0xc0: {  	v35 =	vadd.s32 v46, v16;
	v36 =	vld [tilespmem:s0+$0xFFFFFFE0];
	[tilespmem:v24+s17+$0x0] =	vst.idx.msk $0xffff, v3;
	v3 =	vmul.f32 $8.000000000e+00, v25  }
0xc1: {  	v37 =	vadd.s32 v39, v12;
	v38 =	vld [tilespmem:s0+$0x20];
	[tilespmem:v26+s17+$0x0] =	vst.idx.msk $0xffff, v2;
	v2 =	vmul.f32 $8.000000000e+00, v27  }
0xc2: {  	v42 =	vadd.s32 v49, v13;
	v39 =	vmul.f32 $8.000000000e+00, v21;
	v44 =	vld [tilespmem:s0+$0x60];
	[tilespmem:v28+s17+$0x0] =	vst.idx.msk $0xffff, v3  }
0xc3: {  	v46 =	vadd.s32 v41, v15;
	v3 =	vmul.f32 $8.000000000e+00, v30;
	v47 =	vld [tilespmem:s0+$0xA0];
	[tilespmem:v31+s17+$0x0] =	vst.idx.msk $0xffff, v2  }
0xc4: {  	v48 =	vadd.s32 v57, v14;
	[tilespmem:v32+s17+$0x0] =	vst.idx.msk $0xffff, v39;
	v2 =	vmul.f32 $8.000000000e+00, v33;
	v49 =	vld [tilespmem:s0+$0xF0]  }
0xc5: {  	v50 =	vadd.s32 v61, v11;
	[tilespmem:v35+s17+$0x0] =	vst.idx.msk $0xffff, v3;
	v3 =	vmul.f32 $8.000000000e+00, v36;
	v19 =	vld [tilespmem:s0+$0xFFFFFF30]  }
0xc6: {  	v9 =	vadd.s32 v29, v9;
	v52 =	vld [tilespmem:s0+$0xFFFFFF70];
	[tilespmem:v37+s17+$0x0] =	vst.idx.msk $0xffff, v2;
	v2 =	vmul.f32 $8.000000000e+00, v38  }
0xc7: {  	v53 =	vadd.s32 v51, v7;
	[tilespmem:v42+s17+$0x0] =	vst.idx.msk $0xffff, v3;
	v10 =	vld [tilespmem:s0+$0xFFFFFFB0];
	v3 =	vmul.f32 $8.000000000e+00, v44  }
0xc8: {  	v54 =	vadd.s32 v54, v16;
	v55 =	vld [tilespmem:s0+$0xFFFFFFF0];
	[tilespmem:v46+s17+$0x0] =	vst.idx.msk $0xffff, v2;
	v2 =	vmul.f32 $8.000000000e+00, v47  }
0xc9: {  	v56 =	vadd.s32 v40, v12;
	v57 =	vld [tilespmem:s0+$0x30];
	[tilespmem:v48+s17+$0x0] =	vst.idx.msk $0xffff, v3;
	v3 =	vmul.f32 $8.000000000e+00, v49  }
0xca: {  	v60 =	vadd.s32 v45, v13;
	v59 =	vmul.f32 $8.000000000e+00, v19;
	v61 =	vld [tilespmem:s0+$0x70];
	[tilespmem:v50+s17+$0x0] =	vst.idx.msk $0xffff, v2  }
0xcb: {  	v15 =	vadd.s32 v43, v15;
	v2 =	vmul.f32 $8.000000000e+00, v52;
	v17 =	vld [tilespmem:s0+$0xB0];
	[tilespmem:v9+s17+$0x0] =	vst.idx.msk $0xffff, v3  }
0xcc: {  	v62 =	vadd.s32 v58, v14;
	[tilespmem:v53+s17+$0x0] =	vst.idx.msk $0xffff, v59;
	v3 =	vmul.f32 $8.000000000e+00, v10  }
0xcd: {  	v63 =	vadd.s32 v34, v11;
	[tilespmem:v54+s17+$0x0] =	vst.idx.msk $0xffff, v2;
	v2 =	vmul.f32 $8.000000000e+00, v55  }
0xce: {  	[tilespmem:v56+s17+$0x0] =	vst.idx.msk $0xffff, v3;
	v3 =	vmul.f32 $8.000000000e+00, v57  }
0xcf: {  	s10 =	sshll.u32 s29, $0x7;
	[tilespmem:v60+s17+$0x0] =	vst.idx.msk $0xffff, v2;
	v2 =	vmul.f32 $8.000000000e+00, v61  }
0xd0: {  	s11 =	sshll.u32 s29, $0xA;
	s0 =	sand.u32 $0xE00, s10;
	[tilespmem:v15+s17+$0x0] =	vst.idx.msk $0xffff, v3;
	v3 =	vmul.f32 $8.000000000e+00, v17  }
0xd1: {  	s2 =	sand.u32 $0xFFF8000, s11;
	s0 =	sadd.s32 s1, s0;
	[tilespmem:v62+s17+$0x0] =	vst.idx.msk $0xffff, v2  }
0xd2: {  	s10 =	simm.s32 $0xE400;
	s2 =	sadd.s32 s2, s0;
	[tilespmem:v63+s17+$0x0] =	vst.idx.msk $0xffff, v3  }
0xd3: {  	[hbm4b:s2+s3] =	stream.linear.scatter [tilespmem:s10], [sflag:$0x5], $0x80, $0x38;
	[tilespmem:$0x16C00] =	vst v63  }
0xd4: {  	s11 =	simm.s32 $0xE488;
	s10 =	sadd.s32 $0x10, s2  }
0xd5: {  	[hbm4b:s10+s3] =	stream.linear.scatter [tilespmem:s11], [sflag:$0x5], $0x80, $0x38;
	[tilespmem:$0x16C00] =	vst v63  }
0xd6: {  	s29 =	simm.s32 $0x2200;
	s10 =	simm.s32 $0xE510;
	s11 =	sadd.s32 $0x20, s2  }
0xd7: {  	[hbm4b:s11+s3] =	stream.linear.scatter [tilespmem:s10], [sflag:$0x5], $0x80, $0x38;
	[tilespmem:$0x16C00] =	vst v63  }
0xd8: {  	s30 =	simm.s32 $0xE7B8;
	s10 =	simm.s32 $0xE598;
	s11 =	sadd.s32 $0x30, s2  }
0xd9: {  	[hbm4b:s11+s3] =	stream.linear.scatter [tilespmem:s10], [sflag:$0x5], $0x80, $0x38;
	[tilespmem:$0x16C00] =	vst v63  }
0xda: {  	s0 =	simm.s32 $0x440;
	s10 =	simm.s32 $0xE620;
	s11 =	sadd.s32 $0x40, s2  }
0xdb: {  	[hbm4b:s11+s3] =	stream.linear.scatter [tilespmem:s10], [sflag:$0x5], $0x80, $0x38;
	[tilespmem:$0x16C00] =	vst v63  }
0xdc: {  	s31 =	sadd.s32 $0x70, s2;
	s10 =	simm.s32 $0xE6A8;
	s11 =	sadd.s32 $0x50, s2  }
0xdd: {  	[hbm4b:s11+s3] =	stream.linear.scatter [tilespmem:s10], [sflag:$0x5], $0x80, $0x38;
	[tilespmem:$0x16C00] =	vst v63  }
0xde: {  	s10 =	simm.s32 $0xE730;
	s11 =	sadd.s32 $0x60, s2;
	s2 =	sadd.s32 $0x1000, s2  }
0xdf: {  	[hbm4b:s11+s3] =	stream.linear.scatter [tilespmem:s10], [sflag:$0x5], $0x80, $0x38;
	[tilespmem:$0x16C00] =	vst v63  }
.LBB2_5:
0xe0: {  	[hbm4b:s31+s3] =	stream.linear.scatter [tilespmem:s30], [sflag:$0x5], $0x80, $0x38;
	[tilespmem:$0x16C00] =	vst v63  }
0xe1: {  	s10 =	smov.u32 s0;
	s0 =	smov.u32 s29  }
0xe2: {  	s11 =	sadd.s32 $0x1100, s29;
	s0 =	sshra.s32 s0, $0x2;
	s30 =	sadd.s32 $0xE400, s10  }
0xe3: {  	[hbm4b:s2+s3] =	stream.linear.scatter [tilespmem:s30], [sflag:$0x5], $0x80, $0x38;
	[tilespmem:$0x16C00] =	vst v63  }
0xe4: {  	p1 =	sne.s32 s29, $0x7700;
	s29 =	sadd.s32 $0xE488, s10;
	s30 =	sadd.s32 $0x10, s2  }
0xe5: {  	[hbm4b:s30+s3] =	stream.linear.scatter [tilespmem:s29], [sflag:$0x5], $0x80, $0x38;
	[tilespmem:$0x16C00] =	vst v63  }
0xe6: {  	s29 =	sadd.s32 $0xE510, s10;
	s30 =	sadd.s32 $0x20, s2  }
0xe7: {  	[hbm4b:s30+s3] =	stream.linear.scatter [tilespmem:s29], [sflag:$0x5], $0x80, $0x38;
	[tilespmem:$0x16C00] =	vst v63  }
0xe8: {  	s29 =	sadd.s32 $0xE598, s10;
	s30 =	sadd.s32 $0x30, s2  }
0xe9: {  	[hbm4b:s30+s3] =	stream.linear.scatter [tilespmem:s29], [sflag:$0x5], $0x80, $0x38;
	[tilespmem:$0x16C00] =	vst v63  }
0xea: {  	s29 =	sadd.s32 $0xE620, s10;
	s30 =	sadd.s32 $0x40, s2  }
0xeb: {  	[hbm4b:s30+s3] =	stream.linear.scatter [tilespmem:s29], [sflag:$0x5], $0x80, $0x38;
	[tilespmem:$0x16C00] =	vst v63  }
.Ltmp3:
0xec: {  	s29 =	sadd.s32 $0xE6A8, s10;
	s30 =	sadd.s32 $0x50, s2;
	(pc) =	sbr.rel @p1 .LBB2_5-.Ltmp3, $4  }
0xed: {  	[hbm4b:s30+s3] =	stream.linear.scatter [tilespmem:s29], [sflag:$0x5], $0x80, $0x38;
	[tilespmem:$0x16C00] =	vst v63  }
0xee: {  	s31 =	sadd.s32 $0x70, s2;
	s29 =	sadd.s32 $0xE730, s10;
	s30 =	sadd.s32 $0x60, s2  }
0xef: {  	[hbm4b:s30+s3] =	stream.linear.scatter [tilespmem:s29], [sflag:$0x5], $0x80, $0x38;
	[tilespmem:$0x16C00] =	vst v63  }
0xf0: {  	s2 =	sadd.s32 $0x1000, s2;
	s30 =	sadd.s32 $0xE7B8, s10;
	s29 =	smov.u32 s11  }
0xf1: {  	[hbm4b:s31+s3] =	stream.linear.scatter [tilespmem:s30], [sflag:$0x5], $0x80, $0x38;
	[tilespmem:$0x16C00] =	vst v63  }
0xf2: {  	s10 =	sadd.s32 $0xE400, s0  }
0xf3: {  	[hbm4b:s2+s3] =	stream.linear.scatter [tilespmem:s10], [sflag:$0x5], $0x80, $0x38;
	[tilespmem:$0x16C00] =	vst v63  }
0xf4: {  	s11 =	sadd.s32 $0x10, s2;
	s10 =	sadd.s32 $0xE488, s0  }
0xf5: {  	[hbm4b:s11+s3] =	stream.linear.scatter [tilespmem:s10], [sflag:$0x5], $0x80, $0x38;
	[tilespmem:$0x16C00] =	vst v63  }
0xf6: {  	s10 =	sadd.s32 $0xE510, s0;
	s11 =	sadd.s32 $0x20, s2  }
0xf7: {  	[hbm4b:s11+s3] =	stream.linear.scatter [tilespmem:s10], [sflag:$0x5], $0x80, $0x38;
	[tilespmem:$0x16C00] =	vst v63  }
0xf8: {  	s10 =	sadd.s32 $0xE598, s0;
	s11 =	sadd.s32 $0x30, s2  }
0xf9: {  	[hbm4b:s11+s3] =	stream.linear.scatter [tilespmem:s10], [sflag:$0x5], $0x80, $0x38;
	[tilespmem:$0x16C00] =	vst v63  }
0xfa: {  	s10 =	sadd.s32 $0xE620, s0;
	s11 =	sadd.s32 $0x40, s2  }
0xfb: {  	[hbm4b:s11+s3] =	stream.linear.scatter [tilespmem:s10], [sflag:$0x5], $0x80, $0x38;
	[tilespmem:$0x16C00] =	vst v63  }
0xfc: {  	s10 =	sadd.s32 $0xE6A8, s0;
	s11 =	sadd.s32 $0x50, s2  }
0xfd: {  	[hbm4b:s11+s3] =	stream.linear.scatter [tilespmem:s10], [sflag:$0x5], $0x80, $0x38;
	[tilespmem:$0x16C00] =	vst v63  }
0xfe: {  	p1 =	seq.s32 s26, $0x31;
	s10 =	sadd.s32 $0xE730, s0;
	s11 =	sadd.s32 $0x60, s2  }
0xff: {  	[hbm4b:s11+s3] =	stream.linear.scatter [tilespmem:s10], [sflag:$0x5], $0x80, $0x38;
	[tilespmem:$0x16C00] =	vst v63  }
0x100: {  	s10 =	sadd.s32 $0xE7B8, s0;
	s0 =	sshll.u32 @!p1 s26, $0x9  }
0x101: {  	s11 =	sadd.s32 $0x70, s2;
	s29 =	sand.u32 @!p1 $0x3FFFFE00, s0  }
0x102: {  	[hbm4b:s11+s3] =	stream.linear.scatter [tilespmem:s10], [sflag:$0x5], $0x80, $0x38;
	[tilespmem:$0x16C00] =	vst v63  }
0x103: {  	s2 =	simm.s32 @!p1 $0x80;
	s0 =	sadd.s32 @!p1 $0x200, s29;
	s10 =	simm.s32 @!p1 $0x6400  }
0x104: {  	[tilespmem:s10], [sflag:$0x1] =	stream.indirect.gather @!p1 [hbm4b:s4+s2], $0x40, s0, s2, $0xb8;
	[tilespmem:$0x16C00] =	vst v63  }
0x105: {  	_ =	swait.ge [sflag:s18], $0x2000  }
0x106: {  	[sflag:s18] =	ssyncset.done $0x0  }
0x107: {  	s0 =	simm.s32 @!p0 $0x6;
	[sflag:s18] =	ssyncadd.s32 $0xFFFFE000  }
0x108: {  	s10 =	simm.s32 $0x0;
	_ =	swait.ge @!p0 [sflag:s0], $0x2000  }
0x109: {  	v2 =	vmov s10;
	v62 =	vld [tilespmem:$0x1FC90]  }
0x10a: {  	v2 =	vshrl.u32 v2, $0x3;
	[sflag:s0] =	ssyncset.done @!p0 $0x0  }
0x10b: {  	s11 =	simm.s32 $0x85F0;
	v2 =	vshll.u32 v2, $0x3;
	[sflag:s0] =	ssyncadd.s32 @!p0 $0xFFFFE000  }
0x10c: {  	v6 =	vbroadcast v2, $0x0;
	v2 =	vld [tilespmem:s11+$0xFFFFFE90]  }
0x10d: {  	v36 =	vld [tilespmem:$0x1FF00]  }
0x10e: {  	v43 =	vld [tilespmem:$0x1FF90];
	v3 =	vadd.s32 v62, v6  }
0x10f: {  	v38 =	vld [tilespmem:$0x1FF30]  }
0x110: {  	v4 =	vld [tilespmem:s11+$0xFFFFFED0]  }
0x111: {  	v5 =	vld [tilespmem:s11+$0xFFFFFF90];
	v2 =	vmul.f32 $8.000000000e+00, v2  }
0x112: {  	v7 =	vld [tilespmem:s11+$0xFFFFFF10];
	v8 =	vadd.s32 v36, v6  }
0x113: {  	v10 =	vadd.s32 v43, v6;
	[tilespmem:v3+s17+$0x0] =	vst.idx.msk $0xffff, v2  }
0x114: {  	v12 =	vadd.s32 v38, v6;
	v48 =	vld [tilespmem:$0x1FFD0]  }
0x115: {  	v2 =	vmul.f32 $8.000000000e+00, v4;
	v28 =	vld [tilespmem:$0x1FC10]  }
0x116: {  	v9 =	vld [tilespmem:s11+$0xFFFFFFD0];
	v5 =	vmul.f32 $8.000000000e+00, v5  }
0x117: {  	v11 =	vld [tilespmem:s11+$0xFFFFFE10];
	v7 =	vmul.f32 $8.000000000e+00, v7;
	[tilespmem:v8+s17+$0x0] =	vst.idx.msk $0xffff, v2  }
0x118: {  	v63 =	vld [tilespmem:$0x1FCA0];
	[tilespmem:v10+s17+$0x0] =	vst.idx.msk $0xffff, v5  }
0x119: {  	v32 =	vld [tilespmem:$0x1FC50];
	[tilespmem:v12+s17+$0x0] =	vst.idx.msk $0xffff, v7;
	v4 =	vadd.s32 v48, v6  }
0x11a: {  	v37 =	vld [tilespmem:$0x1FF10];
	v13 =	vadd.s32 v28, v6  }
0x11b: {  	v3 =	vld [tilespmem:s11+$0xFFFFFEA0]  }
0x11c: {  	v14 =	vld [tilespmem:s11+$0xFFFFFE50];
	v5 =	vmul.f32 $8.000000000e+00, v9  }
0x11d: {  	v8 =	vld [tilespmem:s11+$0xFFFFFEE0];
	v10 =	vmul.f32 $8.000000000e+00, v11;
	v2 =	vadd.s32 v63, v6  }
0x11e: {  	v7 =	vld [tilespmem:s11+$0xFFFFFFA0];
	v9 =	vadd.s32 v32, v6;
	[tilespmem:v4+s17+$0x0] =	vst.idx.msk $0xffff, v5  }
0x11f: {  	v11 =	vld [tilespmem:s11+$0xFFFFFF20];
	v12 =	vadd.s32 v37, v6;
	[tilespmem:v13+s17+$0x0] =	vst.idx.msk $0xffff, v10  }
0x120: {  	v3 =	vmul.f32 $8.000000000e+00, v3;
	v45 =	vld [tilespmem:$0x1FFA0]  }
0x121: {  	v10 =	vmul.f32 $8.000000000e+00, v14;
	v5 =	vld [tilespmem:s11+$0xFFFFFFE0]  }
0x122: {  	v39 =	vld [tilespmem:$0x1FF40];
	[tilespmem:v2+s17+$0x0] =	vst.idx.msk $0xffff, v3;
	v2 =	vmul.f32 $8.000000000e+00, v8  }
0x123: {  	v49 =	vld [tilespmem:$0x1FFE0];
	[tilespmem:v9+s17+$0x0] =	vst.idx.msk $0xffff, v10  }
0x124: {  	v29 =	vld [tilespmem:$0x1FC20];
	[tilespmem:v12+s17+$0x0] =	vst.idx.msk $0xffff, v2  }
0x125: {  	v27 =	vld [tilespmem:$0x1FEE0]  }
0x126: {  	v41 =	vld [tilespmem:$0x1FF60];
	v4 =	vadd.s32 v45, v6  }
0x127: {  	v13 =	vld [tilespmem:s11+$0xFFFFFE20];
	v14 =	vadd.s32 v39, v6  }
0x128: {  	v3 =	vld [tilespmem:s11+$0xFFFFFEB0];
	v8 =	vadd.s32 v49, v6  }
0x129: {  	v15 =	vld [tilespmem:s11+$0xFFFFFF50];
	v7 =	vmul.f32 $8.000000000e+00, v7;
	v9 =	vadd.s32 v29, v6  }
0x12a: {  	v11 =	vmul.f32 $8.000000000e+00, v11;
	v2 =	vadd.s32 v27, v6  }
0x12b: {  	v12 =	vadd.s32 v41, v6;
	[tilespmem:v4+s17+$0x0] =	vst.idx.msk $0xffff, v7;
	v4 =	vmul.f32 $8.000000000e+00, v5  }
0x12c: {  	[tilespmem:v14+s17+$0x0] =	vst.idx.msk $0xffff, v11;
	v5 =	vmul.f32 $8.000000000e+00, v13  }
0x12d: {  	v3 =	vmul.f32 $8.000000000e+00, v3;
	[tilespmem:v8+s17+$0x0] =	vst.idx.msk $0xffff, v4  }
0x12e: {  	v4 =	vmul.f32 $8.000000000e+00, v15;
	[tilespmem:v9+s17+$0x0] =	vst.idx.msk $0xffff, v5  }
0x12f: {  	v46 =	vld [tilespmem:$0x1FFB0];
	[tilespmem:v2+s17+$0x0] =	vst.idx.msk $0xffff, v3  }
0x130: {  	v7 =	vld [tilespmem:s11+$0xFFFFFFB0];
	[tilespmem:v12+s17+$0x0] =	vst.idx.msk $0xffff, v4  }
0x131: {  	v50 =	vld [tilespmem:$0x1FFF0]  }
0x132: {  	v40 =	vld [tilespmem:$0x1FF50]  }
0x133: {  	v8 =	vld [tilespmem:s11+$0xFFFFFFF0]  }
0x134: {  	v0 =	vld [tilespmem:$0x1FEF0];
	v5 =	vadd.s32 v46, v6  }
0x135: {  	s30 =	simm.s32 $0x87F0;
	v11 =	vld [tilespmem:s11+$0xFFFFFF30]  }
0x136: {  	v17 =	vld [tilespmem:s30+$0xFFFFFE10];
	v3 =	vadd.s32 v50, v6  }
0x137: {  	v2 =	vld [tilespmem:s11+$0xFFFFFEC0];
	v7 =	vmul.f32 $8.000000000e+00, v7;
	v4 =	vadd.s32 v40, v6  }
0x138: {  	v10 =	vld [tilespmem:s11+$0xFFFFFE60]  }
0x139: {  	v33 =	vld [tilespmem:$0x1FC60];
	v13 =	vadd.s32 v0, v6;
	[tilespmem:v5+s17+$0x0] =	vst.idx.msk $0xffff, v7;
	v5 =	vmul.f32 $8.000000000e+00, v8  }
0x13a: {  	v7 =	vmul.f32 $8.000000000e+00, v11;
	v26 =	vld [tilespmem:$0x1FF20]  }
0x13b: {  	v30 =	vld [tilespmem:$0x1FC30];
	[tilespmem:v3+s17+$0x0] =	vst.idx.msk $0xffff, v5  }
0x13c: {  	v16 =	vld [tilespmem:s11+$0xFFFFFEF0];
	v21 =	vmul.f32 $8.000000000e+00, v2;
	[tilespmem:v4+s17+$0x0] =	vst.idx.msk $0xffff, v7  }
0x13d: {  	s31 =	simm.s32 $0x8;
	v53 =	vld [tilespmem:$0x1FFC0]  }
0x13e: {  	v15 =	vmov s31;
	v9 =	vld [tilespmem:s11+$0xFFFFFE30];
	[tilespmem:v13+s17+$0x0] =	vst.idx.msk $0xffff, v21  }
0x13f: {  	v18 =	vadd.s32 v33, v6;
	v11 =	vshrl.u32 v15, $0x3;
	v42 =	vld [tilespmem:$0x1FF70]  }
0x140: {  	v15 =	vld [tilespmem:s11+$0xFFFFFFC0];
	v11 =	vshll.u32 v11, $0x3;
	v8 =	vadd.s32 v26, v6  }
0x141: {  	v12 =	vld [tilespmem:s11+$0xFFFFFF60];
	v2 =	vbroadcast v11, $0x0;
	v20 =	vadd.s32 v30, v6  }
0x142: {  	v3 =	vmul.f32 $8.000000000e+00, v10;
	v4 =	vadd.s32 v53, v6  }
0x143: {  	v5 =	vmul.f32 $8.000000000e+00, v16;
	v10 =	vld [tilespmem:s30+$0xFFFFFE50];
	v13 =	vadd.s32 v28, v2  }
0x144: {  	v9 =	vmul.f32 $8.000000000e+00, v9;
	v16 =	vld [tilespmem:s30+$0xFFFFFE90];
	[tilespmem:v18+s17+$0x0] =	vst.idx.msk $0xffff, v3;
	v11 =	vadd.s32 v42, v6  }
0x145: {  	v3 =	vadd.s32 v32, v2;
	[tilespmem:v8+s17+$0x0] =	vst.idx.msk $0xffff, v5;
	v5 =	vmul.f32 $8.000000000e+00, v15  }
0x146: {  	v8 =	vadd.s32 v62, v2;
	[tilespmem:v20+s17+$0x0] =	vst.idx.msk $0xffff, v9;
	v9 =	vmul.f32 $8.000000000e+00, v12;
	v12 =	vmul.f32 $8.000000000e+00, v17  }
0x147: {  	[tilespmem:v4+s17+$0x0] =	vst.idx.msk $0xffff, v5  }
0x148: {  	v19 =	vld [tilespmem:s30+$0xFFFFFED0];
	v4 =	vmul.f32 $8.000000000e+00, v10;
	[tilespmem:v13+s17+$0x0] =	vst.idx.msk $0xffff, v12  }
0x149: {  	v59 =	vld [tilespmem:s30+$0xFFFFFF90];
	[tilespmem:v11+s17+$0x0] =	vst.idx.msk $0xffff, v9;
	v9 =	vmul.f32 $8.000000000e+00, v16  }
0x14a: {  	v15 =	vld [tilespmem:s30+$0xFFFFFF10];
	[tilespmem:v3+s17+$0x0] =	vst.idx.msk $0xffff, v4  }
0x14b: {  	v17 =	vadd.s32 v36, v2;
	v20 =	vld [tilespmem:s30+$0xFFFFFF50];
	[tilespmem:v8+s17+$0x0] =	vst.idx.msk $0xffff, v9  }
0x14c: {  	v10 =	vadd.s32 v38, v2;
	v47 =	vld [tilespmem:$0x1FCB0]  }
0x14d: {  	v3 =	vld [tilespmem:$0x1FCE0]  }
0x14e: {  	v14 =	vld [tilespmem:s30+$0xFFFFFFD0];
	v16 =	vadd.s32 v43, v2;
	v4 =	vmul.f32 $8.000000000e+00, v19  }
0x14f: {  	v12 =	vld [tilespmem:s11+$0xFFFFFF00];
	v11 =	vadd.s32 v41, v2;
	v8 =	vmul.f32 $8.000000000e+00, v15  }
0x150: {  	[tilespmem:v17+s17+$0x0] =	vst.idx.msk $0xffff, v4;
	v17 =	vadd.s32 v48, v2  }
0x151: {  	v7 =	vld [tilespmem:s11+$0x0];
	[tilespmem:v10+s17+$0x0] =	vst.idx.msk $0xffff, v8;
	v8 =	vmul.f32 $8.000000000e+00, v59;
	v9 =	vadd.s32 v47, v6  }
0x152: {  	v15 =	vld [tilespmem:s30+$0xFFFFFEA0];
	v4 =	vmul.f32 $8.000000000e+00, v20;
	v3 =	vadd.s32 $0x3B87, v3  }
0x153: {  	v19 =	vld [tilespmem:s30+$0xFFFFFEE0];
	[tilespmem:v16+s17+$0x0] =	vst.idx.msk $0xffff, v8;
	v8 =	vmul.f32 $8.000000000e+00, v14;
	v10 =	vadd.s32 v3, v6  }
0x154: {  	v20 =	vadd.s32 v63, v2;
	[tilespmem:v11+s17+$0x0] =	vst.idx.msk $0xffff, v4;
	v4 =	vmul.f32 $8.000000000e+00, v12  }
0x155: {  	v18 =	vld [tilespmem:s11+$0xFFFFFE70];
	v11 =	vadd.s32 v37, v2;
	[tilespmem:v17+s17+$0x0] =	vst.idx.msk $0xffff, v8  }
0x156: {  	v60 =	vld [tilespmem:s30+$0xFFFFFF20];
	[tilespmem:v9+s17+$0x0] =	vst.idx.msk $0xffff, v4;
	v4 =	vmul.f32 $8.000000000e+00, v7  }
0x157: {  	v7 =	vmul.f32 $8.000000000e+00, v15;
	v44 =	vld [tilespmem:$0x1FF80]  }
0x158: {  	v13 =	vld [tilespmem:s30+$0xFFFFFE20];
	v15 =	vmul.f32 $8.000000000e+00, v19;
	[tilespmem:v10+s17+$0x0] =	vst.idx.msk $0xffff, v4  }
0x159: {  	v14 =	vadd.s32 v39, v2;
	v16 =	vld [tilespmem:s30+$0xFFFFFFA0];
	[tilespmem:v20+s17+$0x0] =	vst.idx.msk $0xffff, v7  }
0x15a: {  	v12 =	vld [tilespmem:s11+$0xFFFFFF70];
	[tilespmem:v11+s17+$0x0] =	vst.idx.msk $0xffff, v15  }
0x15b: {  	v17 =	vadd.s32 v45, v2;
	v34 =	vld [tilespmem:$0x1FC70]  }
0x15c: {  	v5 =	vld [tilespmem:s30+$0xFFFFFE60];
	v10 =	vmul.f32 $8.000000000e+00, v60;
	v8 =	vadd.s32 v44, v6  }
0x15d: {  	v19 =	vld [tilespmem:s30+$0xFFFFFFE0];
	v4 =	vadd.s32 v29, v2  }
0x15e: {  	v9 =	vld [tilespmem:s11+$0xFFFFFE40];
	[tilespmem:v14+s17+$0x0] =	vst.idx.msk $0xffff, v10;
	v10 =	vmul.f32 $8.000000000e+00, v16  }
0x15f: {  	v12 =	vmul.f32 $8.000000000e+00, v12;
	v20 =	vld [tilespmem:s11+$0xFFFFFF40];
	v11 =	vadd.s32 v49, v2  }
0x160: {  	v13 =	vmul.f32 $8.000000000e+00, v13;
	v61 =	vld [tilespmem:s30+$0xFFFFFEB0];
	[tilespmem:v17+s17+$0x0] =	vst.idx.msk $0xffff, v10;
	v15 =	vadd.s32 v34, v6  }
0x161: {  	v7 =	vld [tilespmem:s30+$0xFFFFFEF0];
	[tilespmem:v8+s17+$0x0] =	vst.idx.msk $0xffff, v12  }
0x162: {  	v16 =	vadd.s32 v27, v2;
	v10 =	vmul.f32 $8.000000000e+00, v19;
	v51 =	vld [tilespmem:$0x1FCC0];
	[tilespmem:v4+s17+$0x0] =	vst.idx.msk $0xffff, v13  }
0x163: {  	v12 =	vmul.f32 $8.000000000e+00, v18;
	v31 =	vld [tilespmem:$0x1FC40]  }
0x164: {  	v22 =	vld [tilespmem:s30+$0xFFFFFF30];
	[tilespmem:v11+s17+$0x0] =	vst.idx.msk $0xffff, v10  }
0x165: {  	v24 =	vld [tilespmem:s30+$0xFFFFFFB0];
	v13 =	vmul.f32 $8.000000000e+00, v61;
	[tilespmem:v15+s17+$0x0] =	vst.idx.msk $0xffff, v12  }
0x166: {  	v52 =	vld [tilespmem:$0x1FCD0]  }
0x167: {  	v23 =	vld [tilespmem:s11+$0xFFFFFF80];
	[tilespmem:v16+s17+$0x0] =	vst.idx.msk $0xffff, v13;
	v19 =	vadd.s32 v51, v6  }
0x168: {  	v35 =	vld [tilespmem:$0x1FC80];
	v25 =	vadd.s32 v31, v6  }
0x169: {  	v8 =	vld [tilespmem:s30+$0xFFFFFE30]  }
0x16a: {  	v14 =	vadd.s32 v46, v2;
	v15 =	vmul.f32 $8.000000000e+00, v20;
	v11 =	vld [tilespmem:s30+$0xFFFFFFF0]  }
0x16b: {  	v17 =	vadd.s32 v40, v2;
	v20 =	vmul.f32 $8.000000000e+00, v9;
	v12 =	vld [tilespmem:s11+$0xFFFFFE80];
	v18 =	vadd.s32 v52, v6  }
0x16c: {  	s28 =	sadd.s32 s28, s6;
	v4 =	vadd.s32 v0, v2;
	v16 =	vmul.f32 $8.000000000e+00, v22;
	v13 =	vadd.s32 v50, v2;
	v10 =	vld [tilespmem:s30+$0xFFFFFEC0];
	[tilespmem:v19+s17+$0x0] =	vst.idx.msk $0xffff, v15  }
0x16d: {  	s2 =	simm.s32 $0x89F0;
	s0 =	sadd.s32 $0x1, s28;
	v9 =	vadd.s32 v35, v6;
	v6 =	vmul.f32 $8.000000000e+00, v24;
	v19 =	vmul.f32 $8.000000000e+00, v23;
	v15 =	vld [tilespmem:s30+$0xFFFFFF60];
	[tilespmem:v25+s17+$0x0] =	vst.idx.msk $0xffff, v20  }
.LBB2_7:
0x16e: {  	_ =	sdelay $0x1  }
0x16f: {  	[tilespmem:v18+s17+$0x0] =	vst.idx.msk $0xffff, v19  }
0x170: {  	s31 =	sadd.s32 $0x8, s31;
	v20 =	vld [tilespmem:s2+$0xFFFFFFD0];
	v22 =	vadd.s32 v33, v2;
	[tilespmem:v14+s17+$0x0] =	vst.idx.msk $0xffff, v6;
	v12 =	vmul.f32 $8.000000000e+00, v12  }
0x171: {  	v18 =	vmov s31;
	v19 =	vld [tilespmem:s2+$0xFFFFFE10];
	[tilespmem:v17+s17+$0x0] =	vst.idx.msk $0xffff, v16;
	v17 =	vadd.s32 v30, v2;
	v6 =	vmul.f32 $8.000000000e+00, v11  }
0x172: {  	v14 =	vld [tilespmem:s30+$0xFFFFFFC0];
	v21 =	vadd.s32 v26, v2;
	v11 =	vshrl.u32 v18, $0x3;
	v10 =	vmul.f32 $8.000000000e+00, v10;
	[tilespmem:v9+s17+$0x0] =	vst.idx.msk $0xffff, v12  }
0x173: {  	v16 =	vld [tilespmem:s2+$0xFFFFFED0];
	v5 =	vmul.f32 $8.000000000e+00, v5;
	v11 =	vshll.u32 v11, $0x3;
	[tilespmem:v13+s17+$0x0] =	vst.idx.msk $0xffff, v6  }
0x174: {  	v56 =	vld [tilespmem:s2+$0xFFFFFF10];
	v8 =	vmul.f32 $8.000000000e+00, v8;
	v6 =	vbroadcast v11, $0x0;
	v11 =	vadd.s32 v53, v2;
	[tilespmem:v4+s17+$0x0] =	vst.idx.msk $0xffff, v10  }
0x175: {  	v7 =	vmul.f32 $8.000000000e+00, v7;
	v9 =	vld [tilespmem:s2+$0xFFFFFE50];
	v10 =	vadd.s32 v42, v2;
	[tilespmem:v22+s17+$0x0] =	vst.idx.msk $0xffff, v5  }
0x176: {  	[tilespmem:v17+s17+$0x0] =	vst.idx.msk $0xffff, v8;
	v8 =	vmul.f32 $8.000000000e+00, v15;
	v18 =	vld [tilespmem:s2+$0xFFFFFE90];
	v12 =	vadd.s32 v28, v6  }
0x177: {  	v15 =	vmul.f32 $8.000000000e+00, v19;
	v19 =	vld [tilespmem:s2+$0xFFFFFF50];
	v5 =	vadd.s32 v32, v6;
	[tilespmem:v21+s17+$0x0] =	vst.idx.msk $0xffff, v7;
	v7 =	vmul.f32 $8.000000000e+00, v14  }
0x178: {  	v13 =	vld [tilespmem:s30+$0x0];
	v14 =	vadd.s32 v62, v6  }
0x179: {  	v22 =	vld [tilespmem:s30+$0xFFFFFE70];
	v17 =	vadd.s32 v36, v6;
	[tilespmem:v11+s17+$0x0] =	vst.idx.msk $0xffff, v7  }
0x17a: {  	v7 =	vmul.f32 $8.000000000e+00, v9;
	v9 =	vadd.s32 v38, v6;
	[tilespmem:v10+s17+$0x0] =	vst.idx.msk $0xffff, v8;
	v11 =	vld [tilespmem:s2+$0xFFFFFF90]  }
0x17b: {  	v10 =	vadd.s32 v41, v6;
	v8 =	vmul.f32 $8.000000000e+00, v18;
	[tilespmem:v12+s17+$0x0] =	vst.idx.msk $0xffff, v15;
	v12 =	vld [tilespmem:s30+$0xFFFFFF00]  }
0x17c: {  	[tilespmem:v5+s17+$0x0] =	vst.idx.msk $0xffff, v7;
	v7 =	vmul.f32 $8.000000000e+00, v16;
	v16 =	vadd.s32 v43, v6;
	v15 =	vld [tilespmem:s2+$0xFFFFFE20]  }
0x17d: {  	v5 =	vld [tilespmem:s2+$0xFFFFFE60];
	[tilespmem:v14+s17+$0x0] =	vst.idx.msk $0xffff, v8;
	v8 =	vmul.f32 $8.000000000e+00, v56;
	v14 =	vadd.s32 v47, v2  }
0x17e: {  	v18 =	vld [tilespmem:s2+$0xFFFFFEA0];
	[tilespmem:v17+s17+$0x0] =	vst.idx.msk $0xffff, v7;
	v7 =	vmul.f32 $8.000000000e+00, v19;
	v17 =	vadd.s32 v48, v6  }
0x17f: {  	v57 =	vld [tilespmem:s2+$0xFFFFFEE0];
	[tilespmem:v9+s17+$0x0] =	vst.idx.msk $0xffff, v8;
	v9 =	vadd.s32 v3, v2;
	v8 =	vmul.f32 $8.000000000e+00, v11  }
0x180: {  	v11 =	vadd.s32 v63, v6;
	v58 =	vld [tilespmem:s2+$0xFFFFFF20];
	[tilespmem:v10+s17+$0x0] =	vst.idx.msk $0xffff, v7;
	v7 =	vmul.f32 $8.000000000e+00, v12  }
0x181: {  	v10 =	vadd.s32 v37, v6;
	v12 =	vld [tilespmem:s30+$0xFFFFFF70];
	[tilespmem:v16+s17+$0x0] =	vst.idx.msk $0xffff, v8;
	v8 =	vmul.f32 $8.000000000e+00, v20  }
0x182: {  	v16 =	vadd.s32 v39, v6;
	v20 =	vld [tilespmem:s2+$0xFFFFFFA0];
	[tilespmem:v14+s17+$0x0] =	vst.idx.msk $0xffff, v7;
	v7 =	vmul.f32 $8.000000000e+00, v13  }
0x183: {  	v13 =	vmul.f32 $8.000000000e+00, v18;
	v14 =	vadd.s32 v44, v2;
	[tilespmem:v17+s17+$0x0] =	vst.idx.msk $0xffff, v8;
	v8 =	vld [tilespmem:s30+$0xFFFFFE40]  }
0x184: {  	v18 =	vadd.s32 v45, v6;
	v17 =	vmul.f32 $8.000000000e+00, v57;
	v59 =	vld [tilespmem:s2+$0xFFFFFFE0];
	[tilespmem:v9+s17+$0x0] =	vst.idx.msk $0xffff, v7  }
0x185: {  	v9 =	vadd.s32 v29, v6;
	[tilespmem:v11+s17+$0x0] =	vst.idx.msk $0xffff, v13;
	v11 =	vmul.f32 $8.000000000e+00, v58;
	v13 =	vld [tilespmem:s30+$0xFFFFFF40]  }
0x186: {  	v60 =	vld [tilespmem:s2+$0xFFFFFEB0];
	[tilespmem:v10+s17+$0x0] =	vst.idx.msk $0xffff, v17;
	v17 =	vadd.s32 v34, v2;
	v12 =	vmul.f32 $8.000000000e+00, v12  }
0x187: {  	v26 =	vadd.s32 v31, v2;
	v7 =	vld [tilespmem:s2+$0xFFFFFEF0];
	[tilespmem:v16+s17+$0x0] =	vst.idx.msk $0xffff, v11;
	v11 =	vmul.f32 $8.000000000e+00, v20  }
0x188: {  	v15 =	vmul.f32 $8.000000000e+00, v15;
	v10 =	vadd.s32 v49, v6;
	v20 =	vld [tilespmem:s2+$0xFFFFFF30];
	[tilespmem:v14+s17+$0x0] =	vst.idx.msk $0xffff, v12  }
0x189: {  	v61 =	vadd.s32 v51, v2;
	v19 =	vmul.f32 $8.000000000e+00, v22;
	v23 =	vld [tilespmem:s30+$0xFFFFFF80];
	[tilespmem:v18+s17+$0x0] =	vst.idx.msk $0xffff, v11  }
0x18a: {  	v16 =	vadd.s32 v27, v6;
	v25 =	vmul.f32 $8.000000000e+00, v8;
	[tilespmem:v9+s17+$0x0] =	vst.idx.msk $0xffff, v15;
	v24 =	vld [tilespmem:s2+$0xFFFFFFB0]  }
0x18b: {  	p2 =	slt.u32 s31, $0x78;
	v11 =	vmul.f32 $8.000000000e+00, v59;
	v8 =	vld [tilespmem:s2+$0xFFFFFE30];
	[tilespmem:v17+s17+$0x0] =	vst.idx.msk $0xffff, v19  }
.Ltmp4:
0x18c: {  	v15 =	vmul.f32 $8.000000000e+00, v13;
	[tilespmem:v26+s17+$0x0] =	vst.idx.msk $0xffff, v25;
	v26 =	vld [tilespmem:$0x1FF20];
	(pc) =	sbr.rel @p2 .LBB2_7-.Ltmp4, $4  }
0x18d: {  	v4 =	vadd.s32 v0, v6;
	v9 =	vmul.f32 $8.000000000e+00, v60;
	[tilespmem:v10+s17+$0x0] =	vst.idx.msk $0xffff, v11;
	v12 =	vld [tilespmem:s30+$0xFFFFFE80]  }
0x18e: {  	v14 =	vadd.s32 v46, v6;
	v18 =	vadd.s32 v52, v2;
	s30 =	smov.u32 s2;
	[tilespmem:v61+s17+$0x0] =	vst.idx.msk $0xffff, v15;
	v11 =	vld [tilespmem:s2+$0xFFFFFFF0]  }
0x18f: {  	v13 =	vadd.s32 v50, v6;
	v17 =	vadd.s32 v40, v6;
	[tilespmem:v16+s17+$0x0] =	vst.idx.msk $0xffff, v9;
	v16 =	vmul.f32 $8.000000000e+00, v20;
	v15 =	vld [tilespmem:s30+$0xFFFFFF60]  }
0x190: {  	v9 =	vadd.s32 v35, v2;
	v2 =	vmovc v6;
	v10 =	vld [tilespmem:s2+$0xFFFFFEC0];
	v19 =	vmul.f32 $8.000000000e+00, v23;
	s2 =	sadd.s32 $0x200, s2;
	v6 =	vmul.f32 $8.000000000e+00, v24  }
0x191: {  	v20 =	vadd.s32 v42, v2  }
0x192: {  	v21 =	vadd.s32 v33, v2;
	_ =	sdelay $0x1  }
0x193: {  	v15 =	vmul.f32 $8.000000000e+00, v15  }
0x194: {  	v5 =	vmul.f32 $8.000000000e+00, v5;
	[tilespmem:v17+s17+$0x0] =	vst.idx.msk $0xffff, v16  }
0x195: {  	[tilespmem:v20+s17+$0x0] =	vst.idx.msk $0xffff, v15  }
0x196: {  	v39 =	vadd.s32 v26, v2;
	[tilespmem:v21+s17+$0x0] =	vst.idx.msk $0xffff, v5;
	v40 =	vld [tilespmem:s30+$0xFFFFFF70]  }
0x197: {  	v41 =	vadd.s32 v30, v2;
	[tilespmem:v18+s17+$0x0] =	vst.idx.msk $0xffff, v19;
	v12 =	vmul.f32 $8.000000000e+00, v12;
	v42 =	vld [tilespmem:s30+$0xFFFFFE70]  }
0x198: {  	v43 =	vadd.s32 v44, v2;
	[tilespmem:v14+s17+$0x0] =	vst.idx.msk $0xffff, v6;
	v11 =	vmul.f32 $8.000000000e+00, v11  }
0x199: {  	v7 =	vmul.f32 $8.000000000e+00, v7;
	v45 =	vadd.s32 v34, v2;
	v54 =	vld [tilespmem:s30+$0xFFFFFF40];
	[tilespmem:v9+s17+$0x0] =	vst.idx.msk $0xffff, v12  }
0x19a: {  	v8 =	vmul.f32 $8.000000000e+00, v8;
	v44 =	vld [tilespmem:s30+$0xFFFFFFC0];
	[tilespmem:v13+s17+$0x0] =	vst.idx.msk $0xffff, v11  }
0x19b: {  	v57 =	vadd.s32 v51, v2;
	[tilespmem:v39+s17+$0x0] =	vst.idx.msk $0xffff, v7;
	v49 =	vld [tilespmem:s30+$0x0];
	v5 =	vmul.f32 $8.000000000e+00, v40  }
0x19c: {  	v48 =	vadd.s32 v53, v2;
	[tilespmem:v41+s17+$0x0] =	vst.idx.msk $0xffff, v8;
	v46 =	vld [tilespmem:s30+$0xFFFFFF00];
	v53 =	vmul.f32 $8.000000000e+00, v42  }
0x19d: {  	v3 =	vadd.s32 v3, v2;
	v10 =	vmul.f32 $8.000000000e+00, v10;
	v55 =	vld [tilespmem:s30+$0xFFFFFE40];
	[tilespmem:v43+s17+$0x0] =	vst.idx.msk $0xffff, v5  }
0x19e: {  	v50 =	vadd.s32 v47, v2;
	v62 =	vmul.f32 $8.000000000e+00, v54;
	[tilespmem:v45+s17+$0x0] =	vst.idx.msk $0xffff, v53;
	v15 =	vld [tilespmem:s30+$0xFFFFFF80]  }
0x19f: {  	v59 =	vadd.s32 v31, v2;
	[tilespmem:v4+s17+$0x0] =	vst.idx.msk $0xffff, v10;
	v56 =	vmul.f32 $8.000000000e+00, v44;
	v8 =	vld [tilespmem:s30+$0xFFFFFE80]  }
0x1a0: {  	v61 =	vadd.s32 v52, v2;
	[tilespmem:v57+s17+$0x0] =	vst.idx.msk $0xffff, v62;
	v60 =	vmul.f32 $8.000000000e+00, v49  }
0x1a1: {  	v2 =	vadd.s32 v35, v2;
	[tilespmem:v48+s17+$0x0] =	vst.idx.msk $0xffff, v56;
	v58 =	vmul.f32 $8.000000000e+00, v46  }
0x1a2: {  	[tilespmem:v3+s17+$0x0] =	vst.idx.msk $0xffff, v60;
	v3 =	vmul.f32 $8.000000000e+00, v55  }
0x1a3: {  	s2 =	sshll.u32 s0, $0x7;
	[tilespmem:v50+s17+$0x0] =	vst.idx.msk $0xffff, v58;
	v63 =	vmul.f32 $8.000000000e+00, v15  }
0x1a4: {  	s11 =	sshll.u32 s0, $0xA;
	s2 =	sand.u32 $0xE80, s2;
	[tilespmem:v59+s17+$0x0] =	vst.idx.msk $0xffff, v3;
	v3 =	vmul.f32 $8.000000000e+00, v8  }
0x1a5: {  	s0 =	sand.u32 $0xFFF8000, s11;
	s2 =	sadd.s32 s1, s2;
	[tilespmem:v61+s17+$0x0] =	vst.idx.msk $0xffff, v63  }
0x1a6: {  	s10 =	simm.s32 $0x10600;
	s2 =	sadd.s32 s0, s2;
	[tilespmem:v2+s17+$0x0] =	vst.idx.msk $0xffff, v3  }
0x1a7: {  	[hbm4b:s2+s3] =	stream.linear.scatter [tilespmem:s10], [sflag:$0x6], $0x80, $0x38;
	[tilespmem:$0x16C00] =	vst v63  }
0x1a8: {  	s11 =	simm.s32 $0x10688;
	s10 =	sadd.s32 $0x10, s2  }
0x1a9: {  	[hbm4b:s10+s3] =	stream.linear.scatter [tilespmem:s11], [sflag:$0x6], $0x80, $0x38;
	[tilespmem:$0x16C00] =	vst v63  }
0x1aa: {  	s10 =	simm.s32 $0x10710;
	s11 =	sadd.s32 $0x20, s2  }
0x1ab: {  	[hbm4b:s11+s3] =	stream.linear.scatter [tilespmem:s10], [sflag:$0x6], $0x80, $0x38;
	[tilespmem:$0x16C00] =	vst v63  }
0x1ac: {  	s10 =	simm.s32 $0x10798;
	s11 =	sadd.s32 $0x30, s2  }
0x1ad: {  	[hbm4b:s11+s3] =	stream.linear.scatter [tilespmem:s10], [sflag:$0x6], $0x80, $0x38;
	[tilespmem:$0x16C00] =	vst v63  }
0x1ae: {  	s10 =	simm.s32 $0x10820;
	s11 =	sadd.s32 $0x40, s2  }
0x1af: {  	[hbm4b:s11+s3] =	stream.linear.scatter [tilespmem:s10], [sflag:$0x6], $0x80, $0x38;
	[tilespmem:$0x16C00] =	vst v63  }
0x1b0: {  	s31 =	simm.s32 $0x109B8;
	s10 =	simm.s32 $0x108A8;
	s11 =	sadd.s32 $0x50, s2  }
0x1b1: {  	[hbm4b:s11+s3] =	stream.linear.scatter [tilespmem:s10], [sflag:$0x6], $0x80, $0x38;
	[tilespmem:$0x16C00] =	vst v63  }
0x1b2: {  	s0 =	simm.s32 $0x440;
	s10 =	simm.s32 $0x10930;
	s11 =	sadd.s32 $0x60, s2  }
0x1b3: {  	[hbm4b:s11+s3] =	stream.linear.scatter [tilespmem:s10], [sflag:$0x6], $0x80, $0x38;
	[tilespmem:$0x16C00] =	vst v63  }
0x1b4: {  	s30 =	simm.s32 $0x2200;
	s10 =	sadd.s32 $0x70, s2;
	s2 =	sadd.s32 $0x1000, s2  }
.LBB2_9:
0x1b5: {  	[hbm4b:s10+s3] =	stream.linear.scatter [tilespmem:s31], [sflag:$0x6], $0x80, $0x38;
	[tilespmem:$0x16C00] =	vst v63  }
0x1b6: {  	s10 =	smov.u32 s0;
	s0 =	smov.u32 s30  }
0x1b7: {  	s11 =	sadd.s32 $0x1100, s30;
	s0 =	sshra.s32 s0, $0x2;
	s31 =	sadd.s32 $0x10600, s10  }
0x1b8: {  	[hbm4b:s2+s3] =	stream.linear.scatter [tilespmem:s31], [sflag:$0x6], $0x80, $0x38;
	[tilespmem:$0x16C00] =	vst v63  }
0x1b9: {  	p2 =	sne.s32 s30, $0x7700;
	s30 =	sadd.s32 $0x10688, s10;
	s31 =	sadd.s32 $0x10, s2  }
0x1ba: {  	[hbm4b:s31+s3] =	stream.linear.scatter [tilespmem:s30], [sflag:$0x6], $0x80, $0x38;
	[tilespmem:$0x16C00] =	vst v63  }
0x1bb: {  	s30 =	sadd.s32 $0x10710, s10;
	s31 =	sadd.s32 $0x20, s2  }
0x1bc: {  	[hbm4b:s31+s3] =	stream.linear.scatter [tilespmem:s30], [sflag:$0x6], $0x80, $0x38;
	[tilespmem:$0x16C00] =	vst v63  }
0x1bd: {  	s30 =	sadd.s32 $0x10798, s10;
	s31 =	sadd.s32 $0x30, s2  }
0x1be: {  	[hbm4b:s31+s3] =	stream.linear.scatter [tilespmem:s30], [sflag:$0x6], $0x80, $0x38;
	[tilespmem:$0x16C00] =	vst v63  }
0x1bf: {  	s30 =	sadd.s32 $0x10820, s10;
	s31 =	sadd.s32 $0x40, s2  }
0x1c0: {  	[hbm4b:s31+s3] =	stream.linear.scatter [tilespmem:s30], [sflag:$0x6], $0x80, $0x38;
	[tilespmem:$0x16C00] =	vst v63  }
0x1c1: {  	s30 =	sadd.s32 $0x108A8, s10;
	s31 =	sadd.s32 $0x50, s2  }
0x1c2: {  	[hbm4b:s31+s3] =	stream.linear.scatter [tilespmem:s30], [sflag:$0x6], $0x80, $0x38;
	[tilespmem:$0x16C00] =	vst v63  }
.Ltmp5:
0x1c3: {  	_ = 	snop;
	(pc) =	sbr.rel @p2 .LBB2_9-.Ltmp5, $4  }
0x1c4: {  	s30 =	sadd.s32 $0x10930, s10;
	s31 =	sadd.s32 $0x60, s2  }
0x1c5: {  	[hbm4b:s31+s3] =	stream.linear.scatter [tilespmem:s30], [sflag:$0x6], $0x80, $0x38;
	[tilespmem:$0x16C00] =	vst v63  }
0x1c6: {  	s31 =	sadd.s32 $0x109B8, s10  }
0x1c7: {  	s10 =	sadd.s32 $0x70, s2;
	s2 =	sadd.s32 $0x1000, s2;
	s30 =	smov.u32 s11  }
0x1c8: {  	[hbm4b:s10+s3] =	stream.linear.scatter [tilespmem:s31], [sflag:$0x6], $0x80, $0x38;
	[tilespmem:$0x16C00] =	vst v63  }
0x1c9: {  	s11 =	sadd.s32 $0x10600, s0  }
0x1ca: {  	[hbm4b:s2+s3] =	stream.linear.scatter [tilespmem:s11], [sflag:$0x6], $0x80, $0x38;
	[tilespmem:$0x16C00] =	vst v63  }
0x1cb: {  	s10 =	sadd.s32 $0x10688, s0;
	s11 =	sadd.s32 $0x10, s2  }
0x1cc: {  	[hbm4b:s11+s3] =	stream.linear.scatter [tilespmem:s10], [sflag:$0x6], $0x80, $0x38;
	[tilespmem:$0x16C00] =	vst v63  }
0x1cd: {  	s10 =	sadd.s32 $0x10710, s0;
	s11 =	sadd.s32 $0x20, s2  }
0x1ce: {  	[hbm4b:s11+s3] =	stream.linear.scatter [tilespmem:s10], [sflag:$0x6], $0x80, $0x38;
	[tilespmem:$0x16C00] =	vst v63  }
0x1cf: {  	s10 =	sadd.s32 $0x10798, s0;
	s11 =	sadd.s32 $0x30, s2  }
0x1d0: {  	[hbm4b:s11+s3] =	stream.linear.scatter [tilespmem:s10], [sflag:$0x6], $0x80, $0x38;
	[tilespmem:$0x16C00] =	vst v63  }
0x1d1: {  	s10 =	sadd.s32 $0x10820, s0;
	s11 =	sadd.s32 $0x40, s2  }
0x1d2: {  	[hbm4b:s11+s3] =	stream.linear.scatter [tilespmem:s10], [sflag:$0x6], $0x80, $0x38;
	[tilespmem:$0x16C00] =	vst v63  }
0x1d3: {  	s10 =	sadd.s32 $0x108A8, s0;
	s11 =	sadd.s32 $0x50, s2  }
0x1d4: {  	[hbm4b:s11+s3] =	stream.linear.scatter [tilespmem:s10], [sflag:$0x6], $0x80, $0x38;
	[tilespmem:$0x16C00] =	vst v63  }
0x1d5: {  	s10 =	sadd.s32 $0x10930, s0;
	s11 =	sadd.s32 $0x60, s2  }
0x1d6: {  	[hbm4b:s11+s3] =	stream.linear.scatter [tilespmem:s10], [sflag:$0x6], $0x80, $0x38;
	[tilespmem:$0x16C00] =	vst v63  }
0x1d7: {  	s10 =	sadd.s32 $0x109B8, s0;
	s11 =	sadd.s32 $0x70, s2  }
0x1d8: {  	[hbm4b:s11+s3] =	stream.linear.scatter [tilespmem:s10], [sflag:$0x6], $0x80, $0x38;
	[tilespmem:$0x16C00] =	vst v63  }
0x1d9: {  	s0 =	sadd.s32 @!p1 $0x280, s29;
	s2 =	simm.s32 @!p1 $0x80;
	s10 =	simm.s32 @!p1 $0x8400  }
0x1da: {  	[tilespmem:s10], [sflag:$0x2] =	stream.indirect.gather @!p1 [hbm4b:s4+s2], $0x40, s0, s2, $0xb8;
	[tilespmem:$0x16C00] =	vst v63  }
0x1db: {  	_ =	swait.ge [sflag:s19], $0x2000  }
0x1dc: {  	[sflag:s19] =	ssyncset.done $0x0  }
0x1dd: {  	s0 =	simm.s32 @!p0 $0x7;
	[sflag:s19] =	ssyncadd.s32 $0xFFFFE000  }
0x1de: {  	_ =	swait.ge @!p0 [sflag:s0], $0x2000  }
0x1df: {  	s10 =	simm.s32 $0x0;
	v0 =	vld [tilespmem:$0x1FCE0]  }
0x1e0: {  	v2 =	vmov s10  }
0x1e1: {  	v2 =	vshrl.u32 v2, $0x3;
	[sflag:s0] =	ssyncset.done @!p0 $0x0  }
0x1e2: {  	s11 =	simm.s32 $0xA400;
	v2 =	vshll.u32 v2, $0x3;
	[sflag:s0] =	ssyncadd.s32 @!p0 $0xFFFFE000  }
0x1e3: {  	v36 =	vbroadcast v2, $0x0;
	v5 =	vld [tilespmem:s11+$0xC0]  }
0x1e4: {  	v2 =	vadd.s32 $0x4403, v0  }
0x1e5: {  	v8 =	vld [tilespmem:s11+$0x100];
	v7 =	vadd.s32 v2, v36  }
0x1e6: {  	v9 =	vld [tilespmem:s11+$0x0];
	v3 =	vadd.s32 $0x4404, v0  }
0x1e7: {  	v4 =	vadd.s32 $0x4400, v0;
	v10 =	vadd.s32 v3, v36  }
0x1e8: {  	v11 =	vld [tilespmem:s11+$0x40];
	v12 =	vadd.s32 v4, v36;
	v13 =	vmul.f32 $8.000000000e+00, v5  }
0x1e9: {  	v14 =	vld [tilespmem:s11+$0x180];
	v5 =	vadd.s32 $0x4401, v0  }
0x1ea: {  	v16 =	vld [tilespmem:s11+$0x1C0];
	v6 =	vadd.s32 $0x4406, v0;
	v17 =	vmul.f32 $8.000000000e+00, v8;
	v15 =	vadd.s32 v5, v36;
	[tilespmem:v7+s17+$0x0] =	vst.idx.msk $0xffff, v13  }
0x1eb: {  	v18 =	vmul.f32 $8.000000000e+00, v9;
	v7 =	vadd.s32 $0x4407, v0;
	v13 =	vadd.s32 v6, v36;
	v19 =	vld [tilespmem:s11+$0xD0]  }
0x1ec: {  	v20 =	vld [tilespmem:s11+$0x80];
	v8 =	vadd.s32 $0x4C83, v0;
	[tilespmem:v10+s17+$0x0] =	vst.idx.msk $0xffff, v17;
	v21 =	vadd.s32 v7, v36  }
0x1ed: {  	v9 =	vadd.s32 $0x4402, v0;
	v17 =	vmul.f32 $8.000000000e+00, v11;
	[tilespmem:v12+s17+$0x0] =	vst.idx.msk $0xffff, v18;
	v18 =	vadd.s32 v8, v36;
	v22 =	vld [tilespmem:s11+$0x110]  }
0x1ee: {  	v23 =	vadd.s32 v9, v36;
	v12 =	vmul.f32 $8.000000000e+00, v14;
	v10 =	vadd.s32 $0x4C84, v0;
	v24 =	vld [tilespmem:s11+$0x10]  }
0x1ef: {  	v25 =	vld [tilespmem:s11+$0x140];
	v11 =	vadd.s32 $0x4C80, v0;
	v14 =	vmul.f32 $8.000000000e+00, v16;
	v16 =	vadd.s32 v10, v36;
	[tilespmem:v15+s17+$0x0] =	vst.idx.msk $0xffff, v17  }
0x1f0: {  	v17 =	vadd.s32 v11, v36;
	v26 =	vld [tilespmem:s11+$0x50];
	[tilespmem:v13+s17+$0x0] =	vst.idx.msk $0xffff, v12;
	v15 =	vmul.f32 $8.000000000e+00, v19  }
0x1f1: {  	v12 =	vadd.s32 $0x4405, v0;
	v19 =	vmul.f32 $8.000000000e+00, v20;
	v20 =	vld [tilespmem:s11+$0x190];
	[tilespmem:v21+s17+$0x0] =	vst.idx.msk $0xffff, v14  }
0x1f2: {  	v13 =	vadd.s32 $0x4C86, v0;
	v21 =	vadd.s32 v12, v36;
	v27 =	vld [tilespmem:s11+$0x1D0];
	[tilespmem:v18+s17+$0x0] =	vst.idx.msk $0xffff, v15;
	v18 =	vmul.f32 $8.000000000e+00, v22  }
0x1f3: {  	v14 =	vadd.s32 $0x4C87, v0;
	[tilespmem:v23+s17+$0x0] =	vst.idx.msk $0xffff, v19;
	v19 =	vmul.f32 $8.000000000e+00, v24;
	v22 =	vadd.s32 v13, v36;
	v23 =	vld [tilespmem:s11+$0xE0]  }
0x1f4: {  	v25 =	vmul.f32 $8.000000000e+00, v25;
	v28 =	vadd.s32 v14, v36;
	v15 =	vadd.s32 $0x5503, v0;
	v24 =	vld [tilespmem:s11+$0x90];
	[tilespmem:v16+s17+$0x0] =	vst.idx.msk $0xffff, v18  }
0x1f5: {  	v29 =	vadd.s32 v15, v36;
	[tilespmem:v17+s17+$0x0] =	vst.idx.msk $0xffff, v19;
	v16 =	vadd.s32 $0x4C81, v0;
	v18 =	vadd.s32 $0x5504, v0;
	v30 =	vld [tilespmem:s11+$0x120]  }
0x1f6: {  	v19 =	vadd.s32 $0x5500, v0;
	v31 =	vld [tilespmem:s11+$0x20];
	v32 =	vadd.s32 v16, v36;
	v17 =	vmul.f32 $8.000000000e+00, v20  }
0x1f7: {  	[tilespmem:v21+s17+$0x0] =	vst.idx.msk $0xffff, v25;
	v25 =	vadd.s32 v18, v36;
	v33 =	vadd.s32 v19, v36;
	v21 =	vmul.f32 $8.000000000e+00, v27  }
0x1f8: {  	s30 =	simm.s32 $0xA600;
	v20 =	vadd.s32 $0x4C82, v0;
	v27 =	vld [tilespmem:s11+$0x150];
	[tilespmem:v22+s17+$0x0] =	vst.idx.msk $0xffff, v17;
	v17 =	vadd.s32 $0x5D84, v0;
	v22 =	vmul.f32 $8.000000000e+00, v23  }
0x1f9: {  	v39 =	vld [tilespmem:s30+$0x0];
	[tilespmem:v28+s17+$0x0] =	vst.idx.msk $0xffff, v21;
	v21 =	vmul.f32 $8.000000000e+00, v26;
	v26 =	vadd.s32 v20, v36;
	v23 =	vadd.s32 $0x4C85, v0  }
0x1fa: {  	s31 =	simm.s32 $0x8;
	v34 =	vld [tilespmem:s11+$0x1A0];
	v55 =	vadd.s32 v23, v36;
	[tilespmem:v29+s17+$0x0] =	vst.idx.msk $0xffff, v22;
	v22 =	vmul.f32 $8.000000000e+00, v30;
	v29 =	vmul.f32 $8.000000000e+00, v24  }
0x1fb: {  	v30 =	vmul.f32 $8.000000000e+00, v31;
	[tilespmem:v32+s17+$0x0] =	vst.idx.msk $0xffff, v21;
	v24 =	vadd.s32 $0x5506, v0;
	v21 =	vmov s31;
	v31 =	vld [tilespmem:s11+$0xF0]  }
0x1fc: {  	v28 =	vld [tilespmem:s11+$0x1E0];
	v37 =	vadd.s32 v24, v36;
	v21 =	vshrl.u32 v21, $0x3;
	[tilespmem:v25+s17+$0x0] =	vst.idx.msk $0xffff, v22;
	v22 =	vadd.s32 $0x5D83, v0  }
0x1fd: {  	v35 =	vld [tilespmem:s11+$0x60];
	v27 =	vmul.f32 $8.000000000e+00, v27;
	[tilespmem:v33+s17+$0x0] =	vst.idx.msk $0xffff, v30;
	v25 =	vadd.s32 $0x5507, v0;
	v56 =	vadd.s32 v22, v36  }
0x1fe: {  	v21 =	vshll.u32 v21, $0x3;
	v30 =	vld [tilespmem:s11+$0x130];
	[tilespmem:v26+s17+$0x0] =	vst.idx.msk $0xffff, v29;
	v40 =	vadd.s32 v25, v36;
	v26 =	vadd.s32 $0x5501, v0  }
0x1ff: {  	v57 =	vld [tilespmem:s30+$0x40];
	v21 =	vbroadcast v21, $0x0;
	v34 =	vmul.f32 $8.000000000e+00, v34;
	v43 =	vadd.s32 v26, v36  }
0x200: {  	v38 =	vld [tilespmem:s11+$0x30];
	v29 =	vadd.s32 v17, v36;
	[tilespmem:v55+s17+$0x0] =	vst.idx.msk $0xffff, v27;
	v31 =	vmul.f32 $8.000000000e+00, v31  }
0x201: {  	v44 =	vld [tilespmem:s30+$0xC0];
	v27 =	vadd.s32 $0x5D80, v0;
	v28 =	vmul.f32 $8.000000000e+00, v28;
	v42 =	vadd.s32 v4, v21;
	[tilespmem:v37+s17+$0x0] =	vst.idx.msk $0xffff, v34  }
0x202: {  	v58 =	vld [tilespmem:s30+$0x80];
	v59 =	vadd.s32 v27, v36;
	v35 =	vmul.f32 $8.000000000e+00, v35;
	[tilespmem:v56+s17+$0x0] =	vst.idx.msk $0xffff, v31  }
0x203: {  	v45 =	vld [tilespmem:s30+$0x100];
	v61 =	vadd.s32 v2, v21;
	v30 =	vmul.f32 $8.000000000e+00, v30;
	[tilespmem:v40+s17+$0x0] =	vst.idx.msk $0xffff, v28  }
0x204: {  	v60 =	vld [tilespmem:s30+$0x180];
	v39 =	vmul.f32 $8.000000000e+00, v39;
	v31 =	vadd.s32 v5, v21;
	[tilespmem:v43+s17+$0x0] =	vst.idx.msk $0xffff, v35  }
0x205: {  	v41 =	vld [tilespmem:s11+$0xA0];
	v48 =	vadd.s32 v3, v21;
	v28 =	vmul.f32 $8.000000000e+00, v38;
	[tilespmem:v29+s17+$0x0] =	vst.idx.msk $0xffff, v30  }
0x206: {  	v49 =	vmul.f32 $8.000000000e+00, v44;
	v29 =	vadd.s32 v9, v21;
	v30 =	vld [tilespmem:s30+$0x1C0];
	[tilespmem:v42+s17+$0x0] =	vst.idx.msk $0xffff, v39  }
0x207: {  	v32 =	vmul.f32 $8.000000000e+00, v57;
	v62 =	vadd.s32 v6, v21;
	v39 =	vld [tilespmem:s30+$0x140];
	[tilespmem:v59+s17+$0x0] =	vst.idx.msk $0xffff, v28  }
0x208: {  	v63 =	vadd.s32 v7, v21;
	v34 =	vmul.f32 $8.000000000e+00, v58;
	v58 =	vmul.f32 $8.000000000e+00, v45;
	[tilespmem:v61+s17+$0x0] =	vst.idx.msk $0xffff, v49;
	v42 =	vld [tilespmem:s30+$0x10]  }
0x209: {  	v57 =	vadd.s32 v12, v21;
	v50 =	vld [tilespmem:s11+$0x70];
	[tilespmem:v31+s17+$0x0] =	vst.idx.msk $0xffff, v32  }
0x20a: {  	v51 =	vadd.s32 v11, v21;
	v28 =	vadd.s32 $0x5D81, v0;
	[tilespmem:v48+s17+$0x0] =	vst.idx.msk $0xffff, v58;
	v31 =	vmul.f32 $8.000000000e+00, v60;
	v44 =	vld [tilespmem:s30+$0x50]  }
0x20b: {  	v43 =	vld [tilespmem:s30+$0xD0];
	[tilespmem:v29+s17+$0x0] =	vst.idx.msk $0xffff, v34;
	v29 =	vmul.f32 $8.000000000e+00, v30;
	v30 =	vadd.s32 v28, v36  }
0x20c: {  	v52 =	vadd.s32 v16, v21;
	[tilespmem:v62+s17+$0x0] =	vst.idx.msk $0xffff, v31;
	v39 =	vmul.f32 $8.000000000e+00, v39;
	v33 =	vld [tilespmem:s30+$0x90]  }
0x20d: {  	v42 =	vmul.f32 $8.000000000e+00, v42;
	v60 =	vld [tilespmem:s30+$0x190];
	[tilespmem:v63+s17+$0x0] =	vst.idx.msk $0xffff, v29;
	v29 =	vadd.s32 v8, v21  }
0x20e: {  	v59 =	vadd.s32 v20, v21;
	v61 =	vmul.f32 $8.000000000e+00, v50;
	[tilespmem:v57+s17+$0x0] =	vst.idx.msk $0xffff, v39;
	v62 =	vld [tilespmem:s30+$0x1D0]  }
0x20f: {  	v47 =	vadd.s32 v13, v21;
	v46 =	vadd.s32 v15, v21;
	v63 =	vld [tilespmem:s30+$0x110];
	[tilespmem:v51+s17+$0x0] =	vst.idx.msk $0xffff, v42;
	v44 =	vmul.f32 $8.000000000e+00, v44  }
0x210: {  	v56 =	vld [tilespmem:s11+$0x1B0];
	v35 =	vadd.s32 $0x5505, v0;
	v48 =	vadd.s32 v14, v21;
	v43 =	vmul.f32 $8.000000000e+00, v43;
	[tilespmem:v30+s17+$0x0] =	vst.idx.msk $0xffff, v61  }
0x211: {  	v31 =	vadd.s32 $0x5502, v0;
	v50 =	vadd.s32 v10, v21;
	v39 =	vld [tilespmem:s11+$0x160];
	v49 =	vmul.f32 $8.000000000e+00, v33;
	[tilespmem:v52+s17+$0x0] =	vst.idx.msk $0xffff, v44  }
0x212: {  	v58 =	vadd.s32 v23, v21;
	v54 =	vadd.s32 v31, v36;
	v51 =	vld [tilespmem:s30+$0x150];
	v60 =	vmul.f32 $8.000000000e+00, v60;
	[tilespmem:v29+s17+$0x0] =	vst.idx.msk $0xffff, v43  }
0x213: {  	v32 =	vadd.s32 $0x5D87, v0;
	v42 =	vld [tilespmem:s30+$0x20];
	v61 =	vadd.s32 v35, v36;
	[tilespmem:v59+s17+$0x0] =	vst.idx.msk $0xffff, v49;
	v37 =	vmul.f32 $8.000000000e+00, v62  }
0x214: {  	v34 =	vadd.s32 $0x5D82, v0;
	v30 =	vadd.s32 $0x5D86, v0;
	v53 =	vld [tilespmem:s30+$0xE0];
	v62 =	vmul.f32 $8.000000000e+00, v63;
	[tilespmem:v47+s17+$0x0] =	vst.idx.msk $0xffff, v60  }
0x215: {  	v45 =	vadd.s32 v34, v21;
	v57 =	vadd.s32 v30, v36;
	v63 =	vmul.f32 $8.000000000e+00, v41;
	v59 =	vld [tilespmem:s30+$0x1A0];
	[tilespmem:v48+s17+$0x0] =	vst.idx.msk $0xffff, v37  }
0x216: {  	v33 =	vadd.s32 v34, v36;
	v52 =	vadd.s32 v18, v21;
	v39 =	vmul.f32 $8.000000000e+00, v39;
	[tilespmem:v50+s17+$0x0] =	vst.idx.msk $0xffff, v62;
	v60 =	vld [tilespmem:s30+$0x1E0]  }
0x217: {  	v44 =	vadd.s32 v26, v21;
	v29 =	vadd.s32 $0x5D85, v0;
	v43 =	vadd.s32 v24, v21;
	[tilespmem:v54+s17+$0x0] =	vst.idx.msk $0xffff, v63;
	v55 =	vld [tilespmem:s30+$0x120]  }
0x218: {  	v38 =	vadd.s32 v29, v36;
	[tilespmem:v61+s17+$0x0] =	vst.idx.msk $0xffff, v39;
	v61 =	vmul.f32 $8.000000000e+00, v56;
	v50 =	vld [tilespmem:s11+$0x1F0];
	v54 =	vadd.s32 v19, v21  }
0x219: {  	v41 =	vadd.s32 v32, v36;
	v63 =	vmul.f32 $8.000000000e+00, v51;
	v51 =	vld [tilespmem:s11+$0x170];
	v62 =	vmul.f32 $8.000000000e+00, v53  }
0x21a: {  	v36 =	vadd.s32 v31, v21;
	v37 =	vadd.s32 v27, v21;
	[tilespmem:v57+s17+$0x0] =	vst.idx.msk $0xffff, v61;
	v53 =	vld [tilespmem:s11+$0xB0]  }
0x21b: {  	v48 =	vmul.f32 $8.000000000e+00, v42;
	v42 =	vadd.s32 v25, v21;
	v47 =	vmul.f32 $8.000000000e+00, v59;
	[tilespmem:v46+s17+$0x0] =	vst.idx.msk $0xffff, v62  }
0x21c: {  	s2 =	simm.s32 $0xA600;
	s0 =	sadd.s32 $0x2, s28;
	v39 =	vadd.s32 v35, v21;
	[tilespmem:v58+s17+$0x0] =	vst.idx.msk $0xffff, v63;
	v46 =	vmul.f32 $8.000000000e+00, v60;
	v49 =	vld [tilespmem:s30+$0xF0];
	v55 =	vmul.f32 $8.000000000e+00, v55  }
.LBB2_11:
0x21d: {  	s31 =	sadd.s32 $0x8, s31;
	[tilespmem:v54+s17+$0x0] =	vst.idx.msk $0xffff, v48;
	v48 =	vld [tilespmem:s30+$0x60];
	v54 =	vadd.s32 v22, v21;
	v40 =	vadd.s32 v30, v21;
	v50 =	vmul.f32 $8.000000000e+00, v50  }
0x21e: {  	v56 =	vmov s31;
	p2 =	slt.u32 s31, $0x78;
	v57 =	vld [tilespmem:s30+$0x30];
	[tilespmem:v52+s17+$0x0] =	vst.idx.msk $0xffff, v55;
	v52 =	vadd.s32 v17, v21;
	v51 =	vmul.f32 $8.000000000e+00, v51  }
0x21f: {  	s30 =	sadd.s32 $0x200, s30;
	v55 =	vshrl.u32 v56, $0x3;
	v56 =	vld [tilespmem:s2+$0x130];
	v53 =	vmul.f32 $8.000000000e+00, v53;
	[tilespmem:v41+s17+$0x0] =	vst.idx.msk $0xffff, v50  }
0x220: {  	v41 =	vld [tilespmem:s30+$0x0];
	v50 =	vshll.u32 v55, $0x3;
	[tilespmem:v38+s17+$0x0] =	vst.idx.msk $0xffff, v51  }
0x221: {  	v50 =	vbroadcast v50, $0x0;
	v51 =	vld [tilespmem:s2+$0xA0];
	v38 =	vmul.f32 $8.000000000e+00, v49;
	[tilespmem:v33+s17+$0x0] =	vst.idx.msk $0xffff, v53;
	v33 =	vmov v45  }
0x222: {  	v45 =	vld [tilespmem:s30+$0x40];
	[tilespmem:v43+s17+$0x0] =	vst.idx.msk $0xffff, v47  }
0x223: {  	v43 =	vadd.s32 v4, v50;
	v47 =	vadd.s32 v5, v50;
	v49 =	vld [tilespmem:s30+$0x80];
	v53 =	vadd.s32 v9, v50  }
0x224: {  	v58 =	vadd.s32 v2, v50;
	v59 =	vadd.s32 v3, v50;
	v55 =	vld [tilespmem:s30+$0xC0];
	[tilespmem:v54+s17+$0x0] =	vst.idx.msk $0xffff, v38;
	v38 =	vmul.f32 $8.000000000e+00, v56  }
0x225: {  	v60 =	vadd.s32 v7, v50;
	v56 =	vadd.s32 v6, v50;
	v54 =	vld [tilespmem:s30+$0x180]  }
0x226: {  	v41 =	vmul.f32 $8.000000000e+00, v41;
	v61 =	vld [tilespmem:s30+$0x1C0];
	[tilespmem:v52+s17+$0x0] =	vst.idx.msk $0xffff, v38  }
0x227: {  	v48 =	vmul.f32 $8.000000000e+00, v48;
	v45 =	vmul.f32 $8.000000000e+00, v45;
	v52 =	vld [tilespmem:s30+$0x100];
	[tilespmem:v42+s17+$0x0] =	vst.idx.msk $0xffff, v46  }
0x228: {  	v38 =	vadd.s32 v29, v21;
	[tilespmem:v43+s17+$0x0] =	vst.idx.msk $0xffff, v41;
	v41 =	vmul.f32 $8.000000000e+00, v49;
	v42 =	vld [tilespmem:s30+$0x140];
	v43 =	vmul.f32 $8.000000000e+00, v57  }
0x229: {  	v46 =	vld [tilespmem:s30+$0x10];
	v49 =	vmul.f32 $8.000000000e+00, v55;
	[tilespmem:v44+s17+$0x0] =	vst.idx.msk $0xffff, v48  }
0x22a: {  	v44 =	vadd.s32 v12, v50;
	v48 =	vmul.f32 $8.000000000e+00, v54;
	[tilespmem:v37+s17+$0x0] =	vst.idx.msk $0xffff, v43;
	v37 =	vld [tilespmem:s2+$0x70]  }
0x22b: {  	[tilespmem:v47+s17+$0x0] =	vst.idx.msk $0xffff, v45;
	v43 =	vmul.f32 $8.000000000e+00, v61;
	v45 =	vadd.s32 v28, v21;
	v47 =	vld [tilespmem:s2+$0x1B0]  }
0x22c: {  	v54 =	vadd.s32 v11, v50;
	v55 =	vld [tilespmem:s30+$0x50];
	[tilespmem:v53+s17+$0x0] =	vst.idx.msk $0xffff, v41;
	v41 =	vmul.f32 $8.000000000e+00, v52  }
0x22d: {  	v53 =	vadd.s32 v20, v50;
	v52 =	vld [tilespmem:s30+$0x90];
	[tilespmem:v58+s17+$0x0] =	vst.idx.msk $0xffff, v49;
	v42 =	vmul.f32 $8.000000000e+00, v42  }
0x22e: {  	v57 =	vadd.s32 v8, v50;
	v46 =	vmul.f32 $8.000000000e+00, v46;
	v49 =	vld [tilespmem:s30+$0xD0];
	[tilespmem:v56+s17+$0x0] =	vst.idx.msk $0xffff, v48  }
0x22f: {  	v56 =	vadd.s32 v13, v50;
	v48 =	vld [tilespmem:s30+$0x190];
	[tilespmem:v60+s17+$0x0] =	vst.idx.msk $0xffff, v43;
	v43 =	vmul.f32 $8.000000000e+00, v37  }
0x230: {  	[tilespmem:v59+s17+$0x0] =	vst.idx.msk $0xffff, v41;
	v58 =	vld [tilespmem:s30+$0x1D0];
	v59 =	vadd.s32 v14, v50;
	v41 =	vadd.s32 v32, v21  }
0x231: {  	v51 =	vmul.f32 $8.000000000e+00, v51;
	v37 =	vadd.s32 v27, v50;
	v21 =	vmov v50;
	[tilespmem:v54+s17+$0x0] =	vst.idx.msk $0xffff, v46;
	v46 =	vld [tilespmem:s30+$0x110]  }
0x232: {  	v60 =	vadd.s32 v23, v21;
	v50 =	vld [tilespmem:s30+$0x20];
	v52 =	vmul.f32 $8.000000000e+00, v52;
	[tilespmem:v45+s17+$0x0] =	vst.idx.msk $0xffff, v43  }
0x233: {  	v45 =	vadd.s32 v10, v21;
	v43 =	vmul.f32 $8.000000000e+00, v49;
	[tilespmem:v44+s17+$0x0] =	vst.idx.msk $0xffff, v42;
	v44 =	vld [tilespmem:s2+$0x160]  }
0x234: {  	v49 =	vadd.s32 v16, v21;
	[tilespmem:v53+s17+$0x0] =	vst.idx.msk $0xffff, v52;
	v52 =	vld [tilespmem:s30+$0x150];
	v42 =	vmul.f32 $8.000000000e+00, v48  }
0x235: {  	v53 =	vadd.s32 v31, v21;
	[tilespmem:v57+s17+$0x0] =	vst.idx.msk $0xffff, v43;
	v54 =	vmul.f32 $8.000000000e+00, v58  }
0x236: {  	v58 =	vadd.s32 v15, v21;
	v57 =	vld [tilespmem:s30+$0xE0];
	v46 =	vmul.f32 $8.000000000e+00, v46;
	[tilespmem:v56+s17+$0x0] =	vst.idx.msk $0xffff, v42  }
0x237: {  	v43 =	vadd.s32 v24, v21;
	v48 =	vmul.f32 $8.000000000e+00, v50;
	v56 =	vld [tilespmem:s30+$0x1A0];
	[tilespmem:v59+s17+$0x0] =	vst.idx.msk $0xffff, v54  }
0x238: {  	v42 =	vadd.s32 v25, v21;
	[tilespmem:v45+s17+$0x0] =	vst.idx.msk $0xffff, v46;
	v46 =	vld [tilespmem:s30+$0x1E0];
	v44 =	vmul.f32 $8.000000000e+00, v44  }
0x239: {  	v45 =	vmul.f32 $8.000000000e+00, v55;
	v55 =	vld [tilespmem:s30+$0x120];
	v59 =	vmul.f32 $8.000000000e+00, v52;
	[tilespmem:v36+s17+$0x0] =	vst.idx.msk $0xffff, v51;
	v36 =	vmov v53  }
.Ltmp6:
0x23a: {  	v54 =	vadd.s32 v19, v21;
	[tilespmem:v39+s17+$0x0] =	vst.idx.msk $0xffff, v44;
	v39 =	vmul.f32 $8.000000000e+00, v47;
	v50 =	vld [tilespmem:s2+$0x1F0];
	(pc) =	sbr.rel @p2 .LBB2_11-.Ltmp6, $4  }
0x23b: {  	v52 =	vadd.s32 v18, v21;
	[tilespmem:v49+s17+$0x0] =	vst.idx.msk $0xffff, v45;
	v49 =	vmul.f32 $8.000000000e+00, v57;
	v51 =	vld [tilespmem:s2+$0x170]  }
0x23c: {  	v44 =	vadd.s32 v26, v21;
	v47 =	vmul.f32 $8.000000000e+00, v56;
	v53 =	vld [tilespmem:s2+$0xB0];
	[tilespmem:v40+s17+$0x0] =	vst.idx.msk $0xffff, v39;
	s2 =	smov.u32 s30  }
0x23d: {  	v45 =	vadd.s32 v34, v21;
	[tilespmem:v58+s17+$0x0] =	vst.idx.msk $0xffff, v49;
	v46 =	vmul.f32 $8.000000000e+00, v46  }
0x23e: {  	v39 =	vadd.s32 v35, v21;
	v49 =	vld [tilespmem:s30+$0xF0];
	v55 =	vmul.f32 $8.000000000e+00, v55;
	[tilespmem:v60+s17+$0x0] =	vst.idx.msk $0xffff, v59  }
0x23f: {  	_ =	sdelay $0x2  }
0x240: {  	v2 =	vld [tilespmem:s30+$0x60]  }
0x241: {  	[tilespmem:v54+s17+$0x0] =	vst.idx.msk $0xffff, v48;
	v3 =	vmul.f32 $8.000000000e+00, v50  }
0x242: {  	v5 =	vld [tilespmem:s2+$0x160];
	[tilespmem:v43+s17+$0x0] =	vst.idx.msk $0xffff, v47  }
0x243: {  	[tilespmem:v41+s17+$0x0] =	vst.idx.msk $0xffff, v3;
	v3 =	vld [tilespmem:s2+$0xA0]  }
0x244: {  	[tilespmem:v52+s17+$0x0] =	vst.idx.msk $0xffff, v55;
	v4 =	vmul.f32 $8.000000000e+00, v51  }
0x245: {  	[tilespmem:v42+s17+$0x0] =	vst.idx.msk $0xffff, v46;
	v54 =	vld [tilespmem:s2+$0x130];
	v2 =	vmul.f32 $8.000000000e+00, v2  }
0x246: {  	v55 =	vadd.s32 v22, v21;
	v7 =	vld [tilespmem:s30+$0x30];
	v6 =	vmul.f32 $8.000000000e+00, v53;
	[tilespmem:v38+s17+$0x0] =	vst.idx.msk $0xffff, v4  }
0x247: {  	v9 =	vld [tilespmem:s2+$0x1B0];
	v5 =	vmul.f32 $8.000000000e+00, v5;
	[tilespmem:v44+s17+$0x0] =	vst.idx.msk $0xffff, v2;
	v2 =	vadd.s32 v17, v21  }
0x248: {  	v56 =	vld [tilespmem:s2+$0x1F0];
	[tilespmem:v33+s17+$0x0] =	vst.idx.msk $0xffff, v6;
	v3 =	vmul.f32 $8.000000000e+00, v3  }
0x249: {  	v12 =	vadd.s32 v30, v21;
	v10 =	vmul.f32 $8.000000000e+00, v49;
	[tilespmem:v39+s17+$0x0] =	vst.idx.msk $0xffff, v5;
	v8 =	vld [tilespmem:s2+$0x70]  }
0x24a: {  	v58 =	vadd.s32 v32, v21;
	v4 =	vmul.f32 $8.000000000e+00, v54;
	[tilespmem:v36+s17+$0x0] =	vst.idx.msk $0xffff, v3;
	v3 =	vld [tilespmem:s2+$0x170]  }
0x24b: {  	v11 =	vadd.s32 v28, v21;
	[tilespmem:v55+s17+$0x0] =	vst.idx.msk $0xffff, v10;
	v57 =	vmul.f32 $8.000000000e+00, v7;
	v59 =	vld [tilespmem:s2+$0xB0]  }
0x24c: {  	v61 =	vmul.f32 $8.000000000e+00, v9;
	[tilespmem:v2+s17+$0x0] =	vst.idx.msk $0xffff, v4;
	v2 =	vadd.s32 v29, v21  }
0x24d: {  	v62 =	vmul.f32 $8.000000000e+00, v56;
	[tilespmem:v37+s17+$0x0] =	vst.idx.msk $0xffff, v57  }
0x24e: {  	[tilespmem:v12+s17+$0x0] =	vst.idx.msk $0xffff, v61;
	v60 =	vmul.f32 $8.000000000e+00, v8  }
0x24f: {  	s10 =	sshll.u32 s0, $0x7;
	[tilespmem:v58+s17+$0x0] =	vst.idx.msk $0xffff, v62;
	v3 =	vmul.f32 $8.000000000e+00, v3  }
0x250: {  	s11 =	sshll.u32 s0, $0xA;
	s2 =	sand.u32 $0xF00, s10;
	[tilespmem:v11+s17+$0x0] =	vst.idx.msk $0xffff, v60;
	v63 =	vmul.f32 $8.000000000e+00, v59  }
0x251: {  	s0 =	sand.u32 $0xFFF8000, s11;
	s2 =	sadd.s32 s1, s2;
	[tilespmem:v2+s17+$0x0] =	vst.idx.msk $0xffff, v3  }
0x252: {  	s10 =	simm.s32 $0x12800;
	s2 =	sadd.s32 s0, s2;
	[tilespmem:v45+s17+$0x0] =	vst.idx.msk $0xffff, v63  }
0x253: {  	[hbm4b:s2+s3] =	stream.linear.scatter [tilespmem:s10], [sflag:$0x7], $0x80, $0x38;
	[tilespmem:$0x16C00] =	vst v63  }
0x254: {  	s11 =	simm.s32 $0x12888;
	s10 =	sadd.s32 $0x10, s2  }
0x255: {  	[hbm4b:s10+s3] =	stream.linear.scatter [tilespmem:s11], [sflag:$0x7], $0x80, $0x38;
	[tilespmem:$0x16C00] =	vst v63  }
0x256: {  	s10 =	simm.s32 $0x12910;
	s11 =	sadd.s32 $0x20, s2  }
0x257: {  	[hbm4b:s11+s3] =	stream.linear.scatter [tilespmem:s10], [sflag:$0x7], $0x80, $0x38;
	[tilespmem:$0x16C00] =	vst v63  }
0x258: {  	s10 =	simm.s32 $0x12998;
	s11 =	sadd.s32 $0x30, s2  }
0x259: {  	[hbm4b:s11+s3] =	stream.linear.scatter [tilespmem:s10], [sflag:$0x7], $0x80, $0x38;
	[tilespmem:$0x16C00] =	vst v63  }
0x25a: {  	s10 =	simm.s32 $0x12A20;
	s11 =	sadd.s32 $0x40, s2  }
0x25b: {  	[hbm4b:s11+s3] =	stream.linear.scatter [tilespmem:s10], [sflag:$0x7], $0x80, $0x38;
	[tilespmem:$0x16C00] =	vst v63  }
0x25c: {  	s31 =	simm.s32 $0x12BB8;
	s10 =	simm.s32 $0x12AA8;
	s11 =	sadd.s32 $0x50, s2  }
0x25d: {  	[hbm4b:s11+s3] =	stream.linear.scatter [tilespmem:s10], [sflag:$0x7], $0x80, $0x38;
	[tilespmem:$0x16C00] =	vst v63  }
0x25e: {  	s30 =	simm.s32 $0x2200;
	s10 =	simm.s32 $0x12B30;
	s11 =	sadd.s32 $0x60, s2  }
0x25f: {  	[hbm4b:s11+s3] =	stream.linear.scatter [tilespmem:s10], [sflag:$0x7], $0x80, $0x38;
	[tilespmem:$0x16C00] =	vst v63  }
0x260: {  	s0 =	simm.s32 $0x440;
	s10 =	sadd.s32 $0x70, s2;
	s2 =	sadd.s32 $0x1000, s2  }
.LBB2_13:
0x261: {  	[hbm4b:s10+s3] =	stream.linear.scatter [tilespmem:s31], [sflag:$0x7], $0x80, $0x38;
	[tilespmem:$0x16C00] =	vst v63  }
0x262: {  	s10 =	smov.u32 s0;
	s0 =	smov.u32 s30  }
0x263: {  	s11 =	sadd.s32 $0x1100, s30;
	s0 =	sshra.s32 s0, $0x2;
	s31 =	sadd.s32 $0x12800, s10  }
0x264: {  	[hbm4b:s2+s3] =	stream.linear.scatter [tilespmem:s31], [sflag:$0x7], $0x80, $0x38;
	[tilespmem:$0x16C00] =	vst v63  }
0x265: {  	p2 =	sne.s32 s30, $0x7700;
	s30 =	sadd.s32 $0x12888, s10;
	s31 =	sadd.s32 $0x10, s2  }
0x266: {  	[hbm4b:s31+s3] =	stream.linear.scatter [tilespmem:s30], [sflag:$0x7], $0x80, $0x38;
	[tilespmem:$0x16C00] =	vst v63  }
0x267: {  	s30 =	sadd.s32 $0x12910, s10;
	s31 =	sadd.s32 $0x20, s2  }
0x268: {  	[hbm4b:s31+s3] =	stream.linear.scatter [tilespmem:s30], [sflag:$0x7], $0x80, $0x38;
	[tilespmem:$0x16C00] =	vst v63  }
0x269: {  	s30 =	sadd.s32 $0x12998, s10;
	s31 =	sadd.s32 $0x30, s2  }
0x26a: {  	[hbm4b:s31+s3] =	stream.linear.scatter [tilespmem:s30], [sflag:$0x7], $0x80, $0x38;
	[tilespmem:$0x16C00] =	vst v63  }
0x26b: {  	s30 =	sadd.s32 $0x12A20, s10;
	s31 =	sadd.s32 $0x40, s2  }
0x26c: {  	[hbm4b:s31+s3] =	stream.linear.scatter [tilespmem:s30], [sflag:$0x7], $0x80, $0x38;
	[tilespmem:$0x16C00] =	vst v63  }
0x26d: {  	s30 =	sadd.s32 $0x12AA8, s10;
	s31 =	sadd.s32 $0x50, s2  }
0x26e: {  	[hbm4b:s31+s3] =	stream.linear.scatter [tilespmem:s30], [sflag:$0x7], $0x80, $0x38;
	[tilespmem:$0x16C00] =	vst v63  }
.Ltmp7:
0x26f: {  	_ = 	snop;
	(pc) =	sbr.rel @p2 .LBB2_13-.Ltmp7, $4  }
0x270: {  	s30 =	sadd.s32 $0x12B30, s10;
	s31 =	sadd.s32 $0x60, s2  }
0x271: {  	[hbm4b:s31+s3] =	stream.linear.scatter [tilespmem:s30], [sflag:$0x7], $0x80, $0x38;
	[tilespmem:$0x16C00] =	vst v63  }
0x272: {  	s31 =	sadd.s32 $0x12BB8, s10  }
0x273: {  	s10 =	sadd.s32 $0x70, s2;
	s2 =	sadd.s32 $0x1000, s2;
	s30 =	smov.u32 s11  }
0x274: {  	[hbm4b:s10+s3] =	stream.linear.scatter [tilespmem:s31], [sflag:$0x7], $0x80, $0x38;
	[tilespmem:$0x16C00] =	vst v63  }
0x275: {  	s11 =	sadd.s32 $0x12800, s0  }
0x276: {  	[hbm4b:s2+s3] =	stream.linear.scatter [tilespmem:s11], [sflag:$0x7], $0x80, $0x38;
	[tilespmem:$0x16C00] =	vst v63  }
0x277: {  	s31 =	sadd.s32 $0x12888, s0;
	s11 =	sadd.s32 $0x10, s2  }
0x278: {  	[hbm4b:s11+s3] =	stream.linear.scatter [tilespmem:s31], [sflag:$0x7], $0x80, $0x38;
	[tilespmem:$0x16C00] =	vst v63  }
0x279: {  	s11 =	sadd.s32 $0x12910, s0;
	s31 =	sadd.s32 $0x20, s2  }
0x27a: {  	[hbm4b:s31+s3] =	stream.linear.scatter [tilespmem:s11], [sflag:$0x7], $0x80, $0x38;
	[tilespmem:$0x16C00] =	vst v63  }
0x27b: {  	s11 =	sadd.s32 $0x12998, s0;
	s31 =	sadd.s32 $0x30, s2  }
0x27c: {  	[hbm4b:s31+s3] =	stream.linear.scatter [tilespmem:s11], [sflag:$0x7], $0x80, $0x38;
	[tilespmem:$0x16C00] =	vst v63  }
0x27d: {  	s11 =	sadd.s32 $0x12A20, s0;
	s31 =	sadd.s32 $0x40, s2  }
0x27e: {  	[hbm4b:s31+s3] =	stream.linear.scatter [tilespmem:s11], [sflag:$0x7], $0x80, $0x38;
	[tilespmem:$0x16C00] =	vst v63  }
0x27f: {  	s11 =	sadd.s32 $0x12AA8, s0;
	s31 =	sadd.s32 $0x50, s2  }
0x280: {  	[hbm4b:s31+s3] =	stream.linear.scatter [tilespmem:s11], [sflag:$0x7], $0x80, $0x38;
	[tilespmem:$0x16C00] =	vst v63  }
0x281: {  	s11 =	sadd.s32 $0x12B30, s0;
	s31 =	sadd.s32 $0x60, s2  }
0x282: {  	[hbm4b:s31+s3] =	stream.linear.scatter [tilespmem:s11], [sflag:$0x7], $0x80, $0x38;
	[tilespmem:$0x16C00] =	vst v63  }
0x283: {  	s10 =	sadd.s32 $0x70, s2;
	s31 =	sadd.s32 $0x12BB8, s0  }
0x284: {  	[hbm4b:s10+s3] =	stream.linear.scatter [tilespmem:s31], [sflag:$0x7], $0x80, $0x38;
	[tilespmem:$0x16C00] =	vst v63  }
0x285: {  	s2 =	simm.s32 @!p1 $0x80;
	s0 =	sadd.s32 @!p1 $0x300, s29;
	s10 =	simm.s32 @!p1 $0xA400  }
0x286: {  	[tilespmem:s10], [sflag:$0x3] =	stream.indirect.gather @!p1 [hbm4b:s4+s2], $0x40, s0, s2, $0xb8;
	[tilespmem:$0x16C00] =	vst v63  }
0x287: {  	_ =	swait.ge [sflag:s20], $0x2000  }
0x288: {  	[sflag:s20] =	ssyncset.done $0x0  }
0x289: {  	s11 =	simm.s32 $0x0;
	s0 =	simm.s32 @!p0 $0x8;
	[sflag:s20] =	ssyncadd.s32 $0xFFFFE000  }
0x28a: {  	v2 =	vmov s11;
	_ =	swait.ge @!p0 [sflag:s0], $0x2000  }
0x28b: {  	v2 =	vshrl.u32 v2, $0x3;
	[sflag:s0] =	ssyncset.done @!p0 $0x0  }
0x28c: {  	s31 =	simm.s32 $0xC400;
	v2 =	vshll.u32 v2, $0x3;
	[sflag:s0] =	ssyncadd.s32 @!p0 $0xFFFFE000  }
0x28d: {  	v36 =	vbroadcast v2, $0x0;
	v5 =	vld [tilespmem:s31+$0xC0]  }
0x28e: {  	v2 =	vadd.s32 $0x6603, v0  }
0x28f: {  	v7 =	vadd.s32 v2, v36;
	v8 =	vld [tilespmem:s31+$0x100]  }
0x290: {  	v3 =	vadd.s32 $0x6604, v0;
	v9 =	vld [tilespmem:s31+$0x0]  }
0x291: {  	v4 =	vadd.s32 $0x6600, v0;
	v10 =	vadd.s32 v3, v36  }
0x292: {  	v12 =	vadd.s32 v4, v36;
	v11 =	vld [tilespmem:s31+$0x40];
	v13 =	vmul.f32 $8.000000000e+00, v5  }
0x293: {  	v14 =	vld [tilespmem:s31+$0x180];
	v5 =	vadd.s32 $0x6601, v0  }
0x294: {  	v6 =	vadd.s32 $0x6606, v0;
	v16 =	vld [tilespmem:s31+$0x1C0];
	v17 =	vmul.f32 $8.000000000e+00, v8;
	v15 =	vadd.s32 v5, v36;
	[tilespmem:v7+s17+$0x0] =	vst.idx.msk $0xffff, v13  }
0x295: {  	v18 =	vmul.f32 $8.000000000e+00, v9;
	v7 =	vadd.s32 $0x6607, v0;
	v13 =	vadd.s32 v6, v36;
	v19 =	vld [tilespmem:s31+$0xD0]  }
0x296: {  	v20 =	vld [tilespmem:s31+$0x80];
	v8 =	vadd.s32 $0x6E83, v0;
	[tilespmem:v10+s17+$0x0] =	vst.idx.msk $0xffff, v17;
	v21 =	vadd.s32 v7, v36  }
0x297: {  	v9 =	vadd.s32 $0x6602, v0;
	v17 =	vmul.f32 $8.000000000e+00, v11;
	[tilespmem:v12+s17+$0x0] =	vst.idx.msk $0xffff, v18;
	v18 =	vadd.s32 v8, v36;
	v22 =	vld [tilespmem:s31+$0x110]  }
0x298: {  	v23 =	vadd.s32 v9, v36;
	v12 =	vmul.f32 $8.000000000e+00, v14;
	v10 =	vadd.s32 $0x6E84, v0;
	v24 =	vld [tilespmem:s31+$0x10]  }
0x299: {  	v25 =	vld [tilespmem:s31+$0x140];
	v11 =	vadd.s32 $0x6E80, v0;
	v14 =	vmul.f32 $8.000000000e+00, v16;
	v16 =	vadd.s32 v10, v36;
	[tilespmem:v15+s17+$0x0] =	vst.idx.msk $0xffff, v17  }
0x29a: {  	v17 =	vadd.s32 v11, v36;
	v26 =	vld [tilespmem:s31+$0x50];
	[tilespmem:v13+s17+$0x0] =	vst.idx.msk $0xffff, v12;
	v15 =	vmul.f32 $8.000000000e+00, v19  }
0x29b: {  	v12 =	vadd.s32 $0x6605, v0;
	v19 =	vmul.f32 $8.000000000e+00, v20;
	v20 =	vld [tilespmem:s31+$0x190];
	[tilespmem:v21+s17+$0x0] =	vst.idx.msk $0xffff, v14  }
0x29c: {  	v13 =	vadd.s32 $0x6E86, v0;
	v21 =	vadd.s32 v12, v36;
	v27 =	vld [tilespmem:s31+$0x1D0];
	[tilespmem:v18+s17+$0x0] =	vst.idx.msk $0xffff, v15;
	v18 =	vmul.f32 $8.000000000e+00, v22  }
0x29d: {  	v14 =	vadd.s32 $0x6E87, v0;
	[tilespmem:v23+s17+$0x0] =	vst.idx.msk $0xffff, v19;
	v19 =	vmul.f32 $8.000000000e+00, v24;
	v22 =	vadd.s32 v13, v36;
	v23 =	vld [tilespmem:s31+$0xE0]  }
0x29e: {  	v25 =	vmul.f32 $8.000000000e+00, v25;
	v28 =	vadd.s32 v14, v36;
	v15 =	vadd.s32 $0x7703, v0;
	v24 =	vld [tilespmem:s31+$0x90];
	[tilespmem:v16+s17+$0x0] =	vst.idx.msk $0xffff, v18  }
0x29f: {  	v29 =	vadd.s32 v15, v36;
	[tilespmem:v17+s17+$0x0] =	vst.idx.msk $0xffff, v19;
	v16 =	vadd.s32 $0x6E81, v0;
	v18 =	vadd.s32 $0x7704, v0;
	v30 =	vld [tilespmem:s31+$0x120]  }
0x2a0: {  	v19 =	vadd.s32 $0x7700, v0;
	v31 =	vld [tilespmem:s31+$0x20];
	v32 =	vadd.s32 v16, v36;
	v17 =	vmul.f32 $8.000000000e+00, v20  }
0x2a1: {  	[tilespmem:v21+s17+$0x0] =	vst.idx.msk $0xffff, v25;
	v25 =	vadd.s32 v18, v36;
	v33 =	vadd.s32 v19, v36;
	v21 =	vmul.f32 $8.000000000e+00, v27  }
0x2a2: {  	v20 =	vadd.s32 $0x6E82, v0;
	v27 =	vld [tilespmem:s31+$0x150];
	[tilespmem:v22+s17+$0x0] =	vst.idx.msk $0xffff, v17;
	v17 =	vadd.s32 $0x7F84, v0;
	v22 =	vmul.f32 $8.000000000e+00, v23  }
0x2a3: {  	[tilespmem:v28+s17+$0x0] =	vst.idx.msk $0xffff, v21;
	v21 =	vmul.f32 $8.000000000e+00, v26;
	v26 =	vadd.s32 v20, v36;
	v23 =	vadd.s32 $0x6E85, v0  }
0x2a4: {  	s30 =	simm.s32 $0x8;
	v34 =	vld [tilespmem:s31+$0x1A0];
	v54 =	vadd.s32 v23, v36;
	[tilespmem:v29+s17+$0x0] =	vst.idx.msk $0xffff, v22;
	v22 =	vmul.f32 $8.000000000e+00, v30;
	v29 =	vmul.f32 $8.000000000e+00, v24  }
0x2a5: {  	v30 =	vmul.f32 $8.000000000e+00, v31;
	[tilespmem:v32+s17+$0x0] =	vst.idx.msk $0xffff, v21;
	v24 =	vadd.s32 $0x7706, v0;
	v21 =	vmov s30;
	v31 =	vld [tilespmem:s31+$0xF0]  }
0x2a6: {  	v28 =	vld [tilespmem:s31+$0x1E0];
	v37 =	vadd.s32 v24, v36;
	v21 =	vshrl.u32 v21, $0x3;
	[tilespmem:v25+s17+$0x0] =	vst.idx.msk $0xffff, v22;
	v22 =	vadd.s32 $0x7F83, v0  }
0x2a7: {  	v35 =	vld [tilespmem:s31+$0x60];
	v27 =	vmul.f32 $8.000000000e+00, v27;
	[tilespmem:v33+s17+$0x0] =	vst.idx.msk $0xffff, v30;
	v25 =	vadd.s32 $0x7707, v0;
	v55 =	vadd.s32 v22, v36  }
0x2a8: {  	s29 =	simm.s32 $0xC600;
	v21 =	vshll.u32 v21, $0x3;
	v30 =	vld [tilespmem:s31+$0x130];
	[tilespmem:v26+s17+$0x0] =	vst.idx.msk $0xffff, v29;
	v40 =	vadd.s32 v25, v36;
	v26 =	vadd.s32 $0x7701, v0  }
0x2a9: {  	v39 =	vld [tilespmem:s29+$0x0];
	v21 =	vbroadcast v21, $0x0;
	v34 =	vmul.f32 $8.000000000e+00, v34;
	v43 =	vadd.s32 v26, v36  }
0x2aa: {  	v38 =	vld [tilespmem:s31+$0x30];
	v29 =	vadd.s32 v17, v36;
	[tilespmem:v54+s17+$0x0] =	vst.idx.msk $0xffff, v27;
	v31 =	vmul.f32 $8.000000000e+00, v31  }
0x2ab: {  	v44 =	vld [tilespmem:s29+$0xC0];
	v27 =	vadd.s32 $0x7F80, v0;
	v28 =	vmul.f32 $8.000000000e+00, v28;
	v42 =	vadd.s32 v4, v21;
	[tilespmem:v37+s17+$0x0] =	vst.idx.msk $0xffff, v34  }
0x2ac: {  	v45 =	vld [tilespmem:s29+$0x100];
	v58 =	vadd.s32 v27, v36;
	v35 =	vmul.f32 $8.000000000e+00, v35;
	[tilespmem:v55+s17+$0x0] =	vst.idx.msk $0xffff, v31  }
0x2ad: {  	v62 =	vld [tilespmem:s29+$0x140];
	v60 =	vadd.s32 v2, v21;
	v30 =	vmul.f32 $8.000000000e+00, v30;
	[tilespmem:v40+s17+$0x0] =	vst.idx.msk $0xffff, v28  }
0x2ae: {  	v56 =	vld [tilespmem:s29+$0x40];
	v39 =	vmul.f32 $8.000000000e+00, v39;
	v48 =	vadd.s32 v3, v21;
	[tilespmem:v43+s17+$0x0] =	vst.idx.msk $0xffff, v35  }
0x2af: {  	v57 =	vld [tilespmem:s29+$0x80];
	v53 =	vadd.s32 v12, v21;
	v28 =	vmul.f32 $8.000000000e+00, v38;
	[tilespmem:v29+s17+$0x0] =	vst.idx.msk $0xffff, v30  }
0x2b0: {  	v59 =	vld [tilespmem:s29+$0x180];
	v49 =	vmul.f32 $8.000000000e+00, v44;
	v31 =	vadd.s32 v5, v21;
	[tilespmem:v42+s17+$0x0] =	vst.idx.msk $0xffff, v39  }
0x2b1: {  	v54 =	vmul.f32 $8.000000000e+00, v45;
	v29 =	vadd.s32 v9, v21;
	v30 =	vld [tilespmem:s29+$0x1C0];
	[tilespmem:v58+s17+$0x0] =	vst.idx.msk $0xffff, v28  }
0x2b2: {  	v50 =	vld [tilespmem:s31+$0x70];
	[tilespmem:v60+s17+$0x0] =	vst.idx.msk $0xffff, v49;
	v39 =	vmul.f32 $8.000000000e+00, v62  }
0x2b3: {  	v32 =	vmul.f32 $8.000000000e+00, v56;
	v61 =	vadd.s32 v6, v21;
	[tilespmem:v48+s17+$0x0] =	vst.idx.msk $0xffff, v54;
	v42 =	vld [tilespmem:s29+$0x10]  }
0x2b4: {  	v41 =	vld [tilespmem:s31+$0xA0];
	v63 =	vadd.s32 v7, v21;
	v34 =	vmul.f32 $8.000000000e+00, v57;
	[tilespmem:v53+s17+$0x0] =	vst.idx.msk $0xffff, v39  }
0x2b5: {  	v51 =	vadd.s32 v11, v21;
	v28 =	vadd.s32 $0x7F81, v0;
	[tilespmem:v31+s17+$0x0] =	vst.idx.msk $0xffff, v32;
	v31 =	vmul.f32 $8.000000000e+00, v59;
	v59 =	vld [tilespmem:s29+$0x110]  }
0x2b6: {  	v39 =	vld [tilespmem:s31+$0x160];
	[tilespmem:v29+s17+$0x0] =	vst.idx.msk $0xffff, v34;
	v29 =	vmul.f32 $8.000000000e+00, v30;
	v30 =	vadd.s32 v28, v36  }
0x2b7: {  	v35 =	vadd.s32 $0x7705, v0;
	v43 =	vld [tilespmem:s29+$0xD0];
	v57 =	vmul.f32 $8.000000000e+00, v50;
	v50 =	vadd.s32 v10, v21  }
0x2b8: {  	[tilespmem:v61+s17+$0x0] =	vst.idx.msk $0xffff, v31;
	v61 =	vadd.s32 v35, v36;
	v52 =	vld [tilespmem:s29+$0x90];
	v42 =	vmul.f32 $8.000000000e+00, v42  }
0x2b9: {  	v56 =	vld [tilespmem:s29+$0x190];
	[tilespmem:v63+s17+$0x0] =	vst.idx.msk $0xffff, v29;
	v29 =	vadd.s32 v8, v21  }
0x2ba: {  	v55 =	vadd.s32 v20, v21;
	v58 =	vld [tilespmem:s29+$0x1D0];
	[tilespmem:v51+s17+$0x0] =	vst.idx.msk $0xffff, v42;
	v62 =	vmul.f32 $8.000000000e+00, v59  }
0x2bb: {  	v47 =	vadd.s32 v13, v21;
	v46 =	vld [tilespmem:s31+$0x1B0];
	v48 =	vadd.s32 v14, v21;
	v39 =	vmul.f32 $8.000000000e+00, v39;
	[tilespmem:v30+s17+$0x0] =	vst.idx.msk $0xffff, v57  }
0x2bc: {  	v32 =	vadd.s32 $0x7F87, v0;
	v31 =	vadd.s32 $0x7702, v0;
	v43 =	vmul.f32 $8.000000000e+00, v43;
	v42 =	vld [tilespmem:s29+$0x50];
	[tilespmem:v50+s17+$0x0] =	vst.idx.msk $0xffff, v62  }
0x2bd: {  	v34 =	vadd.s32 $0x7F82, v0;
	v44 =	vadd.s32 v31, v36;
	v51 =	vld [tilespmem:s29+$0x150];
	[tilespmem:v61+s17+$0x0] =	vst.idx.msk $0xffff, v39;
	v49 =	vmul.f32 $8.000000000e+00, v52  }
0x2be: {  	v33 =	vadd.s32 v34, v36;
	v40 =	vld [tilespmem:s29+$0x20];
	v60 =	vmul.f32 $8.000000000e+00, v56;
	v52 =	vadd.s32 v16, v21;
	[tilespmem:v29+s17+$0x0] =	vst.idx.msk $0xffff, v43  }
0x2bf: {  	v45 =	vadd.s32 v34, v21;
	v30 =	vadd.s32 $0x7F86, v0;
	[tilespmem:v55+s17+$0x0] =	vst.idx.msk $0xffff, v49;
	v37 =	vmul.f32 $8.000000000e+00, v58;
	v53 =	vld [tilespmem:s29+$0xE0]  }
0x2c0: {  	v63 =	vmul.f32 $8.000000000e+00, v41;
	v41 =	vadd.s32 v32, v36;
	v59 =	vld [tilespmem:s29+$0x120];
	v49 =	vadd.s32 v30, v36;
	[tilespmem:v47+s17+$0x0] =	vst.idx.msk $0xffff, v60  }
0x2c1: {  	v39 =	vadd.s32 v35, v21;
	v56 =	vadd.s32 v15, v21;
	v54 =	vmul.f32 $8.000000000e+00, v42;
	v55 =	vld [tilespmem:s29+$0x1A0];
	[tilespmem:v48+s17+$0x0] =	vst.idx.msk $0xffff, v37  }
0x2c2: {  	[tilespmem:v44+s17+$0x0] =	vst.idx.msk $0xffff, v63;
	v44 =	vadd.s32 v26, v21;
	v29 =	vadd.s32 $0x7F85, v0;
	v58 =	vadd.s32 v23, v21;
	v57 =	vld [tilespmem:s29+$0x1E0]  }
0x2c3: {  	v50 =	vld [tilespmem:s31+$0x1F0];
	v47 =	vmul.f32 $8.000000000e+00, v46;
	v60 =	vmul.f32 $8.000000000e+00, v51;
	[tilespmem:v52+s17+$0x0] =	vst.idx.msk $0xffff, v54;
	v54 =	vadd.s32 v19, v21  }
0x2c4: {  	v51 =	vld [tilespmem:s31+$0x170];
	v48 =	vmul.f32 $8.000000000e+00, v40;
	v52 =	vadd.s32 v18, v21;
	v40 =	vmul.f32 $8.000000000e+00, v53  }
0x2c5: {  	v43 =	vadd.s32 v24, v21;
	v38 =	vadd.s32 v29, v36;
	[tilespmem:v49+s17+$0x0] =	vst.idx.msk $0xffff, v47;
	v53 =	vld [tilespmem:s31+$0xB0]  }
0x2c6: {  	v36 =	vadd.s32 v31, v21;
	v42 =	vadd.s32 v25, v21;
	v47 =	vmul.f32 $8.000000000e+00, v55;
	[tilespmem:v56+s17+$0x0] =	vst.idx.msk $0xffff, v40  }
0x2c7: {  	s2 =	simm.s32 $0xC600;
	s0 =	sadd.s32 $0x3, s28;
	v37 =	vadd.s32 v27, v21;
	[tilespmem:v58+s17+$0x0] =	vst.idx.msk $0xffff, v60;
	v55 =	vmul.f32 $8.000000000e+00, v59;
	v46 =	vmul.f32 $8.000000000e+00, v57;
	v49 =	vld [tilespmem:s29+$0xF0]  }
.LBB2_15:
0x2c8: {  	s30 =	sadd.s32 $0x8, s30;
	[tilespmem:v54+s17+$0x0] =	vst.idx.msk $0xffff, v48;
	v48 =	vld [tilespmem:s29+$0x60];
	v54 =	vadd.s32 v22, v21;
	v40 =	vadd.s32 v30, v21;
	v50 =	vmul.f32 $8.000000000e+00, v50  }
0x2c9: {  	v56 =	vmov s30;
	p0 =	slt.u32 s30, $0x78;
	v57 =	vld [tilespmem:s29+$0x30];
	[tilespmem:v52+s17+$0x0] =	vst.idx.msk $0xffff, v55;
	v52 =	vadd.s32 v17, v21;
	v51 =	vmul.f32 $8.000000000e+00, v51  }
0x2ca: {  	s29 =	sadd.s32 $0x200, s29;
	v55 =	vshrl.u32 v56, $0x3;
	v56 =	vld [tilespmem:s2+$0x130];
	v53 =	vmul.f32 $8.000000000e+00, v53;
	[tilespmem:v41+s17+$0x0] =	vst.idx.msk $0xffff, v50  }
0x2cb: {  	v41 =	vld [tilespmem:s29+$0x0];
	v50 =	vshll.u32 v55, $0x3;
	[tilespmem:v38+s17+$0x0] =	vst.idx.msk $0xffff, v51  }
0x2cc: {  	v50 =	vbroadcast v50, $0x0;
	v51 =	vld [tilespmem:s2+$0xA0];
	v38 =	vmul.f32 $8.000000000e+00, v49;
	[tilespmem:v33+s17+$0x0] =	vst.idx.msk $0xffff, v53;
	v33 =	vmov v45  }
0x2cd: {  	v45 =	vld [tilespmem:s29+$0x40];
	[tilespmem:v43+s17+$0x0] =	vst.idx.msk $0xffff, v47  }
0x2ce: {  	v43 =	vadd.s32 v4, v50;
	v47 =	vadd.s32 v5, v50;
	v49 =	vld [tilespmem:s29+$0x80];
	v53 =	vadd.s32 v9, v50  }
0x2cf: {  	v58 =	vadd.s32 v2, v50;
	v59 =	vadd.s32 v3, v50;
	v55 =	vld [tilespmem:s29+$0xC0];
	[tilespmem:v54+s17+$0x0] =	vst.idx.msk $0xffff, v38;
	v38 =	vmul.f32 $8.000000000e+00, v56  }
0x2d0: {  	v60 =	vadd.s32 v7, v50;
	v56 =	vadd.s32 v6, v50;
	v54 =	vld [tilespmem:s29+$0x180]  }
0x2d1: {  	v41 =	vmul.f32 $8.000000000e+00, v41;
	v61 =	vld [tilespmem:s29+$0x1C0];
	[tilespmem:v52+s17+$0x0] =	vst.idx.msk $0xffff, v38  }
0x2d2: {  	v48 =	vmul.f32 $8.000000000e+00, v48;
	v45 =	vmul.f32 $8.000000000e+00, v45;
	v52 =	vld [tilespmem:s29+$0x100];
	[tilespmem:v42+s17+$0x0] =	vst.idx.msk $0xffff, v46  }
0x2d3: {  	v38 =	vadd.s32 v29, v21;
	[tilespmem:v43+s17+$0x0] =	vst.idx.msk $0xffff, v41;
	v41 =	vmul.f32 $8.000000000e+00, v49;
	v42 =	vld [tilespmem:s29+$0x140];
	v43 =	vmul.f32 $8.000000000e+00, v57  }
0x2d4: {  	v46 =	vld [tilespmem:s29+$0x10];
	v49 =	vmul.f32 $8.000000000e+00, v55;
	[tilespmem:v44+s17+$0x0] =	vst.idx.msk $0xffff, v48  }
0x2d5: {  	v44 =	vadd.s32 v12, v50;
	v48 =	vmul.f32 $8.000000000e+00, v54;
	[tilespmem:v37+s17+$0x0] =	vst.idx.msk $0xffff, v43;
	v37 =	vld [tilespmem:s2+$0x70]  }
0x2d6: {  	[tilespmem:v47+s17+$0x0] =	vst.idx.msk $0xffff, v45;
	v43 =	vmul.f32 $8.000000000e+00, v61;
	v45 =	vadd.s32 v28, v21;
	v47 =	vld [tilespmem:s2+$0x1B0]  }
0x2d7: {  	v54 =	vadd.s32 v11, v50;
	v55 =	vld [tilespmem:s29+$0x50];
	[tilespmem:v53+s17+$0x0] =	vst.idx.msk $0xffff, v41;
	v41 =	vmul.f32 $8.000000000e+00, v52  }
0x2d8: {  	v53 =	vadd.s32 v20, v50;
	v52 =	vld [tilespmem:s29+$0x90];
	[tilespmem:v58+s17+$0x0] =	vst.idx.msk $0xffff, v49;
	v42 =	vmul.f32 $8.000000000e+00, v42  }
0x2d9: {  	v57 =	vadd.s32 v8, v50;
	v46 =	vmul.f32 $8.000000000e+00, v46;
	v49 =	vld [tilespmem:s29+$0xD0];
	[tilespmem:v56+s17+$0x0] =	vst.idx.msk $0xffff, v48  }
0x2da: {  	v56 =	vadd.s32 v13, v50;
	v48 =	vld [tilespmem:s29+$0x190];
	[tilespmem:v60+s17+$0x0] =	vst.idx.msk $0xffff, v43;
	v43 =	vmul.f32 $8.000000000e+00, v37  }
0x2db: {  	[tilespmem:v59+s17+$0x0] =	vst.idx.msk $0xffff, v41;
	v58 =	vld [tilespmem:s29+$0x1D0];
	v59 =	vadd.s32 v14, v50;
	v41 =	vadd.s32 v32, v21  }
0x2dc: {  	v51 =	vmul.f32 $8.000000000e+00, v51;
	v37 =	vadd.s32 v27, v50;
	v21 =	vmov v50;
	[tilespmem:v54+s17+$0x0] =	vst.idx.msk $0xffff, v46;
	v46 =	vld [tilespmem:s29+$0x110]  }
0x2dd: {  	v60 =	vadd.s32 v23, v21;
	v50 =	vld [tilespmem:s29+$0x20];
	v52 =	vmul.f32 $8.000000000e+00, v52;
	[tilespmem:v45+s17+$0x0] =	vst.idx.msk $0xffff, v43  }
0x2de: {  	v45 =	vadd.s32 v10, v21;
	v43 =	vmul.f32 $8.000000000e+00, v49;
	[tilespmem:v44+s17+$0x0] =	vst.idx.msk $0xffff, v42;
	v44 =	vld [tilespmem:s2+$0x160]  }
0x2df: {  	v49 =	vadd.s32 v16, v21;
	[tilespmem:v53+s17+$0x0] =	vst.idx.msk $0xffff, v52;
	v52 =	vld [tilespmem:s29+$0x150];
	v42 =	vmul.f32 $8.000000000e+00, v48  }
0x2e0: {  	v53 =	vadd.s32 v31, v21;
	[tilespmem:v57+s17+$0x0] =	vst.idx.msk $0xffff, v43;
	v54 =	vmul.f32 $8.000000000e+00, v58  }
0x2e1: {  	v58 =	vadd.s32 v15, v21;
	v57 =	vld [tilespmem:s29+$0xE0];
	v46 =	vmul.f32 $8.000000000e+00, v46;
	[tilespmem:v56+s17+$0x0] =	vst.idx.msk $0xffff, v42  }
0x2e2: {  	v43 =	vadd.s32 v24, v21;
	v48 =	vmul.f32 $8.000000000e+00, v50;
	v56 =	vld [tilespmem:s29+$0x1A0];
	[tilespmem:v59+s17+$0x0] =	vst.idx.msk $0xffff, v54  }
0x2e3: {  	v42 =	vadd.s32 v25, v21;
	[tilespmem:v45+s17+$0x0] =	vst.idx.msk $0xffff, v46;
	v46 =	vld [tilespmem:s29+$0x1E0];
	v44 =	vmul.f32 $8.000000000e+00, v44  }
0x2e4: {  	v45 =	vmul.f32 $8.000000000e+00, v55;
	v55 =	vld [tilespmem:s29+$0x120];
	v59 =	vmul.f32 $8.000000000e+00, v52;
	[tilespmem:v36+s17+$0x0] =	vst.idx.msk $0xffff, v51;
	v36 =	vmov v53  }
.Ltmp8:
0x2e5: {  	v54 =	vadd.s32 v19, v21;
	[tilespmem:v39+s17+$0x0] =	vst.idx.msk $0xffff, v44;
	v39 =	vmul.f32 $8.000000000e+00, v47;
	v50 =	vld [tilespmem:s2+$0x1F0];
	(pc) =	sbr.rel @p0 .LBB2_15-.Ltmp8, $4  }
0x2e6: {  	v52 =	vadd.s32 v18, v21;
	[tilespmem:v49+s17+$0x0] =	vst.idx.msk $0xffff, v45;
	v49 =	vmul.f32 $8.000000000e+00, v57;
	v51 =	vld [tilespmem:s2+$0x170]  }
0x2e7: {  	v44 =	vadd.s32 v26, v21;
	v47 =	vmul.f32 $8.000000000e+00, v56;
	v53 =	vld [tilespmem:s2+$0xB0];
	[tilespmem:v40+s17+$0x0] =	vst.idx.msk $0xffff, v39;
	s2 =	smov.u32 s29  }
0x2e8: {  	v45 =	vadd.s32 v34, v21;
	[tilespmem:v58+s17+$0x0] =	vst.idx.msk $0xffff, v49;
	v46 =	vmul.f32 $8.000000000e+00, v46  }
0x2e9: {  	v39 =	vadd.s32 v35, v21;
	v49 =	vld [tilespmem:s29+$0xF0];
	v55 =	vmul.f32 $8.000000000e+00, v55;
	[tilespmem:v60+s17+$0x0] =	vst.idx.msk $0xffff, v59  }
0x2ea: {  	_ =	sdelay $0x2  }
0x2eb: {  	v2 =	vld [tilespmem:s29+$0x60]  }
0x2ec: {  	[tilespmem:v54+s17+$0x0] =	vst.idx.msk $0xffff, v48;
	v3 =	vmul.f32 $8.000000000e+00, v50  }
0x2ed: {  	v5 =	vld [tilespmem:s2+$0x160];
	[tilespmem:v43+s17+$0x0] =	vst.idx.msk $0xffff, v47  }
0x2ee: {  	[tilespmem:v41+s17+$0x0] =	vst.idx.msk $0xffff, v3;
	v3 =	vld [tilespmem:s2+$0xA0]  }
0x2ef: {  	[tilespmem:v52+s17+$0x0] =	vst.idx.msk $0xffff, v55;
	v4 =	vmul.f32 $8.000000000e+00, v51  }
0x2f0: {  	[tilespmem:v42+s17+$0x0] =	vst.idx.msk $0xffff, v46;
	v54 =	vld [tilespmem:s2+$0x130];
	v2 =	vmul.f32 $8.000000000e+00, v2  }
0x2f1: {  	v55 =	vadd.s32 v22, v21;
	v7 =	vld [tilespmem:s29+$0x30];
	v6 =	vmul.f32 $8.000000000e+00, v53;
	[tilespmem:v38+s17+$0x0] =	vst.idx.msk $0xffff, v4  }
0x2f2: {  	v9 =	vld [tilespmem:s2+$0x1B0];
	v5 =	vmul.f32 $8.000000000e+00, v5;
	[tilespmem:v44+s17+$0x0] =	vst.idx.msk $0xffff, v2;
	v2 =	vadd.s32 v17, v21  }
0x2f3: {  	v56 =	vld [tilespmem:s2+$0x1F0];
	[tilespmem:v33+s17+$0x0] =	vst.idx.msk $0xffff, v6;
	v3 =	vmul.f32 $8.000000000e+00, v3  }
0x2f4: {  	v12 =	vadd.s32 v30, v21;
	v10 =	vmul.f32 $8.000000000e+00, v49;
	[tilespmem:v39+s17+$0x0] =	vst.idx.msk $0xffff, v5;
	v8 =	vld [tilespmem:s2+$0x70]  }
0x2f5: {  	v58 =	vadd.s32 v32, v21;
	v4 =	vmul.f32 $8.000000000e+00, v54;
	[tilespmem:v36+s17+$0x0] =	vst.idx.msk $0xffff, v3;
	v3 =	vld [tilespmem:s2+$0x170]  }
0x2f6: {  	v11 =	vadd.s32 v28, v21;
	[tilespmem:v55+s17+$0x0] =	vst.idx.msk $0xffff, v10;
	v57 =	vmul.f32 $8.000000000e+00, v7;
	v59 =	vld [tilespmem:s2+$0xB0]  }
0x2f7: {  	v61 =	vmul.f32 $8.000000000e+00, v9;
	[tilespmem:v2+s17+$0x0] =	vst.idx.msk $0xffff, v4;
	v2 =	vadd.s32 v29, v21  }
0x2f8: {  	v62 =	vmul.f32 $8.000000000e+00, v56;
	[tilespmem:v37+s17+$0x0] =	vst.idx.msk $0xffff, v57  }
0x2f9: {  	[tilespmem:v12+s17+$0x0] =	vst.idx.msk $0xffff, v61;
	v60 =	vmul.f32 $8.000000000e+00, v8  }
0x2fa: {  	s30 =	sshll.u32 s0, $0x7;
	[tilespmem:v58+s17+$0x0] =	vst.idx.msk $0xffff, v62;
	v3 =	vmul.f32 $8.000000000e+00, v3  }
0x2fb: {  	s31 =	sshll.u32 s0, $0xA;
	s2 =	sand.u32 $0xF80, s30;
	[tilespmem:v11+s17+$0x0] =	vst.idx.msk $0xffff, v60;
	v63 =	vmul.f32 $8.000000000e+00, v59  }
0x2fc: {  	s0 =	sand.u32 $0xFFF8000, s31;
	s2 =	sadd.s32 s1, s2;
	[tilespmem:v2+s17+$0x0] =	vst.idx.msk $0xffff, v3  }
0x2fd: {  	s10 =	simm.s32 $0x14A00;
	s2 =	sadd.s32 s0, s2;
	[tilespmem:v45+s17+$0x0] =	vst.idx.msk $0xffff, v63  }
0x2fe: {  	[hbm4b:s2+s3] =	stream.linear.scatter [tilespmem:s10], [sflag:$0x8], $0x80, $0x38;
	[tilespmem:$0x16C00] =	vst v63  }
0x2ff: {  	s11 =	simm.s32 $0x14A88;
	s10 =	sadd.s32 $0x10, s2  }
0x300: {  	[hbm4b:s10+s3] =	stream.linear.scatter [tilespmem:s11], [sflag:$0x8], $0x80, $0x38;
	[tilespmem:$0x16C00] =	vst v63  }
0x301: {  	s28 =	simm.s32 $0x2200;
	s30 =	simm.s32 $0x14B10;
	s31 =	sadd.s32 $0x20, s2  }
0x302: {  	[hbm4b:s31+s3] =	stream.linear.scatter [tilespmem:s30], [sflag:$0x8], $0x80, $0x38;
	[tilespmem:$0x16C00] =	vst v63  }
0x303: {  	s29 =	simm.s32 $0x14DB8;
	s10 =	simm.s32 $0x14B98;
	s11 =	sadd.s32 $0x30, s2  }
0x304: {  	[hbm4b:s11+s3] =	stream.linear.scatter [tilespmem:s10], [sflag:$0x8], $0x80, $0x38;
	[tilespmem:$0x16C00] =	vst v63  }
0x305: {  	s0 =	simm.s32 $0x440;
	s30 =	simm.s32 $0x14C20;
	s31 =	sadd.s32 $0x40, s2  }
0x306: {  	[hbm4b:s31+s3] =	stream.linear.scatter [tilespmem:s30], [sflag:$0x8], $0x80, $0x38;
	[tilespmem:$0x16C00] =	vst v63  }
0x307: {  	s10 =	simm.s32 $0x14CA8;
	s11 =	sadd.s32 $0x50, s2;
	s30 =	simm.s32 $0x14D30  }
0x308: {  	[hbm4b:s11+s3] =	stream.linear.scatter [tilespmem:s10], [sflag:$0x8], $0x80, $0x38;
	[tilespmem:$0x16C00] =	vst v63  }
0x309: {  	s31 =	sadd.s32 $0x60, s2;
	s10 =	sadd.s32 $0x70, s2;
	s2 =	sadd.s32 $0x1000, s2  }
0x30a: {  	[hbm4b:s31+s3] =	stream.linear.scatter [tilespmem:s30], [sflag:$0x8], $0x80, $0x38;
	[tilespmem:$0x16C00] =	vst v63  }
.LBB2_17:
0x30b: {  	[hbm4b:s10+s3] =	stream.linear.scatter [tilespmem:s29], [sflag:$0x8], $0x80, $0x38;
	[tilespmem:$0x16C00] =	vst v63  }
0x30c: {  	s10 =	smov.u32 s0;
	s0 =	smov.u32 s28  }
0x30d: {  	s11 =	sadd.s32 $0x1100, s28;
	s0 =	sshra.s32 s0, $0x2;
	s29 =	sadd.s32 $0x14A00, s10  }
0x30e: {  	[hbm4b:s2+s3] =	stream.linear.scatter [tilespmem:s29], [sflag:$0x8], $0x80, $0x38;
	[tilespmem:$0x16C00] =	vst v63  }
0x30f: {  	p0 =	sne.s32 s28, $0x7700;
	s28 =	sadd.s32 $0x14A88, s10;
	s29 =	sadd.s32 $0x10, s2  }
0x310: {  	[hbm4b:s29+s3] =	stream.linear.scatter [tilespmem:s28], [sflag:$0x8], $0x80, $0x38;
	[tilespmem:$0x16C00] =	vst v63  }
0x311: {  	s28 =	sadd.s32 $0x14B10, s10;
	s29 =	sadd.s32 $0x20, s2  }
0x312: {  	[hbm4b:s29+s3] =	stream.linear.scatter [tilespmem:s28], [sflag:$0x8], $0x80, $0x38;
	[tilespmem:$0x16C00] =	vst v63  }
0x313: {  	s28 =	sadd.s32 $0x14B98, s10;
	s29 =	sadd.s32 $0x30, s2  }
0x314: {  	[hbm4b:s29+s3] =	stream.linear.scatter [tilespmem:s28], [sflag:$0x8], $0x80, $0x38;
	[tilespmem:$0x16C00] =	vst v63  }
0x315: {  	s28 =	sadd.s32 $0x14C20, s10;
	s29 =	sadd.s32 $0x40, s2  }
0x316: {  	[hbm4b:s29+s3] =	stream.linear.scatter [tilespmem:s28], [sflag:$0x8], $0x80, $0x38;
	[tilespmem:$0x16C00] =	vst v63  }
0x317: {  	s28 =	sadd.s32 $0x14CA8, s10;
	s29 =	sadd.s32 $0x50, s2  }
0x318: {  	[hbm4b:s29+s3] =	stream.linear.scatter [tilespmem:s28], [sflag:$0x8], $0x80, $0x38;
	[tilespmem:$0x16C00] =	vst v63  }
.Ltmp9:
0x319: {  	_ = 	snop;
	(pc) =	sbr.rel @p0 .LBB2_17-.Ltmp9, $4  }
0x31a: {  	s28 =	sadd.s32 $0x14D30, s10;
	s29 =	sadd.s32 $0x60, s2  }
0x31b: {  	[hbm4b:s29+s3] =	stream.linear.scatter [tilespmem:s28], [sflag:$0x8], $0x80, $0x38;
	[tilespmem:$0x16C00] =	vst v63  }
0x31c: {  	s29 =	sadd.s32 $0x14DB8, s10  }
0x31d: {  	s10 =	sadd.s32 $0x70, s2;
	s2 =	sadd.s32 $0x1000, s2;
	s28 =	smov.u32 s11  }
0x31e: {  	v36 =	vld [tilespmem:$0x1FCF0]  }
0x31f: {  	v37 =	vld [tilespmem:$0x1FD00]  }
0x320: {  	v51 =	vld [tilespmem:$0x1FD10]  }
0x321: {  	v52 =	vld [tilespmem:$0x1FD20]  }
0x322: {  	v53 =	vld [tilespmem:$0x1FD30]  }
0x323: {  	v46 =	vld [tilespmem:$0x1FD40]  }
0x324: {  	v54 =	vld [tilespmem:$0x1FD50]  }
0x325: {  	v42 =	vld [tilespmem:$0x1FD60]  }
0x326: {  	[hbm4b:s10+s3] =	stream.linear.scatter [tilespmem:s29], [sflag:$0x8], $0x80, $0x38;
	v44 =	vld [tilespmem:$0x1FD70]  }
0x327: {  	s30 =	sadd.s32 $0x14A00, s0;
	v39 =	vld [tilespmem:$0x1FD80]  }
0x328: {  	v47 =	vld [tilespmem:$0x1FDA0];
	[hbm4b:s2+s3] =	stream.linear.scatter [tilespmem:s30], [sflag:$0x8], $0x80, $0x38  }
0x329: {  	s31 =	sadd.s32 $0x14A88, s0;
	s11 =	sadd.s32 $0x10, s2;
	v50 =	vld [tilespmem:$0x1FDB0]  }
0x32a: {  	v49 =	vld [tilespmem:$0x1FDC0];
	[hbm4b:s11+s3] =	stream.linear.scatter [tilespmem:s31], [sflag:$0x8], $0x80, $0x38  }
0x32b: {  	s28 =	sadd.s32 $0x14B10, s0;
	s29 =	sadd.s32 $0x20, s2;
	v48 =	vld [tilespmem:$0x1FDE0]  }
0x32c: {  	v38 =	vld [tilespmem:$0x1FDF0];
	[hbm4b:s29+s3] =	stream.linear.scatter [tilespmem:s28], [sflag:$0x8], $0x80, $0x38  }
0x32d: {  	v41 =	vld [tilespmem:$0x1FE00];
	s30 =	sadd.s32 $0x14B98, s0;
	s31 =	sadd.s32 $0x30, s2  }
0x32e: {  	v55 =	vld [tilespmem:$0x1FE20];
	[hbm4b:s31+s3] =	stream.linear.scatter [tilespmem:s30], [sflag:$0x8], $0x80, $0x38  }
0x32f: {  	v56 =	vld [tilespmem:$0x1FE30];
	s28 =	sadd.s32 $0x14C20, s0;
	s29 =	sadd.s32 $0x40, s2  }
0x330: {  	v57 =	vld [tilespmem:$0x1FE40];
	[hbm4b:s29+s3] =	stream.linear.scatter [tilespmem:s28], [sflag:$0x8], $0x80, $0x38  }
0x331: {  	v58 =	vld [tilespmem:$0x1FE50];
	s30 =	sadd.s32 $0x14CA8, s0;
	s31 =	sadd.s32 $0x50, s2  }
0x332: {  	v59 =	vld [tilespmem:$0x1FE60];
	[hbm4b:s31+s3] =	stream.linear.scatter [tilespmem:s30], [sflag:$0x8], $0x80, $0x38  }
.Ltmp10:
0x333: {  	v60 =	vld [tilespmem:$0x1FE70];
	(pc) =	sbr.rel @p1 .LBB2_20-.Ltmp10, $4  }
0x334: {  	v61 =	vld [tilespmem:$0x1FE80];
	s28 =	sadd.s32 $0x14D30, s0;
	s29 =	sadd.s32 $0x60, s2  }
0x335: {  	v15 =	vld [tilespmem:$0x1FEA0];
	[hbm4b:s29+s3] =	stream.linear.scatter [tilespmem:s28], [sflag:$0x8], $0x80, $0x38  }
0x336: {  	v62 =	vld [tilespmem:$0x1FEB0];
	s30 =	sadd.s32 $0x14DB8, s0;
	s31 =	sadd.s32 $0x70, s2  }
0x337: {  	v63 =	vld [tilespmem:$0x1FEC0];
	[hbm4b:s31+s3] =	stream.linear.scatter [tilespmem:s30], [sflag:$0x8], $0x80, $0x38  }
.Ltmp11:
0x338: {  	(pc) =	sbr.rel .LBB2_2-.Ltmp11, $4  }
0x339: {  	s0 =	sshll.u32 s26, $0x9  }
0x33a: {  	s0 =	sand.u32 $0x3FFFFE00, s0  }
0x33b: {  	s26 =	sadd.s32 $0x1, s26;
	s0 =	sadd.s32 $0x380, s0  }
0x33c: {  	[tilespmem:s15], [sflag:$0x4] =	stream.indirect.gather [hbm4b:s4+s9], $0x40, s0, s9, $0xb8;
	[tilespmem:$0x16C00] =	vst v63  }
.LBB2_21:
0x33d: {  	_ =	sfence.sel $0x180000  }
0x33e: {  	[bflag:$0x0] =	sbarrier.arrive $0xFFFF  }
0x33f: {  	_ =	strace $0x90000047  }
0x340: {  	s0 =	stileid.u32;
	[bflag:$0x2] =	sbarrier.arrive $0xFFFF  }
0x341: {  	p0 =	sne.s32 s0, $0x0;
	s0 =	rddreg [dreg:$0x3]  }
0x342: {  	s0 =	sadd.s32 @!p0 $0x100000, s0  }
0x343: {  	[sflag:s0] =	ssyncadd.tile.s32 @!p0 $0x1;
	_ =	shalt  }
.Lfunc_end2:
_tile_overlayer_lowered:
.L_overlay_start_2:
0x344: {  	(tag) =	ssettag $0x2  }
0x345: {  	s0 =	rddreg [dreg:$0x0];
	s2 =	stileid.u32  }
0x346: {  	s1 =	rddreg [dreg:$0x1];
	p0 =	sne.s32 s2, $0x0  }
0x347: {  	s3 =	rddreg [dreg:$0x2];
	[bflag:$0x3] =	sbarrier.arrive $0xFFFF;
	s2 =	simm.s32 @!p0 $0x1C09  }
0x348: {  	[timem:s3], [sflag:s2] =	dma.local @!p0 [hbm:s0], s1  }
0x349: {  	s0 =	simm.s32 @!p0 $0x9  }
0x34a: {  	_ =	swait.ge @!p0 [sflag:s0], s1  }
0x34b: {  	s1 =	ssub.s32 @!p0 $0x0, s1;
	[sflag:s0] =	ssyncset.done @!p0 $0x0  }
0x34c: {  	[sflag:s0] =	ssyncadd.s32 @!p0 s1  }
0x34d: {  	[bflag:$0x3] =	sbarrier.arrive $0xFFFF  }
0x34e: {  	_ =	shalt  }

</sc_bundles>
